<compile_context>
chip_gen: v7x
topology: tpu7x:2x2x1
jax: 0.10.2.dev20260603
libtpu: 0.0.44.dev20260713+nightly
codegen_flags: <defaults>
</compile_context>

<pallas_src>
import functools

import jax
import jax.numpy as jnp
from jax import lax
from jax.experimental import pallas as pl
from jax.experimental.pallas import tpu as pltpu, tpu_sc as plsc

_EMB = 1000
_BATCH = 16384
_NC = 2
_NS = 16
_NW = _NC * _NS
_JT = _EMB // 8
_IT = _BATCH // 128
_TILES_PER_W = _IT // _NW
_COLS_PER_W = _BATCH // _NW
_BANDS = (42, 42, 41)
_J0 = (0, 42, 84)

_mesh = plsc.VectorSubcoreMesh(core_axis_name="c", subcore_axis_name="s")


def _one_hot_body(labels_hbm, out_hbm, lab_v, b0, b1, b2, s0, s1, s2):
    bufs = (b0, b1, b2)
    sems = (s0, s1, s2)
    wid = lax.axis_index("s") * _NC + lax.axis_index("c")
    col0 = wid * _COLS_PER_W
    i_base = wid * _TILES_PER_W

    lab_cp = pltpu.make_async_copy(
        labels_hbm.at[pl.ds(col0, _COLS_PER_W)], lab_v, s0
    )
    lab_cp.start()

    zeros = jnp.zeros((16,), jnp.float32)
    ones = jnp.ones((16,), jnp.float32)
    zeros_i = jnp.zeros((16,), jnp.int32)
    iota16 = lax.broadcasted_iota(jnp.int32, (16,), 0)

    def _zero_buf(buf, nj):
        def _row(j, carry):
            for jr in range(8):
                for jj in range(8):
                    buf[j, 0, jr, pl.ds(jj * 16, 16)] = zeros
            return carry

        lax.fori_loop(0, nj, _row, None)

    def _scatter(b, c, vals):
        lo = _J0[b] * 8
        hi = lo + _BANDS[b] * 8
        buf = bufs[b]

        def _grp(g, carry):
            lab16 = lab_v[pl.ds(c * 128 + g * 16, 16)]
            rel = lab16 - lo
            mask = (lab16 >= lo) & (lab16 < hi)
            plsc.store_scatter(
                buf,
                [rel >> 3, zeros_i, rel & 7, g * 16 + iota16],
                vals,
                mask=mask,
            )
            return carry

        lax.fori_loop(0, 128 // 16, _grp, None)

    def _dma(b, c):
        return pltpu.make_async_copy(
            bufs[b],
            out_hbm.at[pl.ds(_J0[b], _BANDS[b]), pl.ds(i_base + c, 1)],
            sems[b],
        )

    _zero_buf(bufs[0], _BANDS[0])
    lab_cp.wait()
    _scatter(0, 0, ones)
    _dma(0, 0).start()
    for b in (1, 2):
        _zero_buf(bufs[b], _BANDS[b])
        _scatter(b, 0, ones)
        _dma(b, 0).start()

    def _tile(c, carry):
        for b in range(3):
            _dma(b, c).wait()
            _scatter(b, c - 1, zeros)
            _scatter(b, c, ones)
            _dma(b, c).start()
        return carry

    lax.fori_loop(1, _TILES_PER_W, _tile, None)

    for b in range(3):
        _dma(b, 0).wait()


_one_hot_sc = functools.partial(
    pl.kernel,
    out_type=jax.ShapeDtypeStruct((_JT, _IT, 8, 128), jnp.float32),
    mesh=_mesh,
    compiler_params=pltpu.CompilerParams(needs_layout_passes=False),
    scratch_types=[
        pltpu.VMEM((_COLS_PER_W,), jnp.int32),
        pltpu.VMEM((_BANDS[0], 1, 8, 128), jnp.float32),
        pltpu.VMEM((_BANDS[1], 1, 8, 128), jnp.float32),
        pltpu.VMEM((_BANDS[2], 1, 8, 128), jnp.float32),
        pltpu.SemaphoreType.DMA,
        pltpu.SemaphoreType.DMA,
        pltpu.SemaphoreType.DMA,
    ],
)(_one_hot_body)


def kernel(labels):
    tiles = _one_hot_sc(labels)
    return tiles.transpose((1, 3, 0, 2)).reshape(_BATCH, _EMB)

# --- scband reference (transcript-rebuilt; emitter-appended) ---
"""Pipeline reference for scband-ideal-one-hot-model-11544872092063 (READ-ONLY COPY).

The authoritative reference and input builder live on the scoring server;
editing this copy changes nothing except your own understanding.
"""

import jax, jax.numpy as jnp
import numpy as np

EMB_DIM = 1000
SHIFT = 0
BATCH = 16384


def setup_inputs(seed: int = 0) -> dict:
    key = jax.random.key(seed)
    labels = jax.random.randint(key, (BATCH,), 0, EMB_DIM, dtype=jnp.int32)
    return {"labels": labels}


def reference(labels):
    # Faithful translation of IdealOneHotModel.forward:
    # torch.stack([one_hot(label + shift, emb_dim) for label in labels])
    # is a vectorized one-hot over the batch dimension.
    shifted = labels + SHIFT
    # one_hot is a pure scatter/gather-style op: out[i, shifted[i]] = 1.0
    embeddings = jax.nn.one_hot(shifted, EMB_DIM, dtype=jnp.float32)
    return embeddings

if __name__ == "__main__":
    import jax
    _d = setup_inputs()
    print(jax.jit(kernel)(*tuple(_d.values())))

</pallas_src>

<mosaic_0001>
#map = affine_map<(d0, d1) -> (0)>
#map1 = affine_map<(d0, d1) -> (0, 0, 0, 0)>
module attributes {stable_mosaic.version = 14 : i64} {
  func.func @_one_hot_body(%arg0: i32, %arg1: i32, %arg2: memref<16384xi32, #tpu.memory_space<hbm>>, %arg3: memref<125x128x8x128xf32, #tpu.memory_space<hbm>>, %arg4: memref<512xi32, #tpu.memory_space<vmem>>, %arg5: memref<42x1x8x128xf32, #tpu.memory_space<vmem>>, %arg6: memref<42x1x8x128xf32, #tpu.memory_space<vmem>>, %arg7: memref<41x1x8x128xf32, #tpu.memory_space<vmem>>, %arg8: memref<!tpu.dma_semaphore, #tpu.memory_space<semaphore_mem>>, %arg9: memref<!tpu.dma_semaphore, #tpu.memory_space<semaphore_mem>>, %arg10: memref<!tpu.dma_semaphore, #tpu.memory_space<semaphore_mem>>) attributes {dimension_semantics = [#tpu.dimension_semantics<core_parallel>, #tpu.dimension_semantics<subcore_parallel>], iteration_bounds = array<i64: 2, 16>, scalar_prefetch = 0 : i64, scratch_operands = 7 : i64, tpu.core_type = #tpu.core_type<sc_vector_subcore>, window_params = [{transform_indices = #map}, {transform_indices = #map1}]} {
    %mul3A = arith.constant 2 : i32
    %mul3A_0 = arith.muli %arg1, %mul3A : i32
    %add3A = arith.addi %mul3A_0, %arg0 : i32
    %mul3A_1 = arith.constant 512 : i32
    %mul3A_2 = arith.muli %add3A, %mul3A_1 : i32
    %mul3A_3 = arith.constant 4 : i32
    %mul3A_4 = arith.muli %add3A, %mul3A_3 : i32
    %dma_start3A = tpu.memref_slice %arg2[%mul3A_2] : memref<16384xi32, #tpu.memory_space<hbm>> -> memref<512xi32, #tpu.memory_space<hbm>>
    %dma_start3A_5 = tpu.memref_slice %arg2[%mul3A_2] : memref<16384xi32, #tpu.memory_space<hbm>> -> memref<512xi32, #tpu.memory_space<hbm>>
    tpu.enqueue_dma source(%dma_start3A_5 : memref<512xi32, #tpu.memory_space<hbm>>) target(%arg4 : memref<512xi32, #tpu.memory_space<vmem>>) target_semaphore(%arg8 : memref<!tpu.dma_semaphore, #tpu.memory_space<semaphore_mem>>)
    %broadcast_in_dim3A = arith.constant 0.000000e+00 : f32
    %broadcast_in_dim3A_6 = vector.broadcast %broadcast_in_dim3A : f32 to vector<16xf32>
    %broadcast_in_dim3A_7 = arith.constant 1.000000e+00 : f32
    %broadcast_in_dim3A_8 = vector.broadcast %broadcast_in_dim3A_7 : f32 to vector<16xf32>
    %broadcast_in_dim3A_9 = arith.constant 0 : i32
    %broadcast_in_dim3A_10 = vector.broadcast %broadcast_in_dim3A_9 : i32 to vector<16xi32>
    %iota3A = tpu.iota {dimensions = array<i32: 0>} : vector<16xi32>
    %scan3A = arith.constant 0 : i32
    %scan3A_11 = arith.constant 42 : i32
    %scan3A_12 = arith.addi %scan3A, %scan3A_11 : i32
    %scan3A_13 = arith.constant 1 : i32
    scf.for %scan3A_106 = %scan3A to %scan3A_12 step %scan3A_13  : i32 {
      %swap3A = arith.constant 0 : i32
      %swap3A_107 = arith.constant 0 : i32
      %swap3A_108 = arith.index_cast %scan3A_106 : i32 to index
      %swap3A_109 = arith.index_cast %swap3A : i32 to index
      %swap3A_110 = arith.index_cast %swap3A_107 : i32 to index
      %swap3A_111 = arith.constant 0 : index
      %swap3A_112 = tpu.vector_load %arg5[%swap3A_108, %swap3A_109, %swap3A_110, %swap3A_111] {strides = array<i32>} : memref<42x1x8x128xf32, #tpu.memory_space<vmem>>, vector<16xf32>,
      tpu.vector_store %arg5[%swap3A_108, %swap3A_109, %swap3A_110, %swap3A_111], %broadcast_in_dim3A_6 {strides = array<i32>} : memref<42x1x8x128xf32, #tpu.memory_space<vmem>>, vector<16xf32>,
      %swap3A_113 = arith.constant 0 : i32
      %swap3A_114 = arith.constant 0 : i32
      %swap3A_115 = arith.index_cast %scan3A_106 : i32 to index
      %swap3A_116 = arith.index_cast %swap3A_113 : i32 to index
      %swap3A_117 = arith.index_cast %swap3A_114 : i32 to index
      %swap3A_118 = arith.constant 16 : index
      %swap3A_119 = tpu.vector_load %arg5[%swap3A_115, %swap3A_116, %swap3A_117, %swap3A_118] {strides = array<i32>} : memref<42x1x8x128xf32, #tpu.memory_space<vmem>>, vector<16xf32>,
      tpu.vector_store %arg5[%swap3A_115, %swap3A_116, %swap3A_117, %swap3A_118], %broadcast_in_dim3A_6 {strides = array<i32>} : memref<42x1x8x128xf32, #tpu.memory_space<vmem>>, vector<16xf32>,
      %swap3A_120 = arith.constant 0 : i32
      %swap3A_121 = arith.constant 0 : i32
      %swap3A_122 = arith.index_cast %scan3A_106 : i32 to index
      %swap3A_123 = arith.index_cast %swap3A_120 : i32 to index
      %swap3A_124 = arith.index_cast %swap3A_121 : i32 to index
      %swap3A_125 = arith.constant 32 : index
      %swap3A_126 = tpu.vector_load %arg5[%swap3A_122, %swap3A_123, %swap3A_124, %swap3A_125] {strides = array<i32>} : memref<42x1x8x128xf32, #tpu.memory_space<vmem>>, vector<16xf32>,
      tpu.vector_store %arg5[%swap3A_122, %swap3A_123, %swap3A_124, %swap3A_125], %broadcast_in_dim3A_6 {strides = array<i32>} : memref<42x1x8x128xf32, #tpu.memory_space<vmem>>, vector<16xf32>,
      %swap3A_127 = arith.constant 0 : i32
      %swap3A_128 = arith.constant 0 : i32
      %swap3A_129 = arith.index_cast %scan3A_106 : i32 to index
      %swap3A_130 = arith.index_cast %swap3A_127 : i32 to index
      %swap3A_131 = arith.index_cast %swap3A_128 : i32 to index
      %swap3A_132 = arith.constant 48 : index
      %swap3A_133 = tpu.vector_load %arg5[%swap3A_129, %swap3A_130, %swap3A_131, %swap3A_132] {strides = array<i32>} : memref<42x1x8x128xf32, #tpu.memory_space<vmem>>, vector<16xf32>,
      tpu.vector_store %arg5[%swap3A_129, %swap3A_130, %swap3A_131, %swap3A_132], %broadcast_in_dim3A_6 {strides = array<i32>} : memref<42x1x8x128xf32, #tpu.memory_space<vmem>>, vector<16xf32>,
      %swap3A_134 = arith.constant 0 : i32
      %swap3A_135 = arith.constant 0 : i32
      %swap3A_136 = arith.index_cast %scan3A_106 : i32 to index
      %swap3A_137 = arith.index_cast %swap3A_134 : i32 to index
      %swap3A_138 = arith.index_cast %swap3A_135 : i32 to index
      %swap3A_139 = arith.constant 64 : index
      %swap3A_140 = tpu.vector_load %arg5[%swap3A_136, %swap3A_137, %swap3A_138, %swap3A_139] {strides = array<i32>} : memref<42x1x8x128xf32, #tpu.memory_space<vmem>>, vector<16xf32>,
      tpu.vector_store %arg5[%swap3A_136, %swap3A_137, %swap3A_138, %swap3A_139], %broadcast_in_dim3A_6 {strides = array<i32>} : memref<42x1x8x128xf32, #tpu.memory_space<vmem>>, vector<16xf32>,
      %swap3A_141 = arith.constant 0 : i32
      %swap3A_142 = arith.constant 0 : i32
      %swap3A_143 = arith.index_cast %scan3A_106 : i32 to index
      %swap3A_144 = arith.index_cast %swap3A_141 : i32 to index
      %swap3A_145 = arith.index_cast %swap3A_142 : i32 to index
      %swap3A_146 = arith.constant 80 : index
      %swap3A_147 = tpu.vector_load %arg5[%swap3A_143, %swap3A_144, %swap3A_145, %swap3A_146] {strides = array<i32>} : memref<42x1x8x128xf32, #tpu.memory_space<vmem>>, vector<16xf32>,
      tpu.vector_store %arg5[%swap3A_143, %swap3A_144, %swap3A_145, %swap3A_146], %broadcast_in_dim3A_6 {strides = array<i32>} : memref<42x1x8x128xf32, #tpu.memory_space<vmem>>, vector<16xf32>,
      %swap3A_148 = arith.constant 0 : i32
      %swap3A_149 = arith.constant 0 : i32
      %swap3A_150 = arith.index_cast %scan3A_106 : i32 to index
      %swap3A_151 = arith.index_cast %swap3A_148 : i32 to index
      %swap3A_152 = arith.index_cast %swap3A_149 : i32 to index
      %swap3A_153 = arith.constant 96 : index
      %swap3A_154 = tpu.vector_load %arg5[%swap3A_150, %swap3A_151, %swap3A_152, %swap3A_153] {strides = array<i32>} : memref<42x1x8x128xf32, #tpu.memory_space<vmem>>, vector<16xf32>,
      tpu.vector_store %arg5[%swap3A_150, %swap3A_151, %swap3A_152, %swap3A_153], %broadcast_in_dim3A_6 {strides = array<i32>} : memref<42x1x8x128xf32, #tpu.memory_space<vmem>>, vector<16xf32>,
      %swap3A_155 = arith.constant 0 : i32
      %swap3A_156 = arith.constant 0 : i32
      %swap3A_157 = arith.index_cast %scan3A_106 : i32 to index
      %swap3A_158 = arith.index_cast %swap3A_155 : i32 to index
      %swap3A_159 = arith.index_cast %swap3A_156 : i32 to index
      %swap3A_160 = arith.constant 112 : index
      %swap3A_161 = tpu.vector_load %arg5[%swap3A_157, %swap3A_158, %swap3A_159, %swap3A_160] {strides = array<i32>} : memref<42x1x8x128xf32, #tpu.memory_space<vmem>>, vector<16xf32>,
      tpu.vector_store %arg5[%swap3A_157, %swap3A_158, %swap3A_159, %swap3A_160], %broadcast_in_dim3A_6 {strides = array<i32>} : memref<42x1x8x128xf32, #tpu.memory_space<vmem>>, vector<16xf32>,
      %swap3A_162 = arith.constant 0 : i32
      %swap3A_163 = arith.constant 1 : i32
      %swap3A_164 = arith.index_cast %scan3A_106 : i32 to index
      %swap3A_165 = arith.index_cast %swap3A_162 : i32 to index
      %swap3A_166 = arith.index_cast %swap3A_163 : i32 to index
      %swap3A_167 = arith.constant 0 : index
      %swap3A_168 = tpu.vector_load %arg5[%swap3A_164, %swap3A_165, %swap3A_166, %swap3A_167] {strides = array<i32>} : memref<42x1x8x128xf32, #tpu.memory_space<vmem>>, vector<16xf32>,
      tpu.vector_store %arg5[%swap3A_164, %swap3A_165, %swap3A_166, %swap3A_167], %broadcast_in_dim3A_6 {strides = array<i32>} : memref<42x1x8x128xf32, #tpu.memory_space<vmem>>, vector<16xf32>,
      %swap3A_169 = arith.constant 0 : i32
      %swap3A_170 = arith.constant 1 : i32
      %swap3A_171 = arith.index_cast %scan3A_106 : i32 to index
      %swap3A_172 = arith.index_cast %swap3A_169 : i32 to index
      %swap3A_173 = arith.index_cast %swap3A_170 : i32 to index
      %swap3A_174 = arith.constant 16 : index
      %swap3A_175 = tpu.vector_load %arg5[%swap3A_171, %swap3A_172, %swap3A_173, %swap3A_174] {strides = array<i32>} : memref<42x1x8x128xf32, #tpu.memory_space<vmem>>, vector<16xf32>,
      tpu.vector_store %arg5[%swap3A_171, %swap3A_172, %swap3A_173, %swap3A_174], %broadcast_in_dim3A_6 {strides = array<i32>} : memref<42x1x8x128xf32, #tpu.memory_space<vmem>>, vector<16xf32>,
      %swap3A_176 = arith.constant 0 : i32
      %swap3A_177 = arith.constant 1 : i32
      %swap3A_178 = arith.index_cast %scan3A_106 : i32 to index
      %swap3A_179 = arith.index_cast %swap3A_176 : i32 to index
      %swap3A_180 = arith.index_cast %swap3A_177 : i32 to index
      %swap3A_181 = arith.constant 32 : index
      %swap3A_182 = tpu.vector_load %arg5[%swap3A_178, %swap3A_179, %swap3A_180, %swap3A_181] {strides = array<i32>} : memref<42x1x8x128xf32, #tpu.memory_space<vmem>>, vector<16xf32>,
      tpu.vector_store %arg5[%swap3A_178, %swap3A_179, %swap3A_180, %swap3A_181], %broadcast_in_dim3A_6 {strides = array<i32>} : memref<42x1x8x128xf32, #tpu.memory_space<vmem>>, vector<16xf32>,
      %swap3A_183 = arith.constant 0 : i32
      %swap3A_184 = arith.constant 1 : i32
      %swap3A_185 = arith.index_cast %scan3A_106 : i32 to index
      %swap3A_186 = arith.index_cast %swap3A_183 : i32 to index
      %swap3A_187 = arith.index_cast %swap3A_184 : i32 to index
      %swap3A_188 = arith.constant 48 : index
      %swap3A_189 = tpu.vector_load %arg5[%swap3A_185, %swap3A_186, %swap3A_187, %swap3A_188] {strides = array<i32>} : memref<42x1x8x128xf32, #tpu.memory_space<vmem>>, vector<16xf32>,
      tpu.vector_store %arg5[%swap3A_185, %swap3A_186, %swap3A_187, %swap3A_188], %broadcast_in_dim3A_6 {strides = array<i32>} : memref<42x1x8x128xf32, #tpu.memory_space<vmem>>, vector<16xf32>,
      %swap3A_190 = arith.constant 0 : i32
      %swap3A_191 = arith.constant 1 : i32
      %swap3A_192 = arith.index_cast %scan3A_106 : i32 to index
      %swap3A_193 = arith.index_cast %swap3A_190 : i32 to index
      %swap3A_194 = arith.index_cast %swap3A_191 : i32 to index
      %swap3A_195 = arith.constant 64 : index
      %swap3A_196 = tpu.vector_load %arg5[%swap3A_192, %swap3A_193, %swap3A_194, %swap3A_195] {strides = array<i32>} : memref<42x1x8x128xf32, #tpu.memory_space<vmem>>, vector<16xf32>,
      tpu.vector_store %arg5[%swap3A_192, %swap3A_193, %swap3A_194, %swap3A_195], %broadcast_in_dim3A_6 {strides = array<i32>} : memref<42x1x8x128xf32, #tpu.memory_space<vmem>>, vector<16xf32>,
      %swap3A_197 = arith.constant 0 : i32
      %swap3A_198 = arith.constant 1 : i32
      %swap3A_199 = arith.index_cast %scan3A_106 : i32 to index
      %swap3A_200 = arith.index_cast %swap3A_197 : i32 to index
      %swap3A_201 = arith.index_cast %swap3A_198 : i32 to index
      %swap3A_202 = arith.constant 80 : index
      %swap3A_203 = tpu.vector_load %arg5[%swap3A_199, %swap3A_200, %swap3A_201, %swap3A_202] {strides = array<i32>} : memref<42x1x8x128xf32, #tpu.memory_space<vmem>>, vector<16xf32>,
      tpu.vector_store %arg5[%swap3A_199, %swap3A_200, %swap3A_201, %swap3A_202], %broadcast_in_dim3A_6 {strides = array<i32>} : memref<42x1x8x128xf32, #tpu.memory_space<vmem>>, vector<16xf32>,
      %swap3A_204 = arith.constant 0 : i32
      %swap3A_205 = arith.constant 1 : i32
      %swap3A_206 = arith.index_cast %scan3A_106 : i32 to index
      %swap3A_207 = arith.index_cast %swap3A_204 : i32 to index
      %swap3A_208 = arith.index_cast %swap3A_205 : i32 to index
      %swap3A_209 = arith.constant 96 : index
      %swap3A_210 = tpu.vector_load %arg5[%swap3A_206, %swap3A_207, %swap3A_208, %swap3A_209] {strides = array<i32>} : memref<42x1x8x128xf32, #tpu.memory_space<vmem>>, vector<16xf32>,
      tpu.vector_store %arg5[%swap3A_206, %swap3A_207, %swap3A_208, %swap3A_209], %broadcast_in_dim3A_6 {strides = array<i32>} : memref<42x1x8x128xf32, #tpu.memory_space<vmem>>, vector<16xf32>,
      %swap3A_211 = arith.constant 0 : i32
      %swap3A_212 = arith.constant 1 : i32
      %swap3A_213 = arith.index_cast %scan3A_106 : i32 to index
      %swap3A_214 = arith.index_cast %swap3A_211 : i32 to index
      %swap3A_215 = arith.index_cast %swap3A_212 : i32 to index
      %swap3A_216 = arith.constant 112 : index
      %swap3A_217 = tpu.vector_load %arg5[%swap3A_213, %swap3A_214, %swap3A_215, %swap3A_216] {strides = array<i32>} : memref<42x1x8x128xf32, #tpu.memory_space<vmem>>, vector<16xf32>,
      tpu.vector_store %arg5[%swap3A_213, %swap3A_214, %swap3A_215, %swap3A_216], %broadcast_in_dim3A_6 {strides = array<i32>} : memref<42x1x8x128xf32, #tpu.memory_space<vmem>>, vector<16xf32>,
      %swap3A_218 = arith.constant 0 : i32
      %swap3A_219 = arith.constant 2 : i32
      %swap3A_220 = arith.index_cast %scan3A_106 : i32 to index
      %swap3A_221 = arith.index_cast %swap3A_218 : i32 to index
      %swap3A_222 = arith.index_cast %swap3A_219 : i32 to index
      %swap3A_223 = arith.constant 0 : index
      %swap3A_224 = tpu.vector_load %arg5[%swap3A_220, %swap3A_221, %swap3A_222, %swap3A_223] {strides = array<i32>} : memref<42x1x8x128xf32, #tpu.memory_space<vmem>>, vector<16xf32>,
      tpu.vector_store %arg5[%swap3A_220, %swap3A_221, %swap3A_222, %swap3A_223], %broadcast_in_dim3A_6 {strides = array<i32>} : memref<42x1x8x128xf32, #tpu.memory_space<vmem>>, vector<16xf32>,
      %swap3A_225 = arith.constant 0 : i32
      %swap3A_226 = arith.constant 2 : i32
      %swap3A_227 = arith.index_cast %scan3A_106 : i32 to index
      %swap3A_228 = arith.index_cast %swap3A_225 : i32 to index
      %swap3A_229 = arith.index_cast %swap3A_226 : i32 to index
      %swap3A_230 = arith.constant 16 : index
      %swap3A_231 = tpu.vector_load %arg5[%swap3A_227, %swap3A_228, %swap3A_229, %swap3A_230] {strides = array<i32>} : memref<42x1x8x128xf32, #tpu.memory_space<vmem>>, vector<16xf32>,
      tpu.vector_store %arg5[%swap3A_227, %swap3A_228, %swap3A_229, %swap3A_230], %broadcast_in_dim3A_6 {strides = array<i32>} : memref<42x1x8x128xf32, #tpu.memory_space<vmem>>, vector<16xf32>,
      %swap3A_232 = arith.constant 0 : i32
      %swap3A_233 = arith.constant 2 : i32
      %swap3A_234 = arith.index_cast %scan3A_106 : i32 to index
      %swap3A_235 = arith.index_cast %swap3A_232 : i32 to index
      %swap3A_236 = arith.index_cast %swap3A_233 : i32 to index
      %swap3A_237 = arith.constant 32 : index
      %swap3A_238 = tpu.vector_load %arg5[%swap3A_234, %swap3A_235, %swap3A_236, %swap3A_237] {strides = array<i32>} : memref<42x1x8x128xf32, #tpu.memory_space<vmem>>, vector<16xf32>,
      tpu.vector_store %arg5[%swap3A_234, %swap3A_235, %swap3A_236, %swap3A_237], %broadcast_in_dim3A_6 {strides = array<i32>} : memref<42x1x8x128xf32, #tpu.memory_space<vmem>>, vector<16xf32>,
      %swap3A_239 = arith.constant 0 : i32
      %swap3A_240 = arith.constant 2 : i32
      %swap3A_241 = arith.index_cast %scan3A_106 : i32 to index
      %swap3A_242 = arith.index_cast %swap3A_239 : i32 to index
      %swap3A_243 = arith.index_cast %swap3A_240 : i32 to index
      %swap3A_244 = arith.constant 48 : index
      %swap3A_245 = tpu.vector_load %arg5[%swap3A_241, %swap3A_242, %swap3A_243, %swap3A_244] {strides = array<i32>} : memref<42x1x8x128xf32, #tpu.memory_space<vmem>>, vector<16xf32>,
      tpu.vector_store %arg5[%swap3A_241, %swap3A_242, %swap3A_243, %swap3A_244], %broadcast_in_dim3A_6 {strides = array<i32>} : memref<42x1x8x128xf32, #tpu.memory_space<vmem>>, vector<16xf32>,
      %swap3A_246 = arith.constant 0 : i32
      %swap3A_247 = arith.constant 2 : i32
      %swap3A_248 = arith.index_cast %scan3A_106 : i32 to index
      %swap3A_249 = arith.index_cast %swap3A_246 : i32 to index
      %swap3A_250 = arith.index_cast %swap3A_247 : i32 to index
      %swap3A_251 = arith.constant 64 : index
      %swap3A_252 = tpu.vector_load %arg5[%swap3A_248, %swap3A_249, %swap3A_250, %swap3A_251] {strides = array<i32>} : memref<42x1x8x128xf32, #tpu.memory_space<vmem>>, vector<16xf32>,
      tpu.vector_store %arg5[%swap3A_248, %swap3A_249, %swap3A_250, %swap3A_251], %broadcast_in_dim3A_6 {strides = array<i32>} : memref<42x1x8x128xf32, #tpu.memory_space<vmem>>, vector<16xf32>,
      %swap3A_253 = arith.constant 0 : i32
      %swap3A_254 = arith.constant 2 : i32
      %swap3A_255 = arith.index_cast %scan3A_106 : i32 to index
      %swap3A_256 = arith.index_cast %swap3A_253 : i32 to index
      %swap3A_257 = arith.index_cast %swap3A_254 : i32 to index
      %swap3A_258 = arith.constant 80 : index
      %swap3A_259 = tpu.vector_load %arg5[%swap3A_255, %swap3A_256, %swap3A_257, %swap3A_258] {strides = array<i32>} : memref<42x1x8x128xf32, #tpu.memory_space<vmem>>, vector<16xf32>,
      tpu.vector_store %arg5[%swap3A_255, %swap3A_256, %swap3A_257, %swap3A_258], %broadcast_in_dim3A_6 {strides = array<i32>} : memref<42x1x8x128xf32, #tpu.memory_space<vmem>>, vector<16xf32>,
      %swap3A_260 = arith.constant 0 : i32
      %swap3A_261 = arith.constant 2 : i32
      %swap3A_262 = arith.index_cast %scan3A_106 : i32 to index
      %swap3A_263 = arith.index_cast %swap3A_260 : i32 to index
      %swap3A_264 = arith.index_cast %swap3A_261 : i32 to index
      %swap3A_265 = arith.constant 96 : index
      %swap3A_266 = tpu.vector_load %arg5[%swap3A_262, %swap3A_263, %swap3A_264, %swap3A_265] {strides = array<i32>} : memref<42x1x8x128xf32, #tpu.memory_space<vmem>>, vector<16xf32>,
      tpu.vector_store %arg5[%swap3A_262, %swap3A_263, %swap3A_264, %swap3A_265], %broadcast_in_dim3A_6 {strides = array<i32>} : memref<42x1x8x128xf32, #tpu.memory_space<vmem>>, vector<16xf32>,
      %swap3A_267 = arith.constant 0 : i32
      %swap3A_268 = arith.constant 2 : i32
      %swap3A_269 = arith.index_cast %scan3A_106 : i32 to index
      %swap3A_270 = arith.index_cast %swap3A_267 : i32 to index
      %swap3A_271 = arith.index_cast %swap3A_268 : i32 to index
      %swap3A_272 = arith.constant 112 : index
      %swap3A_273 = tpu.vector_load %arg5[%swap3A_269, %swap3A_270, %swap3A_271, %swap3A_272] {strides = array<i32>} : memref<42x1x8x128xf32, #tpu.memory_space<vmem>>, vector<16xf32>,
      tpu.vector_store %arg5[%swap3A_269, %swap3A_270, %swap3A_271, %swap3A_272], %broadcast_in_dim3A_6 {strides = array<i32>} : memref<42x1x8x128xf32, #tpu.memory_space<vmem>>, vector<16xf32>,
      %swap3A_274 = arith.constant 0 : i32
      %swap3A_275 = arith.constant 3 : i32
      %swap3A_276 = arith.index_cast %scan3A_106 : i32 to index
      %swap3A_277 = arith.index_cast %swap3A_274 : i32 to index
      %swap3A_278 = arith.index_cast %swap3A_275 : i32 to index
      %swap3A_279 = arith.constant 0 : index
      %swap3A_280 = tpu.vector_load %arg5[%swap3A_276, %swap3A_277, %swap3A_278, %swap3A_279] {strides = array<i32>} : memref<42x1x8x128xf32, #tpu.memory_space<vmem>>, vector<16xf32>,
      tpu.vector_store %arg5[%swap3A_276, %swap3A_277, %swap3A_278, %swap3A_279], %broadcast_in_dim3A_6 {strides = array<i32>} : memref<42x1x8x128xf32, #tpu.memory_space<vmem>>, vector<16xf32>,
      %swap3A_281 = arith.constant 0 : i32
      %swap3A_282 = arith.constant 3 : i32
      %swap3A_283 = arith.index_cast %scan3A_106 : i32 to index
      %swap3A_284 = arith.index_cast %swap3A_281 : i32 to index
      %swap3A_285 = arith.index_cast %swap3A_282 : i32 to index
      %swap3A_286 = arith.constant 16 : index
      %swap3A_287 = tpu.vector_load %arg5[%swap3A_283, %swap3A_284, %swap3A_285, %swap3A_286] {strides = array<i32>} : memref<42x1x8x128xf32, #tpu.memory_space<vmem>>, vector<16xf32>,
      tpu.vector_store %arg5[%swap3A_283, %swap3A_284, %swap3A_285, %swap3A_286], %broadcast_in_dim3A_6 {strides = array<i32>} : memref<42x1x8x128xf32, #tpu.memory_space<vmem>>, vector<16xf32>,
      %swap3A_288 = arith.constant 0 : i32
      %swap3A_289 = arith.constant 3 : i32
      %swap3A_290 = arith.index_cast %scan3A_106 : i32 to index
      %swap3A_291 = arith.index_cast %swap3A_288 : i32 to index
      %swap3A_292 = arith.index_cast %swap3A_289 : i32 to index
      %swap3A_293 = arith.constant 32 : index
      %swap3A_294 = tpu.vector_load %arg5[%swap3A_290, %swap3A_291, %swap3A_292, %swap3A_293] {strides = array<i32>} : memref<42x1x8x128xf32, #tpu.memory_space<vmem>>, vector<16xf32>,
      tpu.vector_store %arg5[%swap3A_290, %swap3A_291, %swap3A_292, %swap3A_293], %broadcast_in_dim3A_6 {strides = array<i32>} : memref<42x1x8x128xf32, #tpu.memory_space<vmem>>, vector<16xf32>,
      %swap3A_295 = arith.constant 0 : i32
      %swap3A_296 = arith.constant 3 : i32
      %swap3A_297 = arith.index_cast %scan3A_106 : i32 to index
      %swap3A_298 = arith.index_cast %swap3A_295 : i32 to index
      %swap3A_299 = arith.index_cast %swap3A_296 : i32 to index
      %swap3A_300 = arith.constant 48 : index
      %swap3A_301 = tpu.vector_load %arg5[%swap3A_297, %swap3A_298, %swap3A_299, %swap3A_300] {strides = array<i32>} : memref<42x1x8x128xf32, #tpu.memory_space<vmem>>, vector<16xf32>,
      tpu.vector_store %arg5[%swap3A_297, %swap3A_298, %swap3A_299, %swap3A_300], %broadcast_in_dim3A_6 {strides = array<i32>} : memref<42x1x8x128xf32, #tpu.memory_space<vmem>>, vector<16xf32>,
      %swap3A_302 = arith.constant 0 : i32
      %swap3A_303 = arith.constant 3 : i32
      %swap3A_304 = arith.index_cast %scan3A_106 : i32 to index
      %swap3A_305 = arith.index_cast %swap3A_302 : i32 to index
      %swap3A_306 = arith.index_cast %swap3A_303 : i32 to index
      %swap3A_307 = arith.constant 64 : index
      %swap3A_308 = tpu.vector_load %arg5[%swap3A_304, %swap3A_305, %swap3A_306, %swap3A_307] {strides = array<i32>} : memref<42x1x8x128xf32, #tpu.memory_space<vmem>>, vector<16xf32>,
      tpu.vector_store %arg5[%swap3A_304, %swap3A_305, %swap3A_306, %swap3A_307], %broadcast_in_dim3A_6 {strides = array<i32>} : memref<42x1x8x128xf32, #tpu.memory_space<vmem>>, vector<16xf32>,
      %swap3A_309 = arith.constant 0 : i32
      %swap3A_310 = arith.constant 3 : i32
      %swap3A_311 = arith.index_cast %scan3A_106 : i32 to index
      %swap3A_312 = arith.index_cast %swap3A_309 : i32 to index
      %swap3A_313 = arith.index_cast %swap3A_310 : i32 to index
      %swap3A_314 = arith.constant 80 : index
      %swap3A_315 = tpu.vector_load %arg5[%swap3A_311, %swap3A_312, %swap3A_313, %swap3A_314] {strides = array<i32>} : memref<42x1x8x128xf32, #tpu.memory_space<vmem>>, vector<16xf32>,
      tpu.vector_store %arg5[%swap3A_311, %swap3A_312, %swap3A_313, %swap3A_314], %broadcast_in_dim3A_6 {strides = array<i32>} : memref<42x1x8x128xf32, #tpu.memory_space<vmem>>, vector<16xf32>,
      %swap3A_316 = arith.constant 0 : i32
      %swap3A_317 = arith.constant 3 : i32
      %swap3A_318 = arith.index_cast %scan3A_106 : i32 to index
      %swap3A_319 = arith.index_cast %swap3A_316 : i32 to index
      %swap3A_320 = arith.index_cast %swap3A_317 : i32 to index
      %swap3A_321 = arith.constant 96 : index
      %swap3A_322 = tpu.vector_load %arg5[%swap3A_318, %swap3A_319, %swap3A_320, %swap3A_321] {strides = array<i32>} : memref<42x1x8x128xf32, #tpu.memory_space<vmem>>, vector<16xf32>,
      tpu.vector_store %arg5[%swap3A_318, %swap3A_319, %swap3A_320, %swap3A_321], %broadcast_in_dim3A_6 {strides = array<i32>} : memref<42x1x8x128xf32, #tpu.memory_space<vmem>>, vector<16xf32>,
      %swap3A_323 = arith.constant 0 : i32
      %swap3A_324 = arith.constant 3 : i32
      %swap3A_325 = arith.index_cast %scan3A_106 : i32 to index
      %swap3A_326 = arith.index_cast %swap3A_323 : i32 to index
      %swap3A_327 = arith.index_cast %swap3A_324 : i32 to index
      %swap3A_328 = arith.constant 112 : index
      %swap3A_329 = tpu.vector_load %arg5[%swap3A_325, %swap3A_326, %swap3A_327, %swap3A_328] {strides = array<i32>} : memref<42x1x8x128xf32, #tpu.memory_space<vmem>>, vector<16xf32>,
      tpu.vector_store %arg5[%swap3A_325, %swap3A_326, %swap3A_327, %swap3A_328], %broadcast_in_dim3A_6 {strides = array<i32>} : memref<42x1x8x128xf32, #tpu.memory_space<vmem>>, vector<16xf32>,
      %swap3A_330 = arith.constant 0 : i32
      %swap3A_331 = arith.constant 4 : i32
      %swap3A_332 = arith.index_cast %scan3A_106 : i32 to index
      %swap3A_333 = arith.index_cast %swap3A_330 : i32 to index
      %swap3A_334 = arith.index_cast %swap3A_331 : i32 to index
      %swap3A_335 = arith.constant 0 : index
      %swap3A_336 = tpu.vector_load %arg5[%swap3A_332, %swap3A_333, %swap3A_334, %swap3A_335] {strides = array<i32>} : memref<42x1x8x128xf32, #tpu.memory_space<vmem>>, vector<16xf32>,
      tpu.vector_store %arg5[%swap3A_332, %swap3A_333, %swap3A_334, %swap3A_335], %broadcast_in_dim3A_6 {strides = array<i32>} : memref<42x1x8x128xf32, #tpu.memory_space<vmem>>, vector<16xf32>,
      %swap3A_337 = arith.constant 0 : i32
      %swap3A_338 = arith.constant 4 : i32
      %swap3A_339 = arith.index_cast %scan3A_106 : i32 to index
      %swap3A_340 = arith.index_cast %swap3A_337 : i32 to index
      %swap3A_341 = arith.index_cast %swap3A_338 : i32 to index
      %swap3A_342 = arith.constant 16 : index
      %swap3A_343 = tpu.vector_load %arg5[%swap3A_339, %swap3A_340, %swap3A_341, %swap3A_342] {strides = array<i32>} : memref<42x1x8x128xf32, #tpu.memory_space<vmem>>, vector<16xf32>,
      tpu.vector_store %arg5[%swap3A_339, %swap3A_340, %swap3A_341, %swap3A_342], %broadcast_in_dim3A_6 {strides = array<i32>} : memref<42x1x8x128xf32, #tpu.memory_space<vmem>>, vector<16xf32>,
      %swap3A_344 = arith.constant 0 : i32
      %swap3A_345 = arith.constant 4 : i32
      %swap3A_346 = arith.index_cast %scan3A_106 : i32 to index
      %swap3A_347 = arith.index_cast %swap3A_344 : i32 to index
      %swap3A_348 = arith.index_cast %swap3A_345 : i32 to index
      %swap3A_349 = arith.constant 32 : index
      %swap3A_350 = tpu.vector_load %arg5[%swap3A_346, %swap3A_347, %swap3A_348, %swap3A_349] {strides = array<i32>} : memref<42x1x8x128xf32, #tpu.memory_space<vmem>>, vector<16xf32>,
      tpu.vector_store %arg5[%swap3A_346, %swap3A_347, %swap3A_348, %swap3A_349], %broadcast_in_dim3A_6 {strides = array<i32>} : memref<42x1x8x128xf32, #tpu.memory_space<vmem>>, vector<16xf32>,
      %swap3A_351 = arith.constant 0 : i32
      %swap3A_352 = arith.constant 4 : i32
      %swap3A_353 = arith.index_cast %scan3A_106 : i32 to index
      %swap3A_354 = arith.index_cast %swap3A_351 : i32 to index
      %swap3A_355 = arith.index_cast %swap3A_352 : i32 to index
      %swap3A_356 = arith.constant 48 : index
      %swap3A_357 = tpu.vector_load %arg5[%swap3A_353, %swap3A_354, %swap3A_355, %swap3A_356] {strides = array<i32>} : memref<42x1x8x128xf32, #tpu.memory_space<vmem>>, vector<16xf32>,
      tpu.vector_store %arg5[%swap3A_353, %swap3A_354, %swap3A_355, %swap3A_356], %broadcast_in_dim3A_6 {strides = array<i32>} : memref<42x1x8x128xf32, #tpu.memory_space<vmem>>, vector<16xf32>,
      %swap3A_358 = arith.constant 0 : i32
      %swap3A_359 = arith.constant 4 : i32
      %swap3A_360 = arith.index_cast %scan3A_106 : i32 to index
      %swap3A_361 = arith.index_cast %swap3A_358 : i32 to index
      %swap3A_362 = arith.index_cast %swap3A_359 : i32 to index
      %swap3A_363 = arith.constant 64 : index
      %swap3A_364 = tpu.vector_load %arg5[%swap3A_360, %swap3A_361, %swap3A_362, %swap3A_363] {strides = array<i32>} : memref<42x1x8x128xf32, #tpu.memory_space<vmem>>, vector<16xf32>,
      tpu.vector_store %arg5[%swap3A_360, %swap3A_361, %swap3A_362, %swap3A_363], %broadcast_in_dim3A_6 {strides = array<i32>} : memref<42x1x8x128xf32, #tpu.memory_space<vmem>>, vector<16xf32>,
      %swap3A_365 = arith.constant 0 : i32
      %swap3A_366 = arith.constant 4 : i32
      %swap3A_367 = arith.index_cast %scan3A_106 : i32 to index
      %swap3A_368 = arith.index_cast %swap3A_365 : i32 to index
      %swap3A_369 = arith.index_cast %swap3A_366 : i32 to index
      %swap3A_370 = arith.constant 80 : index
      %swap3A_371 = tpu.vector_load %arg5[%swap3A_367, %swap3A_368, %swap3A_369, %swap3A_370] {strides = array<i32>} : memref<42x1x8x128xf32, #tpu.memory_space<vmem>>, vector<16xf32>,
      tpu.vector_store %arg5[%swap3A_367, %swap3A_368, %swap3A_369, %swap3A_370], %broadcast_in_dim3A_6 {strides = array<i32>} : memref<42x1x8x128xf32, #tpu.memory_space<vmem>>, vector<16xf32>,
      %swap3A_372 = arith.constant 0 : i32
      %swap3A_373 = arith.constant 4 : i32
      %swap3A_374 = arith.index_cast %scan3A_106 : i32 to index
      %swap3A_375 = arith.index_cast %swap3A_372 : i32 to index
      %swap3A_376 = arith.index_cast %swap3A_373 : i32 to index
      %swap3A_377 = arith.constant 96 : index
      %swap3A_378 = tpu.vector_load %arg5[%swap3A_374, %swap3A_375, %swap3A_376, %swap3A_377] {strides = array<i32>} : memref<42x1x8x128xf32, #tpu.memory_space<vmem>>, vector<16xf32>,
      tpu.vector_store %arg5[%swap3A_374, %swap3A_375, %swap3A_376, %swap3A_377], %broadcast_in_dim3A_6 {strides = array<i32>} : memref<42x1x8x128xf32, #tpu.memory_space<vmem>>, vector<16xf32>,
      %swap3A_379 = arith.constant 0 : i32
      %swap3A_380 = arith.constant 4 : i32
      %swap3A_381 = arith.index_cast %scan3A_106 : i32 to index
      %swap3A_382 = arith.index_cast %swap3A_379 : i32 to index
      %swap3A_383 = arith.index_cast %swap3A_380 : i32 to index
      %swap3A_384 = arith.constant 112 : index
      %swap3A_385 = tpu.vector_load %arg5[%swap3A_381, %swap3A_382, %swap3A_383, %swap3A_384] {strides = array<i32>} : memref<42x1x8x128xf32, #tpu.memory_space<vmem>>, vector<16xf32>,
      tpu.vector_store %arg5[%swap3A_381, %swap3A_382, %swap3A_383, %swap3A_384], %broadcast_in_dim3A_6 {strides = array<i32>} : memref<42x1x8x128xf32, #tpu.memory_space<vmem>>, vector<16xf32>,
      %swap3A_386 = arith.constant 0 : i32
      %swap3A_387 = arith.constant 5 : i32
      %swap3A_388 = arith.index_cast %scan3A_106 : i32 to index
      %swap3A_389 = arith.index_cast %swap3A_386 : i32 to index
      %swap3A_390 = arith.index_cast %swap3A_387 : i32 to index
      %swap3A_391 = arith.constant 0 : index
      %swap3A_392 = tpu.vector_load %arg5[%swap3A_388, %swap3A_389, %swap3A_390, %swap3A_391] {strides = array<i32>} : memref<42x1x8x128xf32, #tpu.memory_space<vmem>>, vector<16xf32>,
      tpu.vector_store %arg5[%swap3A_388, %swap3A_389, %swap3A_390, %swap3A_391], %broadcast_in_dim3A_6 {strides = array<i32>} : memref<42x1x8x128xf32, #tpu.memory_space<vmem>>, vector<16xf32>,
      %swap3A_393 = arith.constant 0 : i32
      %swap3A_394 = arith.constant 5 : i32
      %swap3A_395 = arith.index_cast %scan3A_106 : i32 to index
      %swap3A_396 = arith.index_cast %swap3A_393 : i32 to index
      %swap3A_397 = arith.index_cast %swap3A_394 : i32 to index
      %swap3A_398 = arith.constant 16 : index
      %swap3A_399 = tpu.vector_load %arg5[%swap3A_395, %swap3A_396, %swap3A_397, %swap3A_398] {strides = array<i32>} : memref<42x1x8x128xf32, #tpu.memory_space<vmem>>, vector<16xf32>,
      tpu.vector_store %arg5[%swap3A_395, %swap3A_396, %swap3A_397, %swap3A_398], %broadcast_in_dim3A_6 {strides = array<i32>} : memref<42x1x8x128xf32, #tpu.memory_space<vmem>>, vector<16xf32>,
      %swap3A_400 = arith.constant 0 : i32
      %swap3A_401 = arith.constant 5 : i32
      %swap3A_402 = arith.index_cast %scan3A_106 : i32 to index
      %swap3A_403 = arith.index_cast %swap3A_400 : i32 to index
      %swap3A_404 = arith.index_cast %swap3A_401 : i32 to index
      %swap3A_405 = arith.constant 32 : index
      %swap3A_406 = tpu.vector_load %arg5[%swap3A_402, %swap3A_403, %swap3A_404, %swap3A_405] {strides = array<i32>} : memref<42x1x8x128xf32, #tpu.memory_space<vmem>>, vector<16xf32>,
      tpu.vector_store %arg5[%swap3A_402, %swap3A_403, %swap3A_404, %swap3A_405], %broadcast_in_dim3A_6 {strides = array<i32>} : memref<42x1x8x128xf32, #tpu.memory_space<vmem>>, vector<16xf32>,
      %swap3A_407 = arith.constant 0 : i32
      %swap3A_408 = arith.constant 5 : i32
      %swap3A_409 = arith.index_cast %scan3A_106 : i32 to index
      %swap3A_410 = arith.index_cast %swap3A_407 : i32 to index
      %swap3A_411 = arith.index_cast %swap3A_408 : i32 to index
      %swap3A_412 = arith.constant 48 : index
      %swap3A_413 = tpu.vector_load %arg5[%swap3A_409, %swap3A_410, %swap3A_411, %swap3A_412] {strides = array<i32>} : memref<42x1x8x128xf32, #tpu.memory_space<vmem>>, vector<16xf32>,
      tpu.vector_store %arg5[%swap3A_409, %swap3A_410, %swap3A_411, %swap3A_412], %broadcast_in_dim3A_6 {strides = array<i32>} : memref<42x1x8x128xf32, #tpu.memory_space<vmem>>, vector<16xf32>,
      %swap3A_414 = arith.constant 0 : i32
      %swap3A_415 = arith.constant 5 : i32
      %swap3A_416 = arith.index_cast %scan3A_106 : i32 to index
      %swap3A_417 = arith.index_cast %swap3A_414 : i32 to index
      %swap3A_418 = arith.index_cast %swap3A_415 : i32 to index
      %swap3A_419 = arith.constant 64 : index
      %swap3A_420 = tpu.vector_load %arg5[%swap3A_416, %swap3A_417, %swap3A_418, %swap3A_419] {strides = array<i32>} : memref<42x1x8x128xf32, #tpu.memory_space<vmem>>, vector<16xf32>,
      tpu.vector_store %arg5[%swap3A_416, %swap3A_417, %swap3A_418, %swap3A_419], %broadcast_in_dim3A_6 {strides = array<i32>} : memref<42x1x8x128xf32, #tpu.memory_space<vmem>>, vector<16xf32>,
      %swap3A_421 = arith.constant 0 : i32
      %swap3A_422 = arith.constant 5 : i32
      %swap3A_423 = arith.index_cast %scan3A_106 : i32 to index
      %swap3A_424 = arith.index_cast %swap3A_421 : i32 to index
      %swap3A_425 = arith.index_cast %swap3A_422 : i32 to index
      %swap3A_426 = arith.constant 80 : index
      %swap3A_427 = tpu.vector_load %arg5[%swap3A_423, %swap3A_424, %swap3A_425, %swap3A_426] {strides = array<i32>} : memref<42x1x8x128xf32, #tpu.memory_space<vmem>>, vector<16xf32>,
      tpu.vector_store %arg5[%swap3A_423, %swap3A_424, %swap3A_425, %swap3A_426], %broadcast_in_dim3A_6 {strides = array<i32>} : memref<42x1x8x128xf32, #tpu.memory_space<vmem>>, vector<16xf32>,
      %swap3A_428 = arith.constant 0 : i32
      %swap3A_429 = arith.constant 5 : i32
      %swap3A_430 = arith.index_cast %scan3A_106 : i32 to index
      %swap3A_431 = arith.index_cast %swap3A_428 : i32 to index
      %swap3A_432 = arith.index_cast %swap3A_429 : i32 to index
      %swap3A_433 = arith.constant 96 : index
      %swap3A_434 = tpu.vector_load %arg5[%swap3A_430, %swap3A_431, %swap3A_432, %swap3A_433] {strides = array<i32>} : memref<42x1x8x128xf32, #tpu.memory_space<vmem>>, vector<16xf32>,
      tpu.vector_store %arg5[%swap3A_430, %swap3A_431, %swap3A_432, %swap3A_433], %broadcast_in_dim3A_6 {strides = array<i32>} : memref<42x1x8x128xf32, #tpu.memory_space<vmem>>, vector<16xf32>,
      %swap3A_435 = arith.constant 0 : i32
      %swap3A_436 = arith.constant 5 : i32
      %swap3A_437 = arith.index_cast %scan3A_106 : i32 to index
      %swap3A_438 = arith.index_cast %swap3A_435 : i32 to index
      %swap3A_439 = arith.index_cast %swap3A_436 : i32 to index
      %swap3A_440 = arith.constant 112 : index
      %swap3A_441 = tpu.vector_load %arg5[%swap3A_437, %swap3A_438, %swap3A_439, %swap3A_440] {strides = array<i32>} : memref<42x1x8x128xf32, #tpu.memory_space<vmem>>, vector<16xf32>,
      tpu.vector_store %arg5[%swap3A_437, %swap3A_438, %swap3A_439, %swap3A_440], %broadcast_in_dim3A_6 {strides = array<i32>} : memref<42x1x8x128xf32, #tpu.memory_space<vmem>>, vector<16xf32>,
      %swap3A_442 = arith.constant 0 : i32
      %swap3A_443 = arith.constant 6 : i32
      %swap3A_444 = arith.index_cast %scan3A_106 : i32 to index
      %swap3A_445 = arith.index_cast %swap3A_442 : i32 to index
      %swap3A_446 = arith.index_cast %swap3A_443 : i32 to index
      %swap3A_447 = arith.constant 0 : index
      %swap3A_448 = tpu.vector_load %arg5[%swap3A_444, %swap3A_445, %swap3A_446, %swap3A_447] {strides = array<i32>} : memref<42x1x8x128xf32, #tpu.memory_space<vmem>>, vector<16xf32>,
      tpu.vector_store %arg5[%swap3A_444, %swap3A_445, %swap3A_446, %swap3A_447], %broadcast_in_dim3A_6 {strides = array<i32>} : memref<42x1x8x128xf32, #tpu.memory_space<vmem>>, vector<16xf32>,
      %swap3A_449 = arith.constant 0 : i32
      %swap3A_450 = arith.constant 6 : i32
      %swap3A_451 = arith.index_cast %scan3A_106 : i32 to index
      %swap3A_452 = arith.index_cast %swap3A_449 : i32 to index
      %swap3A_453 = arith.index_cast %swap3A_450 : i32 to index
      %swap3A_454 = arith.constant 16 : index
      %swap3A_455 = tpu.vector_load %arg5[%swap3A_451, %swap3A_452, %swap3A_453, %swap3A_454] {strides = array<i32>} : memref<42x1x8x128xf32, #tpu.memory_space<vmem>>, vector<16xf32>,
      tpu.vector_store %arg5[%swap3A_451, %swap3A_452, %swap3A_453, %swap3A_454], %broadcast_in_dim3A_6 {strides = array<i32>} : memref<42x1x8x128xf32, #tpu.memory_space<vmem>>, vector<16xf32>,
      %swap3A_456 = arith.constant 0 : i32
      %swap3A_457 = arith.constant 6 : i32
      %swap3A_458 = arith.index_cast %scan3A_106 : i32 to index
      %swap3A_459 = arith.index_cast %swap3A_456 : i32 to index
      %swap3A_460 = arith.index_cast %swap3A_457 : i32 to index
      %swap3A_461 = arith.constant 32 : index
      %swap3A_462 = tpu.vector_load %arg5[%swap3A_458, %swap3A_459, %swap3A_460, %swap3A_461] {strides = array<i32>} : memref<42x1x8x128xf32, #tpu.memory_space<vmem>>, vector<16xf32>,
      tpu.vector_store %arg5[%swap3A_458, %swap3A_459, %swap3A_460, %swap3A_461], %broadcast_in_dim3A_6 {strides = array<i32>} : memref<42x1x8x128xf32, #tpu.memory_space<vmem>>, vector<16xf32>,
      %swap3A_463 = arith.constant 0 : i32
      %swap3A_464 = arith.constant 6 : i32
      %swap3A_465 = arith.index_cast %scan3A_106 : i32 to index
      %swap3A_466 = arith.index_cast %swap3A_463 : i32 to index
      %swap3A_467 = arith.index_cast %swap3A_464 : i32 to index
      %swap3A_468 = arith.constant 48 : index
      %swap3A_469 = tpu.vector_load %arg5[%swap3A_465, %swap3A_466, %swap3A_467, %swap3A_468] {strides = array<i32>} : memref<42x1x8x128xf32, #tpu.memory_space<vmem>>, vector<16xf32>,
      tpu.vector_store %arg5[%swap3A_465, %swap3A_466, %swap3A_467, %swap3A_468], %broadcast_in_dim3A_6 {strides = array<i32>} : memref<42x1x8x128xf32, #tpu.memory_space<vmem>>, vector<16xf32>,
      %swap3A_470 = arith.constant 0 : i32
      %swap3A_471 = arith.constant 6 : i32
      %swap3A_472 = arith.index_cast %scan3A_106 : i32 to index
      %swap3A_473 = arith.index_cast %swap3A_470 : i32 to index
      %swap3A_474 = arith.index_cast %swap3A_471 : i32 to index
      %swap3A_475 = arith.constant 64 : index
      %swap3A_476 = tpu.vector_load %arg5[%swap3A_472, %swap3A_473, %swap3A_474, %swap3A_475] {strides = array<i32>} : memref<42x1x8x128xf32, #tpu.memory_space<vmem>>, vector<16xf32>,
      tpu.vector_store %arg5[%swap3A_472, %swap3A_473, %swap3A_474, %swap3A_475], %broadcast_in_dim3A_6 {strides = array<i32>} : memref<42x1x8x128xf32, #tpu.memory_space<vmem>>, vector<16xf32>,
      %swap3A_477 = arith.constant 0 : i32
      %swap3A_478 = arith.constant 6 : i32
      %swap3A_479 = arith.index_cast %scan3A_106 : i32 to index
      %swap3A_480 = arith.index_cast %swap3A_477 : i32 to index
      %swap3A_481 = arith.index_cast %swap3A_478 : i32 to index
      %swap3A_482 = arith.constant 80 : index
      %swap3A_483 = tpu.vector_load %arg5[%swap3A_479, %swap3A_480, %swap3A_481, %swap3A_482] {strides = array<i32>} : memref<42x1x8x128xf32, #tpu.memory_space<vmem>>, vector<16xf32>,
      tpu.vector_store %arg5[%swap3A_479, %swap3A_480, %swap3A_481, %swap3A_482], %broadcast_in_dim3A_6 {strides = array<i32>} : memref<42x1x8x128xf32, #tpu.memory_space<vmem>>, vector<16xf32>,
      %swap3A_484 = arith.constant 0 : i32
      %swap3A_485 = arith.constant 6 : i32
      %swap3A_486 = arith.index_cast %scan3A_106 : i32 to index
      %swap3A_487 = arith.index_cast %swap3A_484 : i32 to index
      %swap3A_488 = arith.index_cast %swap3A_485 : i32 to index
      %swap3A_489 = arith.constant 96 : index
      %swap3A_490 = tpu.vector_load %arg5[%swap3A_486, %swap3A_487, %swap3A_488, %swap3A_489] {strides = array<i32>} : memref<42x1x8x128xf32, #tpu.memory_space<vmem>>, vector<16xf32>,
      tpu.vector_store %arg5[%swap3A_486, %swap3A_487, %swap3A_488, %swap3A_489], %broadcast_in_dim3A_6 {strides = array<i32>} : memref<42x1x8x128xf32, #tpu.memory_space<vmem>>, vector<16xf32>,
      %swap3A_491 = arith.constant 0 : i32
      %swap3A_492 = arith.constant 6 : i32
      %swap3A_493 = arith.index_cast %scan3A_106 : i32 to index
      %swap3A_494 = arith.index_cast %swap3A_491 : i32 to index
      %swap3A_495 = arith.index_cast %swap3A_492 : i32 to index
      %swap3A_496 = arith.constant 112 : index
      %swap3A_497 = tpu.vector_load %arg5[%swap3A_493, %swap3A_494, %swap3A_495, %swap3A_496] {strides = array<i32>} : memref<42x1x8x128xf32, #tpu.memory_space<vmem>>, vector<16xf32>,
      tpu.vector_store %arg5[%swap3A_493, %swap3A_494, %swap3A_495, %swap3A_496], %broadcast_in_dim3A_6 {strides = array<i32>} : memref<42x1x8x128xf32, #tpu.memory_space<vmem>>, vector<16xf32>,
      %swap3A_498 = arith.constant 0 : i32
      %swap3A_499 = arith.constant 7 : i32
      %swap3A_500 = arith.index_cast %scan3A_106 : i32 to index
      %swap3A_501 = arith.index_cast %swap3A_498 : i32 to index
      %swap3A_502 = arith.index_cast %swap3A_499 : i32 to index
      %swap3A_503 = arith.constant 0 : index
      %swap3A_504 = tpu.vector_load %arg5[%swap3A_500, %swap3A_501, %swap3A_502, %swap3A_503] {strides = array<i32>} : memref<42x1x8x128xf32, #tpu.memory_space<vmem>>, vector<16xf32>,
      tpu.vector_store %arg5[%swap3A_500, %swap3A_501, %swap3A_502, %swap3A_503], %broadcast_in_dim3A_6 {strides = array<i32>} : memref<42x1x8x128xf32, #tpu.memory_space<vmem>>, vector<16xf32>,
      %swap3A_505 = arith.constant 0 : i32
      %swap3A_506 = arith.constant 7 : i32
      %swap3A_507 = arith.index_cast %scan3A_106 : i32 to index
      %swap3A_508 = arith.index_cast %swap3A_505 : i32 to index
      %swap3A_509 = arith.index_cast %swap3A_506 : i32 to index
      %swap3A_510 = arith.constant 16 : index
      %swap3A_511 = tpu.vector_load %arg5[%swap3A_507, %swap3A_508, %swap3A_509, %swap3A_510] {strides = array<i32>} : memref<42x1x8x128xf32, #tpu.memory_space<vmem>>, vector<16xf32>,
      tpu.vector_store %arg5[%swap3A_507, %swap3A_508, %swap3A_509, %swap3A_510], %broadcast_in_dim3A_6 {strides = array<i32>} : memref<42x1x8x128xf32, #tpu.memory_space<vmem>>, vector<16xf32>,
      %swap3A_512 = arith.constant 0 : i32
      %swap3A_513 = arith.constant 7 : i32
      %swap3A_514 = arith.index_cast %scan3A_106 : i32 to index
      %swap3A_515 = arith.index_cast %swap3A_512 : i32 to index
      %swap3A_516 = arith.index_cast %swap3A_513 : i32 to index
      %swap3A_517 = arith.constant 32 : index
      %swap3A_518 = tpu.vector_load %arg5[%swap3A_514, %swap3A_515, %swap3A_516, %swap3A_517] {strides = array<i32>} : memref<42x1x8x128xf32, #tpu.memory_space<vmem>>, vector<16xf32>,
      tpu.vector_store %arg5[%swap3A_514, %swap3A_515, %swap3A_516, %swap3A_517], %broadcast_in_dim3A_6 {strides = array<i32>} : memref<42x1x8x128xf32, #tpu.memory_space<vmem>>, vector<16xf32>,
      %swap3A_519 = arith.constant 0 : i32
      %swap3A_520 = arith.constant 7 : i32
      %swap3A_521 = arith.index_cast %scan3A_106 : i32 to index
      %swap3A_522 = arith.index_cast %swap3A_519 : i32 to index
      %swap3A_523 = arith.index_cast %swap3A_520 : i32 to index
      %swap3A_524 = arith.constant 48 : index
      %swap3A_525 = tpu.vector_load %arg5[%swap3A_521, %swap3A_522, %swap3A_523, %swap3A_524] {strides = array<i32>} : memref<42x1x8x128xf32, #tpu.memory_space<vmem>>, vector<16xf32>,
      tpu.vector_store %arg5[%swap3A_521, %swap3A_522, %swap3A_523, %swap3A_524], %broadcast_in_dim3A_6 {strides = array<i32>} : memref<42x1x8x128xf32, #tpu.memory_space<vmem>>, vector<16xf32>,
      %swap3A_526 = arith.constant 0 : i32
      %swap3A_527 = arith.constant 7 : i32
      %swap3A_528 = arith.index_cast %scan3A_106 : i32 to index
      %swap3A_529 = arith.index_cast %swap3A_526 : i32 to index
      %swap3A_530 = arith.index_cast %swap3A_527 : i32 to index
      %swap3A_531 = arith.constant 64 : index
      %swap3A_532 = tpu.vector_load %arg5[%swap3A_528, %swap3A_529, %swap3A_530, %swap3A_531] {strides = array<i32>} : memref<42x1x8x128xf32, #tpu.memory_space<vmem>>, vector<16xf32>,
      tpu.vector_store %arg5[%swap3A_528, %swap3A_529, %swap3A_530, %swap3A_531], %broadcast_in_dim3A_6 {strides = array<i32>} : memref<42x1x8x128xf32, #tpu.memory_space<vmem>>, vector<16xf32>,
      %swap3A_533 = arith.constant 0 : i32
      %swap3A_534 = arith.constant 7 : i32
      %swap3A_535 = arith.index_cast %scan3A_106 : i32 to index
      %swap3A_536 = arith.index_cast %swap3A_533 : i32 to index
      %swap3A_537 = arith.index_cast %swap3A_534 : i32 to index
      %swap3A_538 = arith.constant 80 : index
      %swap3A_539 = tpu.vector_load %arg5[%swap3A_535, %swap3A_536, %swap3A_537, %swap3A_538] {strides = array<i32>} : memref<42x1x8x128xf32, #tpu.memory_space<vmem>>, vector<16xf32>,
      tpu.vector_store %arg5[%swap3A_535, %swap3A_536, %swap3A_537, %swap3A_538], %broadcast_in_dim3A_6 {strides = array<i32>} : memref<42x1x8x128xf32, #tpu.memory_space<vmem>>, vector<16xf32>,
      %swap3A_540 = arith.constant 0 : i32
      %swap3A_541 = arith.constant 7 : i32
      %swap3A_542 = arith.index_cast %scan3A_106 : i32 to index
      %swap3A_543 = arith.index_cast %swap3A_540 : i32 to index
      %swap3A_544 = arith.index_cast %swap3A_541 : i32 to index
      %swap3A_545 = arith.constant 96 : index
      %swap3A_546 = tpu.vector_load %arg5[%swap3A_542, %swap3A_543, %swap3A_544, %swap3A_545] {strides = array<i32>} : memref<42x1x8x128xf32, #tpu.memory_space<vmem>>, vector<16xf32>,
      tpu.vector_store %arg5[%swap3A_542, %swap3A_543, %swap3A_544, %swap3A_545], %broadcast_in_dim3A_6 {strides = array<i32>} : memref<42x1x8x128xf32, #tpu.memory_space<vmem>>, vector<16xf32>,
      %swap3A_547 = arith.constant 0 : i32
      %swap3A_548 = arith.constant 7 : i32
      %swap3A_549 = arith.index_cast %scan3A_106 : i32 to index
      %swap3A_550 = arith.index_cast %swap3A_547 : i32 to index
      %swap3A_551 = arith.index_cast %swap3A_548 : i32 to index
      %swap3A_552 = arith.constant 112 : index
      %swap3A_553 = tpu.vector_load %arg5[%swap3A_549, %swap3A_550, %swap3A_551, %swap3A_552] {strides = array<i32>} : memref<42x1x8x128xf32, #tpu.memory_space<vmem>>, vector<16xf32>,
      tpu.vector_store %arg5[%swap3A_549, %swap3A_550, %swap3A_551, %swap3A_552], %broadcast_in_dim3A_6 {strides = array<i32>} : memref<42x1x8x128xf32, #tpu.memory_space<vmem>>, vector<16xf32>,
    }
    %scan3A_14 = arith.constant 42 : i32
    %dma_wait3A = tpu.memref_slice %arg2[%mul3A_2] : memref<16384xi32, #tpu.memory_space<hbm>> -> memref<512xi32, #tpu.memory_space<hbm>>
    %dma_wait3A_15 = tpu.memref_slice %arg2[%mul3A_2] : memref<16384xi32, #tpu.memory_space<hbm>> -> memref<512xi32, #tpu.memory_space<hbm>>
    tpu.wait_dma2 semaphore(%arg8 : memref<!tpu.dma_semaphore, #tpu.memory_space<semaphore_mem>>) src(%dma_wait3A_15 : memref<512xi32, #tpu.memory_space<hbm>>) dst(%arg4 : memref<512xi32, #tpu.memory_space<vmem>>)
    %scan3A_16 = arith.constant 0 : i32
    %scan3A_17 = arith.constant 8 : i32
    %scan3A_18 = arith.addi %scan3A_16, %scan3A_17 : i32
    %scan3A_19 = arith.constant 1 : i32
    scf.for %scan3A_106 = %scan3A_16 to %scan3A_18 step %scan3A_19  : i32 {
      %mul3A_107 = arith.constant 16 : i32
      %mul3A_108 = arith.muli %scan3A_106, %mul3A_107 : i32
      %add3A_109 = arith.constant 0 : i32
      %add3A_110 = arith.addi %add3A_109, %mul3A_108 : i32
      %get3A = arith.index_cast %add3A_110 : i32 to index
      %get3A_111 = tpu.vector_load %arg4[%get3A] {strides = array<i32>} : memref<512xi32, #tpu.memory_space<vmem>>, vector<16xi32>,
      %sub3A = arith.constant 0 : i32
      %sub3A_112 = vector.broadcast %sub3A : i32 to vector<16xi32>
      %sub3A_113 = arith.subi %get3A_111, %sub3A_112 : vector<16xi32>
      %ge3A = arith.constant 0 : i32
      %ge3A_114 = vector.broadcast %ge3A : i32 to vector<16xi32>
      %ge3A_115 = arith.cmpi sge, %get3A_111, %ge3A_114 : vector<16xi32>
      %lt3A = arith.constant 336 : i32
      %lt3A_116 = vector.broadcast %lt3A : i32 to vector<16xi32>
      %lt3A_117 = arith.cmpi slt, %get3A_111, %lt3A_116 : vector<16xi32>
      %and3A = arith.andi %ge3A_115, %lt3A_117 : vector<16xi1>
      %shift_right_arithmetic3A = arith.constant 3 : i32
      %shift_right_arithmetic3A_118 = vector.broadcast %shift_right_arithmetic3A : i32 to vector<16xi32>
      %shift_right_arithmetic3A_119 = arith.shrsi %sub3A_113, %shift_right_arithmetic3A_118 : vector<16xi32>
      %and3A_120 = arith.constant 7 : i32
      %and3A_121 = vector.broadcast %and3A_120 : i32 to vector<16xi32>
      %and3A_122 = arith.andi %sub3A_113, %and3A_121 : vector<16xi32>
      %mul3A_123 = arith.constant 16 : i32
      %mul3A_124 = arith.muli %scan3A_106, %mul3A_123 : i32
      %add3A_125 = vector.broadcast %mul3A_124 : i32 to vector<16xi32>
      %add3A_126 = arith.addi %add3A_125, %iota3A : vector<16xi32>
      tpu.vector_store_idx %arg5[%shift_right_arithmetic3A_119, %broadcast_in_dim3A_10, %and3A_122, %add3A_126], %broadcast_in_dim3A_8 masked %and3A : memref<42x1x8x128xf32, #tpu.memory_space<vmem>>[vector<16xi32>, vector<16xi32>, vector<16xi32>, vector<16xi32>], vector<16xf32>, vector<16xi1>
    }
    %scan3A_20 = arith.constant 8 : i32
    %add3A_21 = arith.constant 0 : i32
    %add3A_22 = arith.addi %mul3A_4, %add3A_21 : i32
    %dma_start3A_23 = arith.constant 0 : i32
    %dma_start3A_24 = arith.constant 0 : i32
    %dma_start3A_25 = arith.constant 0 : i32
    %dma_start3A_26 = tpu.memref_slice %arg3[%dma_start3A_23, %add3A_22, %dma_start3A_24, %dma_start3A_25] : memref<125x128x8x128xf32, #tpu.memory_space<hbm>> -> memref<42x1x8x128xf32, #tpu.memory_space<hbm>>
    %dma_start3A_27 = arith.constant 0 : i32
    %dma_start3A_28 = arith.constant 0 : i32
    %dma_start3A_29 = arith.constant 0 : i32
    %dma_start3A_30 = tpu.memref_slice %arg3[%dma_start3A_27, %add3A_22, %dma_start3A_28, %dma_start3A_29] : memref<125x128x8x128xf32, #tpu.memory_space<hbm>> -> memref<42x1x8x128xf32, #tpu.memory_space<hbm>>
    tpu.enqueue_dma source(%arg5 : memref<42x1x8x128xf32, #tpu.memory_space<vmem>>) target(%dma_start3A_30 : memref<42x1x8x128xf32, #tpu.memory_space<hbm>>) target_semaphore(%arg8 : memref<!tpu.dma_semaphore, #tpu.memory_space<semaphore_mem>>)
    %scan3A_31 = arith.constant 0 : i32
    %scan3A_32 = arith.constant 42 : i32
    %scan3A_33 = arith.addi %scan3A_31, %scan3A_32 : i32
    %scan3A_34 = arith.constant 1 : i32
    scf.for %scan3A_106 = %scan3A_31 to %scan3A_33 step %scan3A_34  : i32 {
      %swap3A = arith.constant 0 : i32
      %swap3A_107 = arith.constant 0 : i32
      %swap3A_108 = arith.index_cast %scan3A_106 : i32 to index
      %swap3A_109 = arith.index_cast %swap3A : i32 to index
      %swap3A_110 = arith.index_cast %swap3A_107 : i32 to index
      %swap3A_111 = arith.constant 0 : index
      %swap3A_112 = tpu.vector_load %arg6[%swap3A_108, %swap3A_109, %swap3A_110, %swap3A_111] {strides = array<i32>} : memref<42x1x8x128xf32, #tpu.memory_space<vmem>>, vector<16xf32>,
      tpu.vector_store %arg6[%swap3A_108, %swap3A_109, %swap3A_110, %swap3A_111], %broadcast_in_dim3A_6 {strides = array<i32>} : memref<42x1x8x128xf32, #tpu.memory_space<vmem>>, vector<16xf32>,
      %swap3A_113 = arith.constant 0 : i32
      %swap3A_114 = arith.constant 0 : i32
      %swap3A_115 = arith.index_cast %scan3A_106 : i32 to index
      %swap3A_116 = arith.index_cast %swap3A_113 : i32 to index
      %swap3A_117 = arith.index_cast %swap3A_114 : i32 to index
      %swap3A_118 = arith.constant 16 : index
      %swap3A_119 = tpu.vector_load %arg6[%swap3A_115, %swap3A_116, %swap3A_117, %swap3A_118] {strides = array<i32>} : memref<42x1x8x128xf32, #tpu.memory_space<vmem>>, vector<16xf32>,
      tpu.vector_store %arg6[%swap3A_115, %swap3A_116, %swap3A_117, %swap3A_118], %broadcast_in_dim3A_6 {strides = array<i32>} : memref<42x1x8x128xf32, #tpu.memory_space<vmem>>, vector<16xf32>,
      %swap3A_120 = arith.constant 0 : i32
      %swap3A_121 = arith.constant 0 : i32
      %swap3A_122 = arith.index_cast %scan3A_106 : i32 to index
      %swap3A_123 = arith.index_cast %swap3A_120 : i32 to index
      %swap3A_124 = arith.index_cast %swap3A_121 : i32 to index
      %swap3A_125 = arith.constant 32 : index
      %swap3A_126 = tpu.vector_load %arg6[%swap3A_122, %swap3A_123, %swap3A_124, %swap3A_125] {strides = array<i32>} : memref<42x1x8x128xf32, #tpu.memory_space<vmem>>, vector<16xf32>,
      tpu.vector_store %arg6[%swap3A_122, %swap3A_123, %swap3A_124, %swap3A_125], %broadcast_in_dim3A_6 {strides = array<i32>} : memref<42x1x8x128xf32, #tpu.memory_space<vmem>>, vector<16xf32>,
      %swap3A_127 = arith.constant 0 : i32
      %swap3A_128 = arith.constant 0 : i32
      %swap3A_129 = arith.index_cast %scan3A_106 : i32 to index
      %swap3A_130 = arith.index_cast %swap3A_127 : i32 to index
      %swap3A_131 = arith.index_cast %swap3A_128 : i32 to index
      %swap3A_132 = arith.constant 48 : index
      %swap3A_133 = tpu.vector_load %arg6[%swap3A_129, %swap3A_130, %swap3A_131, %swap3A_132] {strides = array<i32>} : memref<42x1x8x128xf32, #tpu.memory_space<vmem>>, vector<16xf32>,
      tpu.vector_store %arg6[%swap3A_129, %swap3A_130, %swap3A_131, %swap3A_132], %broadcast_in_dim3A_6 {strides = array<i32>} : memref<42x1x8x128xf32, #tpu.memory_space<vmem>>, vector<16xf32>,
      %swap3A_134 = arith.constant 0 : i32
      %swap3A_135 = arith.constant 0 : i32
      %swap3A_136 = arith.index_cast %scan3A_106 : i32 to index
      %swap3A_137 = arith.index_cast %swap3A_134 : i32 to index
      %swap3A_138 = arith.index_cast %swap3A_135 : i32 to index
      %swap3A_139 = arith.constant 64 : index
      %swap3A_140 = tpu.vector_load %arg6[%swap3A_136, %swap3A_137, %swap3A_138, %swap3A_139] {strides = array<i32>} : memref<42x1x8x128xf32, #tpu.memory_space<vmem>>, vector<16xf32>,
      tpu.vector_store %arg6[%swap3A_136, %swap3A_137, %swap3A_138, %swap3A_139], %broadcast_in_dim3A_6 {strides = array<i32>} : memref<42x1x8x128xf32, #tpu.memory_space<vmem>>, vector<16xf32>,
      %swap3A_141 = arith.constant 0 : i32
      %swap3A_142 = arith.constant 0 : i32
      %swap3A_143 = arith.index_cast %scan3A_106 : i32 to index
      %swap3A_144 = arith.index_cast %swap3A_141 : i32 to index
      %swap3A_145 = arith.index_cast %swap3A_142 : i32 to index
      %swap3A_146 = arith.constant 80 : index
      %swap3A_147 = tpu.vector_load %arg6[%swap3A_143, %swap3A_144, %swap3A_145, %swap3A_146] {strides = array<i32>} : memref<42x1x8x128xf32, #tpu.memory_space<vmem>>, vector<16xf32>,
      tpu.vector_store %arg6[%swap3A_143, %swap3A_144, %swap3A_145, %swap3A_146], %broadcast_in_dim3A_6 {strides = array<i32>} : memref<42x1x8x128xf32, #tpu.memory_space<vmem>>, vector<16xf32>,
      %swap3A_148 = arith.constant 0 : i32
      %swap3A_149 = arith.constant 0 : i32
      %swap3A_150 = arith.index_cast %scan3A_106 : i32 to index
      %swap3A_151 = arith.index_cast %swap3A_148 : i32 to index
      %swap3A_152 = arith.index_cast %swap3A_149 : i32 to index
      %swap3A_153 = arith.constant 96 : index
      %swap3A_154 = tpu.vector_load %arg6[%swap3A_150, %swap3A_151, %swap3A_152, %swap3A_153] {strides = array<i32>} : memref<42x1x8x128xf32, #tpu.memory_space<vmem>>, vector<16xf32>,
      tpu.vector_store %arg6[%swap3A_150, %swap3A_151, %swap3A_152, %swap3A_153], %broadcast_in_dim3A_6 {strides = array<i32>} : memref<42x1x8x128xf32, #tpu.memory_space<vmem>>, vector<16xf32>,
      %swap3A_155 = arith.constant 0 : i32
      %swap3A_156 = arith.constant 0 : i32
      %swap3A_157 = arith.index_cast %scan3A_106 : i32 to index
      %swap3A_158 = arith.index_cast %swap3A_155 : i32 to index
      %swap3A_159 = arith.index_cast %swap3A_156 : i32 to index
      %swap3A_160 = arith.constant 112 : index
      %swap3A_161 = tpu.vector_load %arg6[%swap3A_157, %swap3A_158, %swap3A_159, %swap3A_160] {strides = array<i32>} : memref<42x1x8x128xf32, #tpu.memory_space<vmem>>, vector<16xf32>,
      tpu.vector_store %arg6[%swap3A_157, %swap3A_158, %swap3A_159, %swap3A_160], %broadcast_in_dim3A_6 {strides = array<i32>} : memref<42x1x8x128xf32, #tpu.memory_space<vmem>>, vector<16xf32>,
      %swap3A_162 = arith.constant 0 : i32
      %swap3A_163 = arith.constant 1 : i32
      %swap3A_164 = arith.index_cast %scan3A_106 : i32 to index
      %swap3A_165 = arith.index_cast %swap3A_162 : i32 to index
      %swap3A_166 = arith.index_cast %swap3A_163 : i32 to index
      %swap3A_167 = arith.constant 0 : index
      %swap3A_168 = tpu.vector_load %arg6[%swap3A_164, %swap3A_165, %swap3A_166, %swap3A_167] {strides = array<i32>} : memref<42x1x8x128xf32, #tpu.memory_space<vmem>>, vector<16xf32>,
      tpu.vector_store %arg6[%swap3A_164, %swap3A_165, %swap3A_166, %swap3A_167], %broadcast_in_dim3A_6 {strides = array<i32>} : memref<42x1x8x128xf32, #tpu.memory_space<vmem>>, vector<16xf32>,
      %swap3A_169 = arith.constant 0 : i32
      %swap3A_170 = arith.constant 1 : i32
      %swap3A_171 = arith.index_cast %scan3A_106 : i32 to index
      %swap3A_172 = arith.index_cast %swap3A_169 : i32 to index
      %swap3A_173 = arith.index_cast %swap3A_170 : i32 to index
      %swap3A_174 = arith.constant 16 : index
      %swap3A_175 = tpu.vector_load %arg6[%swap3A_171, %swap3A_172, %swap3A_173, %swap3A_174] {strides = array<i32>} : memref<42x1x8x128xf32, #tpu.memory_space<vmem>>, vector<16xf32>,
      tpu.vector_store %arg6[%swap3A_171, %swap3A_172, %swap3A_173, %swap3A_174], %broadcast_in_dim3A_6 {strides = array<i32>} : memref<42x1x8x128xf32, #tpu.memory_space<vmem>>, vector<16xf32>,
      %swap3A_176 = arith.constant 0 : i32
      %swap3A_177 = arith.constant 1 : i32
      %swap3A_178 = arith.index_cast %scan3A_106 : i32 to index
      %swap3A_179 = arith.index_cast %swap3A_176 : i32 to index
      %swap3A_180 = arith.index_cast %swap3A_177 : i32 to index
      %swap3A_181 = arith.constant 32 : index
      %swap3A_182 = tpu.vector_load %arg6[%swap3A_178, %swap3A_179, %swap3A_180, %swap3A_181] {strides = array<i32>} : memref<42x1x8x128xf32, #tpu.memory_space<vmem>>, vector<16xf32>,
      tpu.vector_store %arg6[%swap3A_178, %swap3A_179, %swap3A_180, %swap3A_181], %broadcast_in_dim3A_6 {strides = array<i32>} : memref<42x1x8x128xf32, #tpu.memory_space<vmem>>, vector<16xf32>,
      %swap3A_183 = arith.constant 0 : i32
      %swap3A_184 = arith.constant 1 : i32
      %swap3A_185 = arith.index_cast %scan3A_106 : i32 to index
      %swap3A_186 = arith.index_cast %swap3A_183 : i32 to index
      %swap3A_187 = arith.index_cast %swap3A_184 : i32 to index
      %swap3A_188 = arith.constant 48 : index
      %swap3A_189 = tpu.vector_load %arg6[%swap3A_185, %swap3A_186, %swap3A_187, %swap3A_188] {strides = array<i32>} : memref<42x1x8x128xf32, #tpu.memory_space<vmem>>, vector<16xf32>,
      tpu.vector_store %arg6[%swap3A_185, %swap3A_186, %swap3A_187, %swap3A_188], %broadcast_in_dim3A_6 {strides = array<i32>} : memref<42x1x8x128xf32, #tpu.memory_space<vmem>>, vector<16xf32>,
      %swap3A_190 = arith.constant 0 : i32
      %swap3A_191 = arith.constant 1 : i32
      %swap3A_192 = arith.index_cast %scan3A_106 : i32 to index
      %swap3A_193 = arith.index_cast %swap3A_190 : i32 to index
      %swap3A_194 = arith.index_cast %swap3A_191 : i32 to index
      %swap3A_195 = arith.constant 64 : index
      %swap3A_196 = tpu.vector_load %arg6[%swap3A_192, %swap3A_193, %swap3A_194, %swap3A_195] {strides = array<i32>} : memref<42x1x8x128xf32, #tpu.memory_space<vmem>>, vector<16xf32>,
      tpu.vector_store %arg6[%swap3A_192, %swap3A_193, %swap3A_194, %swap3A_195], %broadcast_in_dim3A_6 {strides = array<i32>} : memref<42x1x8x128xf32, #tpu.memory_space<vmem>>, vector<16xf32>,
      %swap3A_197 = arith.constant 0 : i32
      %swap3A_198 = arith.constant 1 : i32
      %swap3A_199 = arith.index_cast %scan3A_106 : i32 to index
      %swap3A_200 = arith.index_cast %swap3A_197 : i32 to index
      %swap3A_201 = arith.index_cast %swap3A_198 : i32 to index
      %swap3A_202 = arith.constant 80 : index
      %swap3A_203 = tpu.vector_load %arg6[%swap3A_199, %swap3A_200, %swap3A_201, %swap3A_202] {strides = array<i32>} : memref<42x1x8x128xf32, #tpu.memory_space<vmem>>, vector<16xf32>,
      tpu.vector_store %arg6[%swap3A_199, %swap3A_200, %swap3A_201, %swap3A_202], %broadcast_in_dim3A_6 {strides = array<i32>} : memref<42x1x8x128xf32, #tpu.memory_space<vmem>>, vector<16xf32>,
      %swap3A_204 = arith.constant 0 : i32
      %swap3A_205 = arith.constant 1 : i32
      %swap3A_206 = arith.index_cast %scan3A_106 : i32 to index
      %swap3A_207 = arith.index_cast %swap3A_204 : i32 to index
      %swap3A_208 = arith.index_cast %swap3A_205 : i32 to index
      %swap3A_209 = arith.constant 96 : index
      %swap3A_210 = tpu.vector_load %arg6[%swap3A_206, %swap3A_207, %swap3A_208, %swap3A_209] {strides = array<i32>} : memref<42x1x8x128xf32, #tpu.memory_space<vmem>>, vector<16xf32>,
      tpu.vector_store %arg6[%swap3A_206, %swap3A_207, %swap3A_208, %swap3A_209], %broadcast_in_dim3A_6 {strides = array<i32>} : memref<42x1x8x128xf32, #tpu.memory_space<vmem>>, vector<16xf32>,
      %swap3A_211 = arith.constant 0 : i32
      %swap3A_212 = arith.constant 1 : i32
      %swap3A_213 = arith.index_cast %scan3A_106 : i32 to index
      %swap3A_214 = arith.index_cast %swap3A_211 : i32 to index
      %swap3A_215 = arith.index_cast %swap3A_212 : i32 to index
      %swap3A_216 = arith.constant 112 : index
      %swap3A_217 = tpu.vector_load %arg6[%swap3A_213, %swap3A_214, %swap3A_215, %swap3A_216] {strides = array<i32>} : memref<42x1x8x128xf32, #tpu.memory_space<vmem>>, vector<16xf32>,
      tpu.vector_store %arg6[%swap3A_213, %swap3A_214, %swap3A_215, %swap3A_216], %broadcast_in_dim3A_6 {strides = array<i32>} : memref<42x1x8x128xf32, #tpu.memory_space<vmem>>, vector<16xf32>,
      %swap3A_218 = arith.constant 0 : i32
      %swap3A_219 = arith.constant 2 : i32
      %swap3A_220 = arith.index_cast %scan3A_106 : i32 to index
      %swap3A_221 = arith.index_cast %swap3A_218 : i32 to index
      %swap3A_222 = arith.index_cast %swap3A_219 : i32 to index
      %swap3A_223 = arith.constant 0 : index
      %swap3A_224 = tpu.vector_load %arg6[%swap3A_220, %swap3A_221, %swap3A_222, %swap3A_223] {strides = array<i32>} : memref<42x1x8x128xf32, #tpu.memory_space<vmem>>, vector<16xf32>,
      tpu.vector_store %arg6[%swap3A_220, %swap3A_221, %swap3A_222, %swap3A_223], %broadcast_in_dim3A_6 {strides = array<i32>} : memref<42x1x8x128xf32, #tpu.memory_space<vmem>>, vector<16xf32>,
      %swap3A_225 = arith.constant 0 : i32
      %swap3A_226 = arith.constant 2 : i32
      %swap3A_227 = arith.index_cast %scan3A_106 : i32 to index
      %swap3A_228 = arith.index_cast %swap3A_225 : i32 to index
      %swap3A_229 = arith.index_cast %swap3A_226 : i32 to index
      %swap3A_230 = arith.constant 16 : index
      %swap3A_231 = tpu.vector_load %arg6[%swap3A_227, %swap3A_228, %swap3A_229, %swap3A_230] {strides = array<i32>} : memref<42x1x8x128xf32, #tpu.memory_space<vmem>>, vector<16xf32>,
      tpu.vector_store %arg6[%swap3A_227, %swap3A_228, %swap3A_229, %swap3A_230], %broadcast_in_dim3A_6 {strides = array<i32>} : memref<42x1x8x128xf32, #tpu.memory_space<vmem>>, vector<16xf32>,
      %swap3A_232 = arith.constant 0 : i32
      %swap3A_233 = arith.constant 2 : i32
      %swap3A_234 = arith.index_cast %scan3A_106 : i32 to index
      %swap3A_235 = arith.index_cast %swap3A_232 : i32 to index
      %swap3A_236 = arith.index_cast %swap3A_233 : i32 to index
      %swap3A_237 = arith.constant 32 : index
      %swap3A_238 = tpu.vector_load %arg6[%swap3A_234, %swap3A_235, %swap3A_236, %swap3A_237] {strides = array<i32>} : memref<42x1x8x128xf32, #tpu.memory_space<vmem>>, vector<16xf32>,
      tpu.vector_store %arg6[%swap3A_234, %swap3A_235, %swap3A_236, %swap3A_237], %broadcast_in_dim3A_6 {strides = array<i32>} : memref<42x1x8x128xf32, #tpu.memory_space<vmem>>, vector<16xf32>,
      %swap3A_239 = arith.constant 0 : i32
      %swap3A_240 = arith.constant 2 : i32
      %swap3A_241 = arith.index_cast %scan3A_106 : i32 to index
      %swap3A_242 = arith.index_cast %swap3A_239 : i32 to index
      %swap3A_243 = arith.index_cast %swap3A_240 : i32 to index
      %swap3A_244 = arith.constant 48 : index
      %swap3A_245 = tpu.vector_load %arg6[%swap3A_241, %swap3A_242, %swap3A_243, %swap3A_244] {strides = array<i32>} : memref<42x1x8x128xf32, #tpu.memory_space<vmem>>, vector<16xf32>,
      tpu.vector_store %arg6[%swap3A_241, %swap3A_242, %swap3A_243, %swap3A_244], %broadcast_in_dim3A_6 {strides = array<i32>} : memref<42x1x8x128xf32, #tpu.memory_space<vmem>>, vector<16xf32>,
      %swap3A_246 = arith.constant 0 : i32
      %swap3A_247 = arith.constant 2 : i32
      %swap3A_248 = arith.index_cast %scan3A_106 : i32 to index
      %swap3A_249 = arith.index_cast %swap3A_246 : i32 to index
      %swap3A_250 = arith.index_cast %swap3A_247 : i32 to index
      %swap3A_251 = arith.constant 64 : index
      %swap3A_252 = tpu.vector_load %arg6[%swap3A_248, %swap3A_249, %swap3A_250, %swap3A_251] {strides = array<i32>} : memref<42x1x8x128xf32, #tpu.memory_space<vmem>>, vector<16xf32>,
      tpu.vector_store %arg6[%swap3A_248, %swap3A_249, %swap3A_250, %swap3A_251], %broadcast_in_dim3A_6 {strides = array<i32>} : memref<42x1x8x128xf32, #tpu.memory_space<vmem>>, vector<16xf32>,
      %swap3A_253 = arith.constant 0 : i32
      %swap3A_254 = arith.constant 2 : i32
      %swap3A_255 = arith.index_cast %scan3A_106 : i32 to index
      %swap3A_256 = arith.index_cast %swap3A_253 : i32 to index
      %swap3A_257 = arith.index_cast %swap3A_254 : i32 to index
      %swap3A_258 = arith.constant 80 : index
      %swap3A_259 = tpu.vector_load %arg6[%swap3A_255, %swap3A_256, %swap3A_257, %swap3A_258] {strides = array<i32>} : memref<42x1x8x128xf32, #tpu.memory_space<vmem>>, vector<16xf32>,
      tpu.vector_store %arg6[%swap3A_255, %swap3A_256, %swap3A_257, %swap3A_258], %broadcast_in_dim3A_6 {strides = array<i32>} : memref<42x1x8x128xf32, #tpu.memory_space<vmem>>, vector<16xf32>,
      %swap3A_260 = arith.constant 0 : i32
      %swap3A_261 = arith.constant 2 : i32
      %swap3A_262 = arith.index_cast %scan3A_106 : i32 to index
      %swap3A_263 = arith.index_cast %swap3A_260 : i32 to index
      %swap3A_264 = arith.index_cast %swap3A_261 : i32 to index
      %swap3A_265 = arith.constant 96 : index
      %swap3A_266 = tpu.vector_load %arg6[%swap3A_262, %swap3A_263, %swap3A_264, %swap3A_265] {strides = array<i32>} : memref<42x1x8x128xf32, #tpu.memory_space<vmem>>, vector<16xf32>,
      tpu.vector_store %arg6[%swap3A_262, %swap3A_263, %swap3A_264, %swap3A_265], %broadcast_in_dim3A_6 {strides = array<i32>} : memref<42x1x8x128xf32, #tpu.memory_space<vmem>>, vector<16xf32>,
      %swap3A_267 = arith.constant 0 : i32
      %swap3A_268 = arith.constant 2 : i32
      %swap3A_269 = arith.index_cast %scan3A_106 : i32 to index
      %swap3A_270 = arith.index_cast %swap3A_267 : i32 to index
      %swap3A_271 = arith.index_cast %swap3A_268 : i32 to index
      %swap3A_272 = arith.constant 112 : index
      %swap3A_273 = tpu.vector_load %arg6[%swap3A_269, %swap3A_270, %swap3A_271, %swap3A_272] {strides = array<i32>} : memref<42x1x8x128xf32, #tpu.memory_space<vmem>>, vector<16xf32>,
      tpu.vector_store %arg6[%swap3A_269, %swap3A_270, %swap3A_271, %swap3A_272], %broadcast_in_dim3A_6 {strides = array<i32>} : memref<42x1x8x128xf32, #tpu.memory_space<vmem>>, vector<16xf32>,
      %swap3A_274 = arith.constant 0 : i32
      %swap3A_275 = arith.constant 3 : i32
      %swap3A_276 = arith.index_cast %scan3A_106 : i32 to index
      %swap3A_277 = arith.index_cast %swap3A_274 : i32 to index
      %swap3A_278 = arith.index_cast %swap3A_275 : i32 to index
      %swap3A_279 = arith.constant 0 : index
      %swap3A_280 = tpu.vector_load %arg6[%swap3A_276, %swap3A_277, %swap3A_278, %swap3A_279] {strides = array<i32>} : memref<42x1x8x128xf32, #tpu.memory_space<vmem>>, vector<16xf32>,
      tpu.vector_store %arg6[%swap3A_276, %swap3A_277, %swap3A_278, %swap3A_279], %broadcast_in_dim3A_6 {strides = array<i32>} : memref<42x1x8x128xf32, #tpu.memory_space<vmem>>, vector<16xf32>,
      %swap3A_281 = arith.constant 0 : i32
      %swap3A_282 = arith.constant 3 : i32
      %swap3A_283 = arith.index_cast %scan3A_106 : i32 to index
      %swap3A_284 = arith.index_cast %swap3A_281 : i32 to index
      %swap3A_285 = arith.index_cast %swap3A_282 : i32 to index
      %swap3A_286 = arith.constant 16 : index
      %swap3A_287 = tpu.vector_load %arg6[%swap3A_283, %swap3A_284, %swap3A_285, %swap3A_286] {strides = array<i32>} : memref<42x1x8x128xf32, #tpu.memory_space<vmem>>, vector<16xf32>,
      tpu.vector_store %arg6[%swap3A_283, %swap3A_284, %swap3A_285, %swap3A_286], %broadcast_in_dim3A_6 {strides = array<i32>} : memref<42x1x8x128xf32, #tpu.memory_space<vmem>>, vector<16xf32>,
      %swap3A_288 = arith.constant 0 : i32
      %swap3A_289 = arith.constant 3 : i32
      %swap3A_290 = arith.index_cast %scan3A_106 : i32 to index
      %swap3A_291 = arith.index_cast %swap3A_288 : i32 to index
      %swap3A_292 = arith.index_cast %swap3A_289 : i32 to index
      %swap3A_293 = arith.constant 32 : index
      %swap3A_294 = tpu.vector_load %arg6[%swap3A_290, %swap3A_291, %swap3A_292, %swap3A_293] {strides = array<i32>} : memref<42x1x8x128xf32, #tpu.memory_space<vmem>>, vector<16xf32>,
      tpu.vector_store %arg6[%swap3A_290, %swap3A_291, %swap3A_292, %swap3A_293], %broadcast_in_dim3A_6 {strides = array<i32>} : memref<42x1x8x128xf32, #tpu.memory_space<vmem>>, vector<16xf32>,
      %swap3A_295 = arith.constant 0 : i32
      %swap3A_296 = arith.constant 3 : i32
      %swap3A_297 = arith.index_cast %scan3A_106 : i32 to index
      %swap3A_298 = arith.index_cast %swap3A_295 : i32 to index
      %swap3A_299 = arith.index_cast %swap3A_296 : i32 to index
      %swap3A_300 = arith.constant 48 : index
      %swap3A_301 = tpu.vector_load %arg6[%swap3A_297, %swap3A_298, %swap3A_299, %swap3A_300] {strides = array<i32>} : memref<42x1x8x128xf32, #tpu.memory_space<vmem>>, vector<16xf32>,
      tpu.vector_store %arg6[%swap3A_297, %swap3A_298, %swap3A_299, %swap3A_300], %broadcast_in_dim3A_6 {strides = array<i32>} : memref<42x1x8x128xf32, #tpu.memory_space<vmem>>, vector<16xf32>,
      %swap3A_302 = arith.constant 0 : i32
      %swap3A_303 = arith.constant 3 : i32
      %swap3A_304 = arith.index_cast %scan3A_106 : i32 to index
      %swap3A_305 = arith.index_cast %swap3A_302 : i32 to index
      %swap3A_306 = arith.index_cast %swap3A_303 : i32 to index
      %swap3A_307 = arith.constant 64 : index
      %swap3A_308 = tpu.vector_load %arg6[%swap3A_304, %swap3A_305, %swap3A_306, %swap3A_307] {strides = array<i32>} : memref<42x1x8x128xf32, #tpu.memory_space<vmem>>, vector<16xf32>,
      tpu.vector_store %arg6[%swap3A_304, %swap3A_305, %swap3A_306, %swap3A_307], %broadcast_in_dim3A_6 {strides = array<i32>} : memref<42x1x8x128xf32, #tpu.memory_space<vmem>>, vector<16xf32>,
      %swap3A_309 = arith.constant 0 : i32
      %swap3A_310 = arith.constant 3 : i32
      %swap3A_311 = arith.index_cast %scan3A_106 : i32 to index
      %swap3A_312 = arith.index_cast %swap3A_309 : i32 to index
      %swap3A_313 = arith.index_cast %swap3A_310 : i32 to index
      %swap3A_314 = arith.constant 80 : index
      %swap3A_315 = tpu.vector_load %arg6[%swap3A_311, %swap3A_312, %swap3A_313, %swap3A_314] {strides = array<i32>} : memref<42x1x8x128xf32, #tpu.memory_space<vmem>>, vector<16xf32>,
      tpu.vector_store %arg6[%swap3A_311, %swap3A_312, %swap3A_313, %swap3A_314], %broadcast_in_dim3A_6 {strides = array<i32>} : memref<42x1x8x128xf32, #tpu.memory_space<vmem>>, vector<16xf32>,
      %swap3A_316 = arith.constant 0 : i32
      %swap3A_317 = arith.constant 3 : i32
      %swap3A_318 = arith.index_cast %scan3A_106 : i32 to index
      %swap3A_319 = arith.index_cast %swap3A_316 : i32 to index
      %swap3A_320 = arith.index_cast %swap3A_317 : i32 to index
      %swap3A_321 = arith.constant 96 : index
      %swap3A_322 = tpu.vector_load %arg6[%swap3A_318, %swap3A_319, %swap3A_320, %swap3A_321] {strides = array<i32>} : memref<42x1x8x128xf32, #tpu.memory_space<vmem>>, vector<16xf32>,
      tpu.vector_store %arg6[%swap3A_318, %swap3A_319, %swap3A_320, %swap3A_321], %broadcast_in_dim3A_6 {strides = array<i32>} : memref<42x1x8x128xf32, #tpu.memory_space<vmem>>, vector<16xf32>,
      %swap3A_323 = arith.constant 0 : i32
      %swap3A_324 = arith.constant 3 : i32
      %swap3A_325 = arith.index_cast %scan3A_106 : i32 to index
      %swap3A_326 = arith.index_cast %swap3A_323 : i32 to index
      %swap3A_327 = arith.index_cast %swap3A_324 : i32 to index
      %swap3A_328 = arith.constant 112 : index
      %swap3A_329 = tpu.vector_load %arg6[%swap3A_325, %swap3A_326, %swap3A_327, %swap3A_328] {strides = array<i32>} : memref<42x1x8x128xf32, #tpu.memory_space<vmem>>, vector<16xf32>,
      tpu.vector_store %arg6[%swap3A_325, %swap3A_326, %swap3A_327, %swap3A_328], %broadcast_in_dim3A_6 {strides = array<i32>} : memref<42x1x8x128xf32, #tpu.memory_space<vmem>>, vector<16xf32>,
      %swap3A_330 = arith.constant 0 : i32
      %swap3A_331 = arith.constant 4 : i32
      %swap3A_332 = arith.index_cast %scan3A_106 : i32 to index
      %swap3A_333 = arith.index_cast %swap3A_330 : i32 to index
      %swap3A_334 = arith.index_cast %swap3A_331 : i32 to index
      %swap3A_335 = arith.constant 0 : index
      %swap3A_336 = tpu.vector_load %arg6[%swap3A_332, %swap3A_333, %swap3A_334, %swap3A_335] {strides = array<i32>} : memref<42x1x8x128xf32, #tpu.memory_space<vmem>>, vector<16xf32>,
      tpu.vector_store %arg6[%swap3A_332, %swap3A_333, %swap3A_334, %swap3A_335], %broadcast_in_dim3A_6 {strides = array<i32>} : memref<42x1x8x128xf32, #tpu.memory_space<vmem>>, vector<16xf32>,
      %swap3A_337 = arith.constant 0 : i32
      %swap3A_338 = arith.constant 4 : i32
      %swap3A_339 = arith.index_cast %scan3A_106 : i32 to index
      %swap3A_340 = arith.index_cast %swap3A_337 : i32 to index
      %swap3A_341 = arith.index_cast %swap3A_338 : i32 to index
      %swap3A_342 = arith.constant 16 : index
      %swap3A_343 = tpu.vector_load %arg6[%swap3A_339, %swap3A_340, %swap3A_341, %swap3A_342] {strides = array<i32>} : memref<42x1x8x128xf32, #tpu.memory_space<vmem>>, vector<16xf32>,
      tpu.vector_store %arg6[%swap3A_339, %swap3A_340, %swap3A_341, %swap3A_342], %broadcast_in_dim3A_6 {strides = array<i32>} : memref<42x1x8x128xf32, #tpu.memory_space<vmem>>, vector<16xf32>,
      %swap3A_344 = arith.constant 0 : i32
      %swap3A_345 = arith.constant 4 : i32
      %swap3A_346 = arith.index_cast %scan3A_106 : i32 to index
      %swap3A_347 = arith.index_cast %swap3A_344 : i32 to index
      %swap3A_348 = arith.index_cast %swap3A_345 : i32 to index
      %swap3A_349 = arith.constant 32 : index
      %swap3A_350 = tpu.vector_load %arg6[%swap3A_346, %swap3A_347, %swap3A_348, %swap3A_349] {strides = array<i32>} : memref<42x1x8x128xf32, #tpu.memory_space<vmem>>, vector<16xf32>,
      tpu.vector_store %arg6[%swap3A_346, %swap3A_347, %swap3A_348, %swap3A_349], %broadcast_in_dim3A_6 {strides = array<i32>} : memref<42x1x8x128xf32, #tpu.memory_space<vmem>>, vector<16xf32>,
      %swap3A_351 = arith.constant 0 : i32
      %swap3A_352 = arith.constant 4 : i32
      %swap3A_353 = arith.index_cast %scan3A_106 : i32 to index
      %swap3A_354 = arith.index_cast %swap3A_351 : i32 to index
      %swap3A_355 = arith.index_cast %swap3A_352 : i32 to index
      %swap3A_356 = arith.constant 48 : index
      %swap3A_357 = tpu.vector_load %arg6[%swap3A_353, %swap3A_354, %swap3A_355, %swap3A_356] {strides = array<i32>} : memref<42x1x8x128xf32, #tpu.memory_space<vmem>>, vector<16xf32>,
      tpu.vector_store %arg6[%swap3A_353, %swap3A_354, %swap3A_355, %swap3A_356], %broadcast_in_dim3A_6 {strides = array<i32>} : memref<42x1x8x128xf32, #tpu.memory_space<vmem>>, vector<16xf32>,
      %swap3A_358 = arith.constant 0 : i32
      %swap3A_359 = arith.constant 4 : i32
      %swap3A_360 = arith.index_cast %scan3A_106 : i32 to index
      %swap3A_361 = arith.index_cast %swap3A_358 : i32 to index
      %swap3A_362 = arith.index_cast %swap3A_359 : i32 to index
      %swap3A_363 = arith.constant 64 : index
      %swap3A_364 = tpu.vector_load %arg6[%swap3A_360, %swap3A_361, %swap3A_362, %swap3A_363] {strides = array<i32>} : memref<42x1x8x128xf32, #tpu.memory_space<vmem>>, vector<16xf32>,
      tpu.vector_store %arg6[%swap3A_360, %swap3A_361, %swap3A_362, %swap3A_363], %broadcast_in_dim3A_6 {strides = array<i32>} : memref<42x1x8x128xf32, #tpu.memory_space<vmem>>, vector<16xf32>,
      %swap3A_365 = arith.constant 0 : i32
      %swap3A_366 = arith.constant 4 : i32
      %swap3A_367 = arith.index_cast %scan3A_106 : i32 to index
      %swap3A_368 = arith.index_cast %swap3A_365 : i32 to index
      %swap3A_369 = arith.index_cast %swap3A_366 : i32 to index
      %swap3A_370 = arith.constant 80 : index
      %swap3A_371 = tpu.vector_load %arg6[%swap3A_367, %swap3A_368, %swap3A_369, %swap3A_370] {strides = array<i32>} : memref<42x1x8x128xf32, #tpu.memory_space<vmem>>, vector<16xf32>,
      tpu.vector_store %arg6[%swap3A_367, %swap3A_368, %swap3A_369, %swap3A_370], %broadcast_in_dim3A_6 {strides = array<i32>} : memref<42x1x8x128xf32, #tpu.memory_space<vmem>>, vector<16xf32>,
      %swap3A_372 = arith.constant 0 : i32
      %swap3A_373 = arith.constant 4 : i32
      %swap3A_374 = arith.index_cast %scan3A_106 : i32 to index
      %swap3A_375 = arith.index_cast %swap3A_372 : i32 to index
      %swap3A_376 = arith.index_cast %swap3A_373 : i32 to index
      %swap3A_377 = arith.constant 96 : index
      %swap3A_378 = tpu.vector_load %arg6[%swap3A_374, %swap3A_375, %swap3A_376, %swap3A_377] {strides = array<i32>} : memref<42x1x8x128xf32, #tpu.memory_space<vmem>>, vector<16xf32>,
      tpu.vector_store %arg6[%swap3A_374, %swap3A_375, %swap3A_376, %swap3A_377], %broadcast_in_dim3A_6 {strides = array<i32>} : memref<42x1x8x128xf32, #tpu.memory_space<vmem>>, vector<16xf32>,
      %swap3A_379 = arith.constant 0 : i32
      %swap3A_380 = arith.constant 4 : i32
      %swap3A_381 = arith.index_cast %scan3A_106 : i32 to index
      %swap3A_382 = arith.index_cast %swap3A_379 : i32 to index
      %swap3A_383 = arith.index_cast %swap3A_380 : i32 to index
      %swap3A_384 = arith.constant 112 : index
      %swap3A_385 = tpu.vector_load %arg6[%swap3A_381, %swap3A_382, %swap3A_383, %swap3A_384] {strides = array<i32>} : memref<42x1x8x128xf32, #tpu.memory_space<vmem>>, vector<16xf32>,
      tpu.vector_store %arg6[%swap3A_381, %swap3A_382, %swap3A_383, %swap3A_384], %broadcast_in_dim3A_6 {strides = array<i32>} : memref<42x1x8x128xf32, #tpu.memory_space<vmem>>, vector<16xf32>,
      %swap3A_386 = arith.constant 0 : i32
      %swap3A_387 = arith.constant 5 : i32
      %swap3A_388 = arith.index_cast %scan3A_106 : i32 to index
      %swap3A_389 = arith.index_cast %swap3A_386 : i32 to index
      %swap3A_390 = arith.index_cast %swap3A_387 : i32 to index
      %swap3A_391 = arith.constant 0 : index
      %swap3A_392 = tpu.vector_load %arg6[%swap3A_388, %swap3A_389, %swap3A_390, %swap3A_391] {strides = array<i32>} : memref<42x1x8x128xf32, #tpu.memory_space<vmem>>, vector<16xf32>,
      tpu.vector_store %arg6[%swap3A_388, %swap3A_389, %swap3A_390, %swap3A_391], %broadcast_in_dim3A_6 {strides = array<i32>} : memref<42x1x8x128xf32, #tpu.memory_space<vmem>>, vector<16xf32>,
      %swap3A_393 = arith.constant 0 : i32
      %swap3A_394 = arith.constant 5 : i32
      %swap3A_395 = arith.index_cast %scan3A_106 : i32 to index
      %swap3A_396 = arith.index_cast %swap3A_393 : i32 to index
      %swap3A_397 = arith.index_cast %swap3A_394 : i32 to index
      %swap3A_398 = arith.constant 16 : index
      %swap3A_399 = tpu.vector_load %arg6[%swap3A_395, %swap3A_396, %swap3A_397, %swap3A_398] {strides = array<i32>} : memref<42x1x8x128xf32, #tpu.memory_space<vmem>>, vector<16xf32>,
      tpu.vector_store %arg6[%swap3A_395, %swap3A_396, %swap3A_397, %swap3A_398], %broadcast_in_dim3A_6 {strides = array<i32>} : memref<42x1x8x128xf32, #tpu.memory_space<vmem>>, vector<16xf32>,
      %swap3A_400 = arith.constant 0 : i32
      %swap3A_401 = arith.constant 5 : i32
      %swap3A_402 = arith.index_cast %scan3A_106 : i32 to index
      %swap3A_403 = arith.index_cast %swap3A_400 : i32 to index
      %swap3A_404 = arith.index_cast %swap3A_401 : i32 to index
      %swap3A_405 = arith.constant 32 : index
      %swap3A_406 = tpu.vector_load %arg6[%swap3A_402, %swap3A_403, %swap3A_404, %swap3A_405] {strides = array<i32>} : memref<42x1x8x128xf32, #tpu.memory_space<vmem>>, vector<16xf32>,
      tpu.vector_store %arg6[%swap3A_402, %swap3A_403, %swap3A_404, %swap3A_405], %broadcast_in_dim3A_6 {strides = array<i32>} : memref<42x1x8x128xf32, #tpu.memory_space<vmem>>, vector<16xf32>,
      %swap3A_407 = arith.constant 0 : i32
      %swap3A_408 = arith.constant 5 : i32
      %swap3A_409 = arith.index_cast %scan3A_106 : i32 to index
      %swap3A_410 = arith.index_cast %swap3A_407 : i32 to index
      %swap3A_411 = arith.index_cast %swap3A_408 : i32 to index
      %swap3A_412 = arith.constant 48 : index
      %swap3A_413 = tpu.vector_load %arg6[%swap3A_409, %swap3A_410, %swap3A_411, %swap3A_412] {strides = array<i32>} : memref<42x1x8x128xf32, #tpu.memory_space<vmem>>, vector<16xf32>,
      tpu.vector_store %arg6[%swap3A_409, %swap3A_410, %swap3A_411, %swap3A_412], %broadcast_in_dim3A_6 {strides = array<i32>} : memref<42x1x8x128xf32, #tpu.memory_space<vmem>>, vector<16xf32>,
      %swap3A_414 = arith.constant 0 : i32
      %swap3A_415 = arith.constant 5 : i32
      %swap3A_416 = arith.index_cast %scan3A_106 : i32 to index
      %swap3A_417 = arith.index_cast %swap3A_414 : i32 to index
      %swap3A_418 = arith.index_cast %swap3A_415 : i32 to index
      %swap3A_419 = arith.constant 64 : index
      %swap3A_420 = tpu.vector_load %arg6[%swap3A_416, %swap3A_417, %swap3A_418, %swap3A_419] {strides = array<i32>} : memref<42x1x8x128xf32, #tpu.memory_space<vmem>>, vector<16xf32>,
      tpu.vector_store %arg6[%swap3A_416, %swap3A_417, %swap3A_418, %swap3A_419], %broadcast_in_dim3A_6 {strides = array<i32>} : memref<42x1x8x128xf32, #tpu.memory_space<vmem>>, vector<16xf32>,
      %swap3A_421 = arith.constant 0 : i32
      %swap3A_422 = arith.constant 5 : i32
      %swap3A_423 = arith.index_cast %scan3A_106 : i32 to index
      %swap3A_424 = arith.index_cast %swap3A_421 : i32 to index
      %swap3A_425 = arith.index_cast %swap3A_422 : i32 to index
      %swap3A_426 = arith.constant 80 : index
      %swap3A_427 = tpu.vector_load %arg6[%swap3A_423, %swap3A_424, %swap3A_425, %swap3A_426] {strides = array<i32>} : memref<42x1x8x128xf32, #tpu.memory_space<vmem>>, vector<16xf32>,
      tpu.vector_store %arg6[%swap3A_423, %swap3A_424, %swap3A_425, %swap3A_426], %broadcast_in_dim3A_6 {strides = array<i32>} : memref<42x1x8x128xf32, #tpu.memory_space<vmem>>, vector<16xf32>,
      %swap3A_428 = arith.constant 0 : i32
      %swap3A_429 = arith.constant 5 : i32
      %swap3A_430 = arith.index_cast %scan3A_106 : i32 to index
      %swap3A_431 = arith.index_cast %swap3A_428 : i32 to index
      %swap3A_432 = arith.index_cast %swap3A_429 : i32 to index
      %swap3A_433 = arith.constant 96 : index
      %swap3A_434 = tpu.vector_load %arg6[%swap3A_430, %swap3A_431, %swap3A_432, %swap3A_433] {strides = array<i32>} : memref<42x1x8x128xf32, #tpu.memory_space<vmem>>, vector<16xf32>,
      tpu.vector_store %arg6[%swap3A_430, %swap3A_431, %swap3A_432, %swap3A_433], %broadcast_in_dim3A_6 {strides = array<i32>} : memref<42x1x8x128xf32, #tpu.memory_space<vmem>>, vector<16xf32>,
      %swap3A_435 = arith.constant 0 : i32
      %swap3A_436 = arith.constant 5 : i32
      %swap3A_437 = arith.index_cast %scan3A_106 : i32 to index
      %swap3A_438 = arith.index_cast %swap3A_435 : i32 to index
      %swap3A_439 = arith.index_cast %swap3A_436 : i32 to index
      %swap3A_440 = arith.constant 112 : index
      %swap3A_441 = tpu.vector_load %arg6[%swap3A_437, %swap3A_438, %swap3A_439, %swap3A_440] {strides = array<i32>} : memref<42x1x8x128xf32, #tpu.memory_space<vmem>>, vector<16xf32>,
      tpu.vector_store %arg6[%swap3A_437, %swap3A_438, %swap3A_439, %swap3A_440], %broadcast_in_dim3A_6 {strides = array<i32>} : memref<42x1x8x128xf32, #tpu.memory_space<vmem>>, vector<16xf32>,
      %swap3A_442 = arith.constant 0 : i32
      %swap3A_443 = arith.constant 6 : i32
      %swap3A_444 = arith.index_cast %scan3A_106 : i32 to index
      %swap3A_445 = arith.index_cast %swap3A_442 : i32 to index
      %swap3A_446 = arith.index_cast %swap3A_443 : i32 to index
      %swap3A_447 = arith.constant 0 : index
      %swap3A_448 = tpu.vector_load %arg6[%swap3A_444, %swap3A_445, %swap3A_446, %swap3A_447] {strides = array<i32>} : memref<42x1x8x128xf32, #tpu.memory_space<vmem>>, vector<16xf32>,
      tpu.vector_store %arg6[%swap3A_444, %swap3A_445, %swap3A_446, %swap3A_447], %broadcast_in_dim3A_6 {strides = array<i32>} : memref<42x1x8x128xf32, #tpu.memory_space<vmem>>, vector<16xf32>,
      %swap3A_449 = arith.constant 0 : i32
      %swap3A_450 = arith.constant 6 : i32
      %swap3A_451 = arith.index_cast %scan3A_106 : i32 to index
      %swap3A_452 = arith.index_cast %swap3A_449 : i32 to index
      %swap3A_453 = arith.index_cast %swap3A_450 : i32 to index
      %swap3A_454 = arith.constant 16 : index
      %swap3A_455 = tpu.vector_load %arg6[%swap3A_451, %swap3A_452, %swap3A_453, %swap3A_454] {strides = array<i32>} : memref<42x1x8x128xf32, #tpu.memory_space<vmem>>, vector<16xf32>,
      tpu.vector_store %arg6[%swap3A_451, %swap3A_452, %swap3A_453, %swap3A_454], %broadcast_in_dim3A_6 {strides = array<i32>} : memref<42x1x8x128xf32, #tpu.memory_space<vmem>>, vector<16xf32>,
      %swap3A_456 = arith.constant 0 : i32
      %swap3A_457 = arith.constant 6 : i32
      %swap3A_458 = arith.index_cast %scan3A_106 : i32 to index
      %swap3A_459 = arith.index_cast %swap3A_456 : i32 to index
      %swap3A_460 = arith.index_cast %swap3A_457 : i32 to index
      %swap3A_461 = arith.constant 32 : index
      %swap3A_462 = tpu.vector_load %arg6[%swap3A_458, %swap3A_459, %swap3A_460, %swap3A_461] {strides = array<i32>} : memref<42x1x8x128xf32, #tpu.memory_space<vmem>>, vector<16xf32>,
      tpu.vector_store %arg6[%swap3A_458, %swap3A_459, %swap3A_460, %swap3A_461], %broadcast_in_dim3A_6 {strides = array<i32>} : memref<42x1x8x128xf32, #tpu.memory_space<vmem>>, vector<16xf32>,
      %swap3A_463 = arith.constant 0 : i32
      %swap3A_464 = arith.constant 6 : i32
      %swap3A_465 = arith.index_cast %scan3A_106 : i32 to index
      %swap3A_466 = arith.index_cast %swap3A_463 : i32 to index
      %swap3A_467 = arith.index_cast %swap3A_464 : i32 to index
      %swap3A_468 = arith.constant 48 : index
      %swap3A_469 = tpu.vector_load %arg6[%swap3A_465, %swap3A_466, %swap3A_467, %swap3A_468] {strides = array<i32>} : memref<42x1x8x128xf32, #tpu.memory_space<vmem>>, vector<16xf32>,
      tpu.vector_store %arg6[%swap3A_465, %swap3A_466, %swap3A_467, %swap3A_468], %broadcast_in_dim3A_6 {strides = array<i32>} : memref<42x1x8x128xf32, #tpu.memory_space<vmem>>, vector<16xf32>,
      %swap3A_470 = arith.constant 0 : i32
      %swap3A_471 = arith.constant 6 : i32
      %swap3A_472 = arith.index_cast %scan3A_106 : i32 to index
      %swap3A_473 = arith.index_cast %swap3A_470 : i32 to index
      %swap3A_474 = arith.index_cast %swap3A_471 : i32 to index
      %swap3A_475 = arith.constant 64 : index
      %swap3A_476 = tpu.vector_load %arg6[%swap3A_472, %swap3A_473, %swap3A_474, %swap3A_475] {strides = array<i32>} : memref<42x1x8x128xf32, #tpu.memory_space<vmem>>, vector<16xf32>,
      tpu.vector_store %arg6[%swap3A_472, %swap3A_473, %swap3A_474, %swap3A_475], %broadcast_in_dim3A_6 {strides = array<i32>} : memref<42x1x8x128xf32, #tpu.memory_space<vmem>>, vector<16xf32>,
      %swap3A_477 = arith.constant 0 : i32
      %swap3A_478 = arith.constant 6 : i32
      %swap3A_479 = arith.index_cast %scan3A_106 : i32 to index
      %swap3A_480 = arith.index_cast %swap3A_477 : i32 to index
      %swap3A_481 = arith.index_cast %swap3A_478 : i32 to index
      %swap3A_482 = arith.constant 80 : index
      %swap3A_483 = tpu.vector_load %arg6[%swap3A_479, %swap3A_480, %swap3A_481, %swap3A_482] {strides = array<i32>} : memref<42x1x8x128xf32, #tpu.memory_space<vmem>>, vector<16xf32>,
      tpu.vector_store %arg6[%swap3A_479, %swap3A_480, %swap3A_481, %swap3A_482], %broadcast_in_dim3A_6 {strides = array<i32>} : memref<42x1x8x128xf32, #tpu.memory_space<vmem>>, vector<16xf32>,
      %swap3A_484 = arith.constant 0 : i32
      %swap3A_485 = arith.constant 6 : i32
      %swap3A_486 = arith.index_cast %scan3A_106 : i32 to index
      %swap3A_487 = arith.index_cast %swap3A_484 : i32 to index
      %swap3A_488 = arith.index_cast %swap3A_485 : i32 to index
      %swap3A_489 = arith.constant 96 : index
      %swap3A_490 = tpu.vector_load %arg6[%swap3A_486, %swap3A_487, %swap3A_488, %swap3A_489] {strides = array<i32>} : memref<42x1x8x128xf32, #tpu.memory_space<vmem>>, vector<16xf32>,
      tpu.vector_store %arg6[%swap3A_486, %swap3A_487, %swap3A_488, %swap3A_489], %broadcast_in_dim3A_6 {strides = array<i32>} : memref<42x1x8x128xf32, #tpu.memory_space<vmem>>, vector<16xf32>,
      %swap3A_491 = arith.constant 0 : i32
      %swap3A_492 = arith.constant 6 : i32
      %swap3A_493 = arith.index_cast %scan3A_106 : i32 to index
      %swap3A_494 = arith.index_cast %swap3A_491 : i32 to index
      %swap3A_495 = arith.index_cast %swap3A_492 : i32 to index
      %swap3A_496 = arith.constant 112 : index
      %swap3A_497 = tpu.vector_load %arg6[%swap3A_493, %swap3A_494, %swap3A_495, %swap3A_496] {strides = array<i32>} : memref<42x1x8x128xf32, #tpu.memory_space<vmem>>, vector<16xf32>,
      tpu.vector_store %arg6[%swap3A_493, %swap3A_494, %swap3A_495, %swap3A_496], %broadcast_in_dim3A_6 {strides = array<i32>} : memref<42x1x8x128xf32, #tpu.memory_space<vmem>>, vector<16xf32>,
      %swap3A_498 = arith.constant 0 : i32
      %swap3A_499 = arith.constant 7 : i32
      %swap3A_500 = arith.index_cast %scan3A_106 : i32 to index
      %swap3A_501 = arith.index_cast %swap3A_498 : i32 to index
      %swap3A_502 = arith.index_cast %swap3A_499 : i32 to index
      %swap3A_503 = arith.constant 0 : index
      %swap3A_504 = tpu.vector_load %arg6[%swap3A_500, %swap3A_501, %swap3A_502, %swap3A_503] {strides = array<i32>} : memref<42x1x8x128xf32, #tpu.memory_space<vmem>>, vector<16xf32>,
      tpu.vector_store %arg6[%swap3A_500, %swap3A_501, %swap3A_502, %swap3A_503], %broadcast_in_dim3A_6 {strides = array<i32>} : memref<42x1x8x128xf32, #tpu.memory_space<vmem>>, vector<16xf32>,
      %swap3A_505 = arith.constant 0 : i32
      %swap3A_506 = arith.constant 7 : i32
      %swap3A_507 = arith.index_cast %scan3A_106 : i32 to index
      %swap3A_508 = arith.index_cast %swap3A_505 : i32 to index
      %swap3A_509 = arith.index_cast %swap3A_506 : i32 to index
      %swap3A_510 = arith.constant 16 : index
      %swap3A_511 = tpu.vector_load %arg6[%swap3A_507, %swap3A_508, %swap3A_509, %swap3A_510] {strides = array<i32>} : memref<42x1x8x128xf32, #tpu.memory_space<vmem>>, vector<16xf32>,
      tpu.vector_store %arg6[%swap3A_507, %swap3A_508, %swap3A_509, %swap3A_510], %broadcast_in_dim3A_6 {strides = array<i32>} : memref<42x1x8x128xf32, #tpu.memory_space<vmem>>, vector<16xf32>,
      %swap3A_512 = arith.constant 0 : i32
      %swap3A_513 = arith.constant 7 : i32
      %swap3A_514 = arith.index_cast %scan3A_106 : i32 to index
      %swap3A_515 = arith.index_cast %swap3A_512 : i32 to index
      %swap3A_516 = arith.index_cast %swap3A_513 : i32 to index
      %swap3A_517 = arith.constant 32 : index
      %swap3A_518 = tpu.vector_load %arg6[%swap3A_514, %swap3A_515, %swap3A_516, %swap3A_517] {strides = array<i32>} : memref<42x1x8x128xf32, #tpu.memory_space<vmem>>, vector<16xf32>,
      tpu.vector_store %arg6[%swap3A_514, %swap3A_515, %swap3A_516, %swap3A_517], %broadcast_in_dim3A_6 {strides = array<i32>} : memref<42x1x8x128xf32, #tpu.memory_space<vmem>>, vector<16xf32>,
      %swap3A_519 = arith.constant 0 : i32
      %swap3A_520 = arith.constant 7 : i32
      %swap3A_521 = arith.index_cast %scan3A_106 : i32 to index
      %swap3A_522 = arith.index_cast %swap3A_519 : i32 to index
      %swap3A_523 = arith.index_cast %swap3A_520 : i32 to index
      %swap3A_524 = arith.constant 48 : index
      %swap3A_525 = tpu.vector_load %arg6[%swap3A_521, %swap3A_522, %swap3A_523, %swap3A_524] {strides = array<i32>} : memref<42x1x8x128xf32, #tpu.memory_space<vmem>>, vector<16xf32>,
      tpu.vector_store %arg6[%swap3A_521, %swap3A_522, %swap3A_523, %swap3A_524], %broadcast_in_dim3A_6 {strides = array<i32>} : memref<42x1x8x128xf32, #tpu.memory_space<vmem>>, vector<16xf32>,
      %swap3A_526 = arith.constant 0 : i32
      %swap3A_527 = arith.constant 7 : i32
      %swap3A_528 = arith.index_cast %scan3A_106 : i32 to index
      %swap3A_529 = arith.index_cast %swap3A_526 : i32 to index
      %swap3A_530 = arith.index_cast %swap3A_527 : i32 to index
      %swap3A_531 = arith.constant 64 : index
      %swap3A_532 = tpu.vector_load %arg6[%swap3A_528, %swap3A_529, %swap3A_530, %swap3A_531] {strides = array<i32>} : memref<42x1x8x128xf32, #tpu.memory_space<vmem>>, vector<16xf32>,
      tpu.vector_store %arg6[%swap3A_528, %swap3A_529, %swap3A_530, %swap3A_531], %broadcast_in_dim3A_6 {strides = array<i32>} : memref<42x1x8x128xf32, #tpu.memory_space<vmem>>, vector<16xf32>,
      %swap3A_533 = arith.constant 0 : i32
      %swap3A_534 = arith.constant 7 : i32
      %swap3A_535 = arith.index_cast %scan3A_106 : i32 to index
      %swap3A_536 = arith.index_cast %swap3A_533 : i32 to index
      %swap3A_537 = arith.index_cast %swap3A_534 : i32 to index
      %swap3A_538 = arith.constant 80 : index
      %swap3A_539 = tpu.vector_load %arg6[%swap3A_535, %swap3A_536, %swap3A_537, %swap3A_538] {strides = array<i32>} : memref<42x1x8x128xf32, #tpu.memory_space<vmem>>, vector<16xf32>,
      tpu.vector_store %arg6[%swap3A_535, %swap3A_536, %swap3A_537, %swap3A_538], %broadcast_in_dim3A_6 {strides = array<i32>} : memref<42x1x8x128xf32, #tpu.memory_space<vmem>>, vector<16xf32>,
      %swap3A_540 = arith.constant 0 : i32
      %swap3A_541 = arith.constant 7 : i32
      %swap3A_542 = arith.index_cast %scan3A_106 : i32 to index
      %swap3A_543 = arith.index_cast %swap3A_540 : i32 to index
      %swap3A_544 = arith.index_cast %swap3A_541 : i32 to index
      %swap3A_545 = arith.constant 96 : index
      %swap3A_546 = tpu.vector_load %arg6[%swap3A_542, %swap3A_543, %swap3A_544, %swap3A_545] {strides = array<i32>} : memref<42x1x8x128xf32, #tpu.memory_space<vmem>>, vector<16xf32>,
      tpu.vector_store %arg6[%swap3A_542, %swap3A_543, %swap3A_544, %swap3A_545], %broadcast_in_dim3A_6 {strides = array<i32>} : memref<42x1x8x128xf32, #tpu.memory_space<vmem>>, vector<16xf32>,
      %swap3A_547 = arith.constant 0 : i32
      %swap3A_548 = arith.constant 7 : i32
      %swap3A_549 = arith.index_cast %scan3A_106 : i32 to index
      %swap3A_550 = arith.index_cast %swap3A_547 : i32 to index
      %swap3A_551 = arith.index_cast %swap3A_548 : i32 to index
      %swap3A_552 = arith.constant 112 : index
      %swap3A_553 = tpu.vector_load %arg6[%swap3A_549, %swap3A_550, %swap3A_551, %swap3A_552] {strides = array<i32>} : memref<42x1x8x128xf32, #tpu.memory_space<vmem>>, vector<16xf32>,
      tpu.vector_store %arg6[%swap3A_549, %swap3A_550, %swap3A_551, %swap3A_552], %broadcast_in_dim3A_6 {strides = array<i32>} : memref<42x1x8x128xf32, #tpu.memory_space<vmem>>, vector<16xf32>,
    }
    %scan3A_35 = arith.constant 42 : i32
    %scan3A_36 = arith.constant 0 : i32
    %scan3A_37 = arith.constant 8 : i32
    %scan3A_38 = arith.addi %scan3A_36, %scan3A_37 : i32
    %scan3A_39 = arith.constant 1 : i32
    scf.for %scan3A_106 = %scan3A_36 to %scan3A_38 step %scan3A_39  : i32 {
      %mul3A_107 = arith.constant 16 : i32
      %mul3A_108 = arith.muli %scan3A_106, %mul3A_107 : i32
      %add3A_109 = arith.constant 0 : i32
      %add3A_110 = arith.addi %add3A_109, %mul3A_108 : i32
      %get3A = arith.index_cast %add3A_110 : i32 to index
      %get3A_111 = tpu.vector_load %arg4[%get3A] {strides = array<i32>} : memref<512xi32, #tpu.memory_space<vmem>>, vector<16xi32>,
      %sub3A = arith.constant 336 : i32
      %sub3A_112 = vector.broadcast %sub3A : i32 to vector<16xi32>
      %sub3A_113 = arith.subi %get3A_111, %sub3A_112 : vector<16xi32>
      %ge3A = arith.constant 336 : i32
      %ge3A_114 = vector.broadcast %ge3A : i32 to vector<16xi32>
      %ge3A_115 = arith.cmpi sge, %get3A_111, %ge3A_114 : vector<16xi32>
      %lt3A = arith.constant 672 : i32
      %lt3A_116 = vector.broadcast %lt3A : i32 to vector<16xi32>
      %lt3A_117 = arith.cmpi slt, %get3A_111, %lt3A_116 : vector<16xi32>
      %and3A = arith.andi %ge3A_115, %lt3A_117 : vector<16xi1>
      %shift_right_arithmetic3A = arith.constant 3 : i32
      %shift_right_arithmetic3A_118 = vector.broadcast %shift_right_arithmetic3A : i32 to vector<16xi32>
      %shift_right_arithmetic3A_119 = arith.shrsi %sub3A_113, %shift_right_arithmetic3A_118 : vector<16xi32>
      %and3A_120 = arith.constant 7 : i32
      %and3A_121 = vector.broadcast %and3A_120 : i32 to vector<16xi32>
      %and3A_122 = arith.andi %sub3A_113, %and3A_121 : vector<16xi32>
      %mul3A_123 = arith.constant 16 : i32
      %mul3A_124 = arith.muli %scan3A_106, %mul3A_123 : i32
      %add3A_125 = vector.broadcast %mul3A_124 : i32 to vector<16xi32>
      %add3A_126 = arith.addi %add3A_125, %iota3A : vector<16xi32>
      tpu.vector_store_idx %arg6[%shift_right_arithmetic3A_119, %broadcast_in_dim3A_10, %and3A_122, %add3A_126], %broadcast_in_dim3A_8 masked %and3A : memref<42x1x8x128xf32, #tpu.memory_space<vmem>>[vector<16xi32>, vector<16xi32>, vector<16xi32>, vector<16xi32>], vector<16xf32>, vector<16xi1>
    }
    %scan3A_40 = arith.constant 8 : i32
    %add3A_41 = arith.constant 0 : i32
    %add3A_42 = arith.addi %mul3A_4, %add3A_41 : i32
    %dma_start3A_43 = arith.constant 42 : i32
    %dma_start3A_44 = arith.constant 0 : i32
    %dma_start3A_45 = arith.constant 0 : i32
    %dma_start3A_46 = tpu.memref_slice %arg3[%dma_start3A_43, %add3A_42, %dma_start3A_44, %dma_start3A_45] : memref<125x128x8x128xf32, #tpu.memory_space<hbm>> -> memref<42x1x8x128xf32, #tpu.memory_space<hbm>>
    %dma_start3A_47 = arith.constant 42 : i32
    %dma_start3A_48 = arith.constant 0 : i32
    %dma_start3A_49 = arith.constant 0 : i32
    %dma_start3A_50 = tpu.memref_slice %arg3[%dma_start3A_47, %add3A_42, %dma_start3A_48, %dma_start3A_49] : memref<125x128x8x128xf32, #tpu.memory_space<hbm>> -> memref<42x1x8x128xf32, #tpu.memory_space<hbm>>
    tpu.enqueue_dma source(%arg6 : memref<42x1x8x128xf32, #tpu.memory_space<vmem>>) target(%dma_start3A_50 : memref<42x1x8x128xf32, #tpu.memory_space<hbm>>) target_semaphore(%arg9 : memref<!tpu.dma_semaphore, #tpu.memory_space<semaphore_mem>>)
    %scan3A_51 = arith.constant 0 : i32
    %scan3A_52 = arith.constant 41 : i32
    %scan3A_53 = arith.addi %scan3A_51, %scan3A_52 : i32
    %scan3A_54 = arith.constant 1 : i32
    scf.for %scan3A_106 = %scan3A_51 to %scan3A_53 step %scan3A_54  : i32 {
      %swap3A = arith.constant 0 : i32
      %swap3A_107 = arith.constant 0 : i32
      %swap3A_108 = arith.index_cast %scan3A_106 : i32 to index
      %swap3A_109 = arith.index_cast %swap3A : i32 to index
      %swap3A_110 = arith.index_cast %swap3A_107 : i32 to index
      %swap3A_111 = arith.constant 0 : index
      %swap3A_112 = tpu.vector_load %arg7[%swap3A_108, %swap3A_109, %swap3A_110, %swap3A_111] {strides = array<i32>} : memref<41x1x8x128xf32, #tpu.memory_space<vmem>>, vector<16xf32>,
      tpu.vector_store %arg7[%swap3A_108, %swap3A_109, %swap3A_110, %swap3A_111], %broadcast_in_dim3A_6 {strides = array<i32>} : memref<41x1x8x128xf32, #tpu.memory_space<vmem>>, vector<16xf32>,
      %swap3A_113 = arith.constant 0 : i32
      %swap3A_114 = arith.constant 0 : i32
      %swap3A_115 = arith.index_cast %scan3A_106 : i32 to index
      %swap3A_116 = arith.index_cast %swap3A_113 : i32 to index
      %swap3A_117 = arith.index_cast %swap3A_114 : i32 to index
      %swap3A_118 = arith.constant 16 : index
      %swap3A_119 = tpu.vector_load %arg7[%swap3A_115, %swap3A_116, %swap3A_117, %swap3A_118] {strides = array<i32>} : memref<41x1x8x128xf32, #tpu.memory_space<vmem>>, vector<16xf32>,
      tpu.vector_store %arg7[%swap3A_115, %swap3A_116, %swap3A_117, %swap3A_118], %broadcast_in_dim3A_6 {strides = array<i32>} : memref<41x1x8x128xf32, #tpu.memory_space<vmem>>, vector<16xf32>,
      %swap3A_120 = arith.constant 0 : i32
      %swap3A_121 = arith.constant 0 : i32
      %swap3A_122 = arith.index_cast %scan3A_106 : i32 to index
      %swap3A_123 = arith.index_cast %swap3A_120 : i32 to index
      %swap3A_124 = arith.index_cast %swap3A_121 : i32 to index
      %swap3A_125 = arith.constant 32 : index
      %swap3A_126 = tpu.vector_load %arg7[%swap3A_122, %swap3A_123, %swap3A_124, %swap3A_125] {strides = array<i32>} : memref<41x1x8x128xf32, #tpu.memory_space<vmem>>, vector<16xf32>,
      tpu.vector_store %arg7[%swap3A_122, %swap3A_123, %swap3A_124, %swap3A_125], %broadcast_in_dim3A_6 {strides = array<i32>} : memref<41x1x8x128xf32, #tpu.memory_space<vmem>>, vector<16xf32>,
      %swap3A_127 = arith.constant 0 : i32
      %swap3A_128 = arith.constant 0 : i32
      %swap3A_129 = arith.index_cast %scan3A_106 : i32 to index
      %swap3A_130 = arith.index_cast %swap3A_127 : i32 to index
      %swap3A_131 = arith.index_cast %swap3A_128 : i32 to index
      %swap3A_132 = arith.constant 48 : index
      %swap3A_133 = tpu.vector_load %arg7[%swap3A_129, %swap3A_130, %swap3A_131, %swap3A_132] {strides = array<i32>} : memref<41x1x8x128xf32, #tpu.memory_space<vmem>>, vector<16xf32>,
      tpu.vector_store %arg7[%swap3A_129, %swap3A_130, %swap3A_131, %swap3A_132], %broadcast_in_dim3A_6 {strides = array<i32>} : memref<41x1x8x128xf32, #tpu.memory_space<vmem>>, vector<16xf32>,
      %swap3A_134 = arith.constant 0 : i32
      %swap3A_135 = arith.constant 0 : i32
      %swap3A_136 = arith.index_cast %scan3A_106 : i32 to index
      %swap3A_137 = arith.index_cast %swap3A_134 : i32 to index
      %swap3A_138 = arith.index_cast %swap3A_135 : i32 to index
      %swap3A_139 = arith.constant 64 : index
      %swap3A_140 = tpu.vector_load %arg7[%swap3A_136, %swap3A_137, %swap3A_138, %swap3A_139] {strides = array<i32>} : memref<41x1x8x128xf32, #tpu.memory_space<vmem>>, vector<16xf32>,
      tpu.vector_store %arg7[%swap3A_136, %swap3A_137, %swap3A_138, %swap3A_139], %broadcast_in_dim3A_6 {strides = array<i32>} : memref<41x1x8x128xf32, #tpu.memory_space<vmem>>, vector<16xf32>,
      %swap3A_141 = arith.constant 0 : i32
      %swap3A_142 = arith.constant 0 : i32
      %swap3A_143 = arith.index_cast %scan3A_106 : i32 to index
      %swap3A_144 = arith.index_cast %swap3A_141 : i32 to index
      %swap3A_145 = arith.index_cast %swap3A_142 : i32 to index
      %swap3A_146 = arith.constant 80 : index
      %swap3A_147 = tpu.vector_load %arg7[%swap3A_143, %swap3A_144, %swap3A_145, %swap3A_146] {strides = array<i32>} : memref<41x1x8x128xf32, #tpu.memory_space<vmem>>, vector<16xf32>,
      tpu.vector_store %arg7[%swap3A_143, %swap3A_144, %swap3A_145, %swap3A_146], %broadcast_in_dim3A_6 {strides = array<i32>} : memref<41x1x8x128xf32, #tpu.memory_space<vmem>>, vector<16xf32>,
      %swap3A_148 = arith.constant 0 : i32
      %swap3A_149 = arith.constant 0 : i32
      %swap3A_150 = arith.index_cast %scan3A_106 : i32 to index
      %swap3A_151 = arith.index_cast %swap3A_148 : i32 to index
      %swap3A_152 = arith.index_cast %swap3A_149 : i32 to index
      %swap3A_153 = arith.constant 96 : index
      %swap3A_154 = tpu.vector_load %arg7[%swap3A_150, %swap3A_151, %swap3A_152, %swap3A_153] {strides = array<i32>} : memref<41x1x8x128xf32, #tpu.memory_space<vmem>>, vector<16xf32>,
      tpu.vector_store %arg7[%swap3A_150, %swap3A_151, %swap3A_152, %swap3A_153], %broadcast_in_dim3A_6 {strides = array<i32>} : memref<41x1x8x128xf32, #tpu.memory_space<vmem>>, vector<16xf32>,
      %swap3A_155 = arith.constant 0 : i32
      %swap3A_156 = arith.constant 0 : i32
      %swap3A_157 = arith.index_cast %scan3A_106 : i32 to index
      %swap3A_158 = arith.index_cast %swap3A_155 : i32 to index
      %swap3A_159 = arith.index_cast %swap3A_156 : i32 to index
      %swap3A_160 = arith.constant 112 : index
      %swap3A_161 = tpu.vector_load %arg7[%swap3A_157, %swap3A_158, %swap3A_159, %swap3A_160] {strides = array<i32>} : memref<41x1x8x128xf32, #tpu.memory_space<vmem>>, vector<16xf32>,
      tpu.vector_store %arg7[%swap3A_157, %swap3A_158, %swap3A_159, %swap3A_160], %broadcast_in_dim3A_6 {strides = array<i32>} : memref<41x1x8x128xf32, #tpu.memory_space<vmem>>, vector<16xf32>,
      %swap3A_162 = arith.constant 0 : i32
      %swap3A_163 = arith.constant 1 : i32
      %swap3A_164 = arith.index_cast %scan3A_106 : i32 to index
      %swap3A_165 = arith.index_cast %swap3A_162 : i32 to index
      %swap3A_166 = arith.index_cast %swap3A_163 : i32 to index
      %swap3A_167 = arith.constant 0 : index
      %swap3A_168 = tpu.vector_load %arg7[%swap3A_164, %swap3A_165, %swap3A_166, %swap3A_167] {strides = array<i32>} : memref<41x1x8x128xf32, #tpu.memory_space<vmem>>, vector<16xf32>,
      tpu.vector_store %arg7[%swap3A_164, %swap3A_165, %swap3A_166, %swap3A_167], %broadcast_in_dim3A_6 {strides = array<i32>} : memref<41x1x8x128xf32, #tpu.memory_space<vmem>>, vector<16xf32>,
      %swap3A_169 = arith.constant 0 : i32
      %swap3A_170 = arith.constant 1 : i32
      %swap3A_171 = arith.index_cast %scan3A_106 : i32 to index
      %swap3A_172 = arith.index_cast %swap3A_169 : i32 to index
      %swap3A_173 = arith.index_cast %swap3A_170 : i32 to index
      %swap3A_174 = arith.constant 16 : index
      %swap3A_175 = tpu.vector_load %arg7[%swap3A_171, %swap3A_172, %swap3A_173, %swap3A_174] {strides = array<i32>} : memref<41x1x8x128xf32, #tpu.memory_space<vmem>>, vector<16xf32>,
      tpu.vector_store %arg7[%swap3A_171, %swap3A_172, %swap3A_173, %swap3A_174], %broadcast_in_dim3A_6 {strides = array<i32>} : memref<41x1x8x128xf32, #tpu.memory_space<vmem>>, vector<16xf32>,
      %swap3A_176 = arith.constant 0 : i32
      %swap3A_177 = arith.constant 1 : i32
      %swap3A_178 = arith.index_cast %scan3A_106 : i32 to index
      %swap3A_179 = arith.index_cast %swap3A_176 : i32 to index
      %swap3A_180 = arith.index_cast %swap3A_177 : i32 to index
      %swap3A_181 = arith.constant 32 : index
      %swap3A_182 = tpu.vector_load %arg7[%swap3A_178, %swap3A_179, %swap3A_180, %swap3A_181] {strides = array<i32>} : memref<41x1x8x128xf32, #tpu.memory_space<vmem>>, vector<16xf32>,
      tpu.vector_store %arg7[%swap3A_178, %swap3A_179, %swap3A_180, %swap3A_181], %broadcast_in_dim3A_6 {strides = array<i32>} : memref<41x1x8x128xf32, #tpu.memory_space<vmem>>, vector<16xf32>,
      %swap3A_183 = arith.constant 0 : i32
      %swap3A_184 = arith.constant 1 : i32
      %swap3A_185 = arith.index_cast %scan3A_106 : i32 to index
      %swap3A_186 = arith.index_cast %swap3A_183 : i32 to index
      %swap3A_187 = arith.index_cast %swap3A_184 : i32 to index
      %swap3A_188 = arith.constant 48 : index
      %swap3A_189 = tpu.vector_load %arg7[%swap3A_185, %swap3A_186, %swap3A_187, %swap3A_188] {strides = array<i32>} : memref<41x1x8x128xf32, #tpu.memory_space<vmem>>, vector<16xf32>,
      tpu.vector_store %arg7[%swap3A_185, %swap3A_186, %swap3A_187, %swap3A_188], %broadcast_in_dim3A_6 {strides = array<i32>} : memref<41x1x8x128xf32, #tpu.memory_space<vmem>>, vector<16xf32>,
      %swap3A_190 = arith.constant 0 : i32
      %swap3A_191 = arith.constant 1 : i32
      %swap3A_192 = arith.index_cast %scan3A_106 : i32 to index
      %swap3A_193 = arith.index_cast %swap3A_190 : i32 to index
      %swap3A_194 = arith.index_cast %swap3A_191 : i32 to index
      %swap3A_195 = arith.constant 64 : index
      %swap3A_196 = tpu.vector_load %arg7[%swap3A_192, %swap3A_193, %swap3A_194, %swap3A_195] {strides = array<i32>} : memref<41x1x8x128xf32, #tpu.memory_space<vmem>>, vector<16xf32>,
      tpu.vector_store %arg7[%swap3A_192, %swap3A_193, %swap3A_194, %swap3A_195], %broadcast_in_dim3A_6 {strides = array<i32>} : memref<41x1x8x128xf32, #tpu.memory_space<vmem>>, vector<16xf32>,
      %swap3A_197 = arith.constant 0 : i32
      %swap3A_198 = arith.constant 1 : i32
      %swap3A_199 = arith.index_cast %scan3A_106 : i32 to index
      %swap3A_200 = arith.index_cast %swap3A_197 : i32 to index
      %swap3A_201 = arith.index_cast %swap3A_198 : i32 to index
      %swap3A_202 = arith.constant 80 : index
      %swap3A_203 = tpu.vector_load %arg7[%swap3A_199, %swap3A_200, %swap3A_201, %swap3A_202] {strides = array<i32>} : memref<41x1x8x128xf32, #tpu.memory_space<vmem>>, vector<16xf32>,
      tpu.vector_store %arg7[%swap3A_199, %swap3A_200, %swap3A_201, %swap3A_202], %broadcast_in_dim3A_6 {strides = array<i32>} : memref<41x1x8x128xf32, #tpu.memory_space<vmem>>, vector<16xf32>,
      %swap3A_204 = arith.constant 0 : i32
      %swap3A_205 = arith.constant 1 : i32
      %swap3A_206 = arith.index_cast %scan3A_106 : i32 to index
      %swap3A_207 = arith.index_cast %swap3A_204 : i32 to index
      %swap3A_208 = arith.index_cast %swap3A_205 : i32 to index
      %swap3A_209 = arith.constant 96 : index
      %swap3A_210 = tpu.vector_load %arg7[%swap3A_206, %swap3A_207, %swap3A_208, %swap3A_209] {strides = array<i32>} : memref<41x1x8x128xf32, #tpu.memory_space<vmem>>, vector<16xf32>,
      tpu.vector_store %arg7[%swap3A_206, %swap3A_207, %swap3A_208, %swap3A_209], %broadcast_in_dim3A_6 {strides = array<i32>} : memref<41x1x8x128xf32, #tpu.memory_space<vmem>>, vector<16xf32>,
      %swap3A_211 = arith.constant 0 : i32
      %swap3A_212 = arith.constant 1 : i32
      %swap3A_213 = arith.index_cast %scan3A_106 : i32 to index
      %swap3A_214 = arith.index_cast %swap3A_211 : i32 to index
      %swap3A_215 = arith.index_cast %swap3A_212 : i32 to index
      %swap3A_216 = arith.constant 112 : index
      %swap3A_217 = tpu.vector_load %arg7[%swap3A_213, %swap3A_214, %swap3A_215, %swap3A_216] {strides = array<i32>} : memref<41x1x8x128xf32, #tpu.memory_space<vmem>>, vector<16xf32>,
      tpu.vector_store %arg7[%swap3A_213, %swap3A_214, %swap3A_215, %swap3A_216], %broadcast_in_dim3A_6 {strides = array<i32>} : memref<41x1x8x128xf32, #tpu.memory_space<vmem>>, vector<16xf32>,
      %swap3A_218 = arith.constant 0 : i32
      %swap3A_219 = arith.constant 2 : i32
      %swap3A_220 = arith.index_cast %scan3A_106 : i32 to index
      %swap3A_221 = arith.index_cast %swap3A_218 : i32 to index
      %swap3A_222 = arith.index_cast %swap3A_219 : i32 to index
      %swap3A_223 = arith.constant 0 : index
      %swap3A_224 = tpu.vector_load %arg7[%swap3A_220, %swap3A_221, %swap3A_222, %swap3A_223] {strides = array<i32>} : memref<41x1x8x128xf32, #tpu.memory_space<vmem>>, vector<16xf32>,
      tpu.vector_store %arg7[%swap3A_220, %swap3A_221, %swap3A_222, %swap3A_223], %broadcast_in_dim3A_6 {strides = array<i32>} : memref<41x1x8x128xf32, #tpu.memory_space<vmem>>, vector<16xf32>,
      %swap3A_225 = arith.constant 0 : i32
      %swap3A_226 = arith.constant 2 : i32
      %swap3A_227 = arith.index_cast %scan3A_106 : i32 to index
      %swap3A_228 = arith.index_cast %swap3A_225 : i32 to index
      %swap3A_229 = arith.index_cast %swap3A_226 : i32 to index
      %swap3A_230 = arith.constant 16 : index
      %swap3A_231 = tpu.vector_load %arg7[%swap3A_227, %swap3A_228, %swap3A_229, %swap3A_230] {strides = array<i32>} : memref<41x1x8x128xf32, #tpu.memory_space<vmem>>, vector<16xf32>,
      tpu.vector_store %arg7[%swap3A_227, %swap3A_228, %swap3A_229, %swap3A_230], %broadcast_in_dim3A_6 {strides = array<i32>} : memref<41x1x8x128xf32, #tpu.memory_space<vmem>>, vector<16xf32>,
      %swap3A_232 = arith.constant 0 : i32
      %swap3A_233 = arith.constant 2 : i32
      %swap3A_234 = arith.index_cast %scan3A_106 : i32 to index
      %swap3A_235 = arith.index_cast %swap3A_232 : i32 to index
      %swap3A_236 = arith.index_cast %swap3A_233 : i32 to index
      %swap3A_237 = arith.constant 32 : index
      %swap3A_238 = tpu.vector_load %arg7[%swap3A_234, %swap3A_235, %swap3A_236, %swap3A_237] {strides = array<i32>} : memref<41x1x8x128xf32, #tpu.memory_space<vmem>>, vector<16xf32>,
      tpu.vector_store %arg7[%swap3A_234, %swap3A_235, %swap3A_236, %swap3A_237], %broadcast_in_dim3A_6 {strides = array<i32>} : memref<41x1x8x128xf32, #tpu.memory_space<vmem>>, vector<16xf32>,
      %swap3A_239 = arith.constant 0 : i32
      %swap3A_240 = arith.constant 2 : i32
      %swap3A_241 = arith.index_cast %scan3A_106 : i32 to index
      %swap3A_242 = arith.index_cast %swap3A_239 : i32 to index
      %swap3A_243 = arith.index_cast %swap3A_240 : i32 to index
      %swap3A_244 = arith.constant 48 : index
      %swap3A_245 = tpu.vector_load %arg7[%swap3A_241, %swap3A_242, %swap3A_243, %swap3A_244] {strides = array<i32>} : memref<41x1x8x128xf32, #tpu.memory_space<vmem>>, vector<16xf32>,
      tpu.vector_store %arg7[%swap3A_241, %swap3A_242, %swap3A_243, %swap3A_244], %broadcast_in_dim3A_6 {strides = array<i32>} : memref<41x1x8x128xf32, #tpu.memory_space<vmem>>, vector<16xf32>,
      %swap3A_246 = arith.constant 0 : i32
      %swap3A_247 = arith.constant 2 : i32
      %swap3A_248 = arith.index_cast %scan3A_106 : i32 to index
      %swap3A_249 = arith.index_cast %swap3A_246 : i32 to index
      %swap3A_250 = arith.index_cast %swap3A_247 : i32 to index
      %swap3A_251 = arith.constant 64 : index
      %swap3A_252 = tpu.vector_load %arg7[%swap3A_248, %swap3A_249, %swap3A_250, %swap3A_251] {strides = array<i32>} : memref<41x1x8x128xf32, #tpu.memory_space<vmem>>, vector<16xf32>,
      tpu.vector_store %arg7[%swap3A_248, %swap3A_249, %swap3A_250, %swap3A_251], %broadcast_in_dim3A_6 {strides = array<i32>} : memref<41x1x8x128xf32, #tpu.memory_space<vmem>>, vector<16xf32>,
      %swap3A_253 = arith.constant 0 : i32
      %swap3A_254 = arith.constant 2 : i32
      %swap3A_255 = arith.index_cast %scan3A_106 : i32 to index
      %swap3A_256 = arith.index_cast %swap3A_253 : i32 to index
      %swap3A_257 = arith.index_cast %swap3A_254 : i32 to index
      %swap3A_258 = arith.constant 80 : index
      %swap3A_259 = tpu.vector_load %arg7[%swap3A_255, %swap3A_256, %swap3A_257, %swap3A_258] {strides = array<i32>} : memref<41x1x8x128xf32, #tpu.memory_space<vmem>>, vector<16xf32>,
      tpu.vector_store %arg7[%swap3A_255, %swap3A_256, %swap3A_257, %swap3A_258], %broadcast_in_dim3A_6 {strides = array<i32>} : memref<41x1x8x128xf32, #tpu.memory_space<vmem>>, vector<16xf32>,
      %swap3A_260 = arith.constant 0 : i32
      %swap3A_261 = arith.constant 2 : i32
      %swap3A_262 = arith.index_cast %scan3A_106 : i32 to index
      %swap3A_263 = arith.index_cast %swap3A_260 : i32 to index
      %swap3A_264 = arith.index_cast %swap3A_261 : i32 to index
      %swap3A_265 = arith.constant 96 : index
      %swap3A_266 = tpu.vector_load %arg7[%swap3A_262, %swap3A_263, %swap3A_264, %swap3A_265] {strides = array<i32>} : memref<41x1x8x128xf32, #tpu.memory_space<vmem>>, vector<16xf32>,
      tpu.vector_store %arg7[%swap3A_262, %swap3A_263, %swap3A_264, %swap3A_265], %broadcast_in_dim3A_6 {strides = array<i32>} : memref<41x1x8x128xf32, #tpu.memory_space<vmem>>, vector<16xf32>,
      %swap3A_267 = arith.constant 0 : i32
      %swap3A_268 = arith.constant 2 : i32
      %swap3A_269 = arith.index_cast %scan3A_106 : i32 to index
      %swap3A_270 = arith.index_cast %swap3A_267 : i32 to index
      %swap3A_271 = arith.index_cast %swap3A_268 : i32 to index
      %swap3A_272 = arith.constant 112 : index
      %swap3A_273 = tpu.vector_load %arg7[%swap3A_269, %swap3A_270, %swap3A_271, %swap3A_272] {strides = array<i32>} : memref<41x1x8x128xf32, #tpu.memory_space<vmem>>, vector<16xf32>,
      tpu.vector_store %arg7[%swap3A_269, %swap3A_270, %swap3A_271, %swap3A_272], %broadcast_in_dim3A_6 {strides = array<i32>} : memref<41x1x8x128xf32, #tpu.memory_space<vmem>>, vector<16xf32>,
      %swap3A_274 = arith.constant 0 : i32
      %swap3A_275 = arith.constant 3 : i32
      %swap3A_276 = arith.index_cast %scan3A_106 : i32 to index
      %swap3A_277 = arith.index_cast %swap3A_274 : i32 to index
      %swap3A_278 = arith.index_cast %swap3A_275 : i32 to index
      %swap3A_279 = arith.constant 0 : index
      %swap3A_280 = tpu.vector_load %arg7[%swap3A_276, %swap3A_277, %swap3A_278, %swap3A_279] {strides = array<i32>} : memref<41x1x8x128xf32, #tpu.memory_space<vmem>>, vector<16xf32>,
      tpu.vector_store %arg7[%swap3A_276, %swap3A_277, %swap3A_278, %swap3A_279], %broadcast_in_dim3A_6 {strides = array<i32>} : memref<41x1x8x128xf32, #tpu.memory_space<vmem>>, vector<16xf32>,
      %swap3A_281 = arith.constant 0 : i32
      %swap3A_282 = arith.constant 3 : i32
      %swap3A_283 = arith.index_cast %scan3A_106 : i32 to index
      %swap3A_284 = arith.index_cast %swap3A_281 : i32 to index
      %swap3A_285 = arith.index_cast %swap3A_282 : i32 to index
      %swap3A_286 = arith.constant 16 : index
      %swap3A_287 = tpu.vector_load %arg7[%swap3A_283, %swap3A_284, %swap3A_285, %swap3A_286] {strides = array<i32>} : memref<41x1x8x128xf32, #tpu.memory_space<vmem>>, vector<16xf32>,
      tpu.vector_store %arg7[%swap3A_283, %swap3A_284, %swap3A_285, %swap3A_286], %broadcast_in_dim3A_6 {strides = array<i32>} : memref<41x1x8x128xf32, #tpu.memory_space<vmem>>, vector<16xf32>,
      %swap3A_288 = arith.constant 0 : i32
      %swap3A_289 = arith.constant 3 : i32
      %swap3A_290 = arith.index_cast %scan3A_106 : i32 to index
      %swap3A_291 = arith.index_cast %swap3A_288 : i32 to index
      %swap3A_292 = arith.index_cast %swap3A_289 : i32 to index
      %swap3A_293 = arith.constant 32 : index
      %swap3A_294 = tpu.vector_load %arg7[%swap3A_290, %swap3A_291, %swap3A_292, %swap3A_293] {strides = array<i32>} : memref<41x1x8x128xf32, #tpu.memory_space<vmem>>, vector<16xf32>,
      tpu.vector_store %arg7[%swap3A_290, %swap3A_291, %swap3A_292, %swap3A_293], %broadcast_in_dim3A_6 {strides = array<i32>} : memref<41x1x8x128xf32, #tpu.memory_space<vmem>>, vector<16xf32>,
      %swap3A_295 = arith.constant 0 : i32
      %swap3A_296 = arith.constant 3 : i32
      %swap3A_297 = arith.index_cast %scan3A_106 : i32 to index
      %swap3A_298 = arith.index_cast %swap3A_295 : i32 to index
      %swap3A_299 = arith.index_cast %swap3A_296 : i32 to index
      %swap3A_300 = arith.constant 48 : index
      %swap3A_301 = tpu.vector_load %arg7[%swap3A_297, %swap3A_298, %swap3A_299, %swap3A_300] {strides = array<i32>} : memref<41x1x8x128xf32, #tpu.memory_space<vmem>>, vector<16xf32>,
      tpu.vector_store %arg7[%swap3A_297, %swap3A_298, %swap3A_299, %swap3A_300], %broadcast_in_dim3A_6 {strides = array<i32>} : memref<41x1x8x128xf32, #tpu.memory_space<vmem>>, vector<16xf32>,
      %swap3A_302 = arith.constant 0 : i32
      %swap3A_303 = arith.constant 3 : i32
      %swap3A_304 = arith.index_cast %scan3A_106 : i32 to index
      %swap3A_305 = arith.index_cast %swap3A_302 : i32 to index
      %swap3A_306 = arith.index_cast %swap3A_303 : i32 to index
      %swap3A_307 = arith.constant 64 : index
      %swap3A_308 = tpu.vector_load %arg7[%swap3A_304, %swap3A_305, %swap3A_306, %swap3A_307] {strides = array<i32>} : memref<41x1x8x128xf32, #tpu.memory_space<vmem>>, vector<16xf32>,
      tpu.vector_store %arg7[%swap3A_304, %swap3A_305, %swap3A_306, %swap3A_307], %broadcast_in_dim3A_6 {strides = array<i32>} : memref<41x1x8x128xf32, #tpu.memory_space<vmem>>, vector<16xf32>,
      %swap3A_309 = arith.constant 0 : i32
      %swap3A_310 = arith.constant 3 : i32
      %swap3A_311 = arith.index_cast %scan3A_106 : i32 to index
      %swap3A_312 = arith.index_cast %swap3A_309 : i32 to index
      %swap3A_313 = arith.index_cast %swap3A_310 : i32 to index
      %swap3A_314 = arith.constant 80 : index
      %swap3A_315 = tpu.vector_load %arg7[%swap3A_311, %swap3A_312, %swap3A_313, %swap3A_314] {strides = array<i32>} : memref<41x1x8x128xf32, #tpu.memory_space<vmem>>, vector<16xf32>,
      tpu.vector_store %arg7[%swap3A_311, %swap3A_312, %swap3A_313, %swap3A_314], %broadcast_in_dim3A_6 {strides = array<i32>} : memref<41x1x8x128xf32, #tpu.memory_space<vmem>>, vector<16xf32>,
      %swap3A_316 = arith.constant 0 : i32
      %swap3A_317 = arith.constant 3 : i32
      %swap3A_318 = arith.index_cast %scan3A_106 : i32 to index
      %swap3A_319 = arith.index_cast %swap3A_316 : i32 to index
      %swap3A_320 = arith.index_cast %swap3A_317 : i32 to index
      %swap3A_321 = arith.constant 96 : index
      %swap3A_322 = tpu.vector_load %arg7[%swap3A_318, %swap3A_319, %swap3A_320, %swap3A_321] {strides = array<i32>} : memref<41x1x8x128xf32, #tpu.memory_space<vmem>>, vector<16xf32>,
      tpu.vector_store %arg7[%swap3A_318, %swap3A_319, %swap3A_320, %swap3A_321], %broadcast_in_dim3A_6 {strides = array<i32>} : memref<41x1x8x128xf32, #tpu.memory_space<vmem>>, vector<16xf32>,
      %swap3A_323 = arith.constant 0 : i32
      %swap3A_324 = arith.constant 3 : i32
      %swap3A_325 = arith.index_cast %scan3A_106 : i32 to index
      %swap3A_326 = arith.index_cast %swap3A_323 : i32 to index
      %swap3A_327 = arith.index_cast %swap3A_324 : i32 to index
      %swap3A_328 = arith.constant 112 : index
      %swap3A_329 = tpu.vector_load %arg7[%swap3A_325, %swap3A_326, %swap3A_327, %swap3A_328] {strides = array<i32>} : memref<41x1x8x128xf32, #tpu.memory_space<vmem>>, vector<16xf32>,
      tpu.vector_store %arg7[%swap3A_325, %swap3A_326, %swap3A_327, %swap3A_328], %broadcast_in_dim3A_6 {strides = array<i32>} : memref<41x1x8x128xf32, #tpu.memory_space<vmem>>, vector<16xf32>,
      %swap3A_330 = arith.constant 0 : i32
      %swap3A_331 = arith.constant 4 : i32
      %swap3A_332 = arith.index_cast %scan3A_106 : i32 to index
      %swap3A_333 = arith.index_cast %swap3A_330 : i32 to index
      %swap3A_334 = arith.index_cast %swap3A_331 : i32 to index
      %swap3A_335 = arith.constant 0 : index
      %swap3A_336 = tpu.vector_load %arg7[%swap3A_332, %swap3A_333, %swap3A_334, %swap3A_335] {strides = array<i32>} : memref<41x1x8x128xf32, #tpu.memory_space<vmem>>, vector<16xf32>,
      tpu.vector_store %arg7[%swap3A_332, %swap3A_333, %swap3A_334, %swap3A_335], %broadcast_in_dim3A_6 {strides = array<i32>} : memref<41x1x8x128xf32, #tpu.memory_space<vmem>>, vector<16xf32>,
      %swap3A_337 = arith.constant 0 : i32
      %swap3A_338 = arith.constant 4 : i32
      %swap3A_339 = arith.index_cast %scan3A_106 : i32 to index
      %swap3A_340 = arith.index_cast %swap3A_337 : i32 to index
      %swap3A_341 = arith.index_cast %swap3A_338 : i32 to index
      %swap3A_342 = arith.constant 16 : index
      %swap3A_343 = tpu.vector_load %arg7[%swap3A_339, %swap3A_340, %swap3A_341, %swap3A_342] {strides = array<i32>} : memref<41x1x8x128xf32, #tpu.memory_space<vmem>>, vector<16xf32>,
      tpu.vector_store %arg7[%swap3A_339, %swap3A_340, %swap3A_341, %swap3A_342], %broadcast_in_dim3A_6 {strides = array<i32>} : memref<41x1x8x128xf32, #tpu.memory_space<vmem>>, vector<16xf32>,
      %swap3A_344 = arith.constant 0 : i32
      %swap3A_345 = arith.constant 4 : i32
      %swap3A_346 = arith.index_cast %scan3A_106 : i32 to index
      %swap3A_347 = arith.index_cast %swap3A_344 : i32 to index
      %swap3A_348 = arith.index_cast %swap3A_345 : i32 to index
      %swap3A_349 = arith.constant 32 : index
      %swap3A_350 = tpu.vector_load %arg7[%swap3A_346, %swap3A_347, %swap3A_348, %swap3A_349] {strides = array<i32>} : memref<41x1x8x128xf32, #tpu.memory_space<vmem>>, vector<16xf32>,
      tpu.vector_store %arg7[%swap3A_346, %swap3A_347, %swap3A_348, %swap3A_349], %broadcast_in_dim3A_6 {strides = array<i32>} : memref<41x1x8x128xf32, #tpu.memory_space<vmem>>, vector<16xf32>,
      %swap3A_351 = arith.constant 0 : i32
      %swap3A_352 = arith.constant 4 : i32
      %swap3A_353 = arith.index_cast %scan3A_106 : i32 to index
      %swap3A_354 = arith.index_cast %swap3A_351 : i32 to index
      %swap3A_355 = arith.index_cast %swap3A_352 : i32 to index
      %swap3A_356 = arith.constant 48 : index
      %swap3A_357 = tpu.vector_load %arg7[%swap3A_353, %swap3A_354, %swap3A_355, %swap3A_356] {strides = array<i32>} : memref<41x1x8x128xf32, #tpu.memory_space<vmem>>, vector<16xf32>,
      tpu.vector_store %arg7[%swap3A_353, %swap3A_354, %swap3A_355, %swap3A_356], %broadcast_in_dim3A_6 {strides = array<i32>} : memref<41x1x8x128xf32, #tpu.memory_space<vmem>>, vector<16xf32>,
      %swap3A_358 = arith.constant 0 : i32
      %swap3A_359 = arith.constant 4 : i32
      %swap3A_360 = arith.index_cast %scan3A_106 : i32 to index
      %swap3A_361 = arith.index_cast %swap3A_358 : i32 to index
      %swap3A_362 = arith.index_cast %swap3A_359 : i32 to index
      %swap3A_363 = arith.constant 64 : index
      %swap3A_364 = tpu.vector_load %arg7[%swap3A_360, %swap3A_361, %swap3A_362, %swap3A_363] {strides = array<i32>} : memref<41x1x8x128xf32, #tpu.memory_space<vmem>>, vector<16xf32>,
      tpu.vector_store %arg7[%swap3A_360, %swap3A_361, %swap3A_362, %swap3A_363], %broadcast_in_dim3A_6 {strides = array<i32>} : memref<41x1x8x128xf32, #tpu.memory_space<vmem>>, vector<16xf32>,
      %swap3A_365 = arith.constant 0 : i32
      %swap3A_366 = arith.constant 4 : i32
      %swap3A_367 = arith.index_cast %scan3A_106 : i32 to index
      %swap3A_368 = arith.index_cast %swap3A_365 : i32 to index
      %swap3A_369 = arith.index_cast %swap3A_366 : i32 to index
      %swap3A_370 = arith.constant 80 : index
      %swap3A_371 = tpu.vector_load %arg7[%swap3A_367, %swap3A_368, %swap3A_369, %swap3A_370] {strides = array<i32>} : memref<41x1x8x128xf32, #tpu.memory_space<vmem>>, vector<16xf32>,
      tpu.vector_store %arg7[%swap3A_367, %swap3A_368, %swap3A_369, %swap3A_370], %broadcast_in_dim3A_6 {strides = array<i32>} : memref<41x1x8x128xf32, #tpu.memory_space<vmem>>, vector<16xf32>,
      %swap3A_372 = arith.constant 0 : i32
      %swap3A_373 = arith.constant 4 : i32
      %swap3A_374 = arith.index_cast %scan3A_106 : i32 to index
      %swap3A_375 = arith.index_cast %swap3A_372 : i32 to index
      %swap3A_376 = arith.index_cast %swap3A_373 : i32 to index
      %swap3A_377 = arith.constant 96 : index
      %swap3A_378 = tpu.vector_load %arg7[%swap3A_374, %swap3A_375, %swap3A_376, %swap3A_377] {strides = array<i32>} : memref<41x1x8x128xf32, #tpu.memory_space<vmem>>, vector<16xf32>,
      tpu.vector_store %arg7[%swap3A_374, %swap3A_375, %swap3A_376, %swap3A_377], %broadcast_in_dim3A_6 {strides = array<i32>} : memref<41x1x8x128xf32, #tpu.memory_space<vmem>>, vector<16xf32>,
      %swap3A_379 = arith.constant 0 : i32
      %swap3A_380 = arith.constant 4 : i32
      %swap3A_381 = arith.index_cast %scan3A_106 : i32 to index
      %swap3A_382 = arith.index_cast %swap3A_379 : i32 to index
      %swap3A_383 = arith.index_cast %swap3A_380 : i32 to index
      %swap3A_384 = arith.constant 112 : index
      %swap3A_385 = tpu.vector_load %arg7[%swap3A_381, %swap3A_382, %swap3A_383, %swap3A_384] {strides = array<i32>} : memref<41x1x8x128xf32, #tpu.memory_space<vmem>>, vector<16xf32>,
      tpu.vector_store %arg7[%swap3A_381, %swap3A_382, %swap3A_383, %swap3A_384], %broadcast_in_dim3A_6 {strides = array<i32>} : memref<41x1x8x128xf32, #tpu.memory_space<vmem>>, vector<16xf32>,
      %swap3A_386 = arith.constant 0 : i32
      %swap3A_387 = arith.constant 5 : i32
      %swap3A_388 = arith.index_cast %scan3A_106 : i32 to index
      %swap3A_389 = arith.index_cast %swap3A_386 : i32 to index
      %swap3A_390 = arith.index_cast %swap3A_387 : i32 to index
      %swap3A_391 = arith.constant 0 : index
      %swap3A_392 = tpu.vector_load %arg7[%swap3A_388, %swap3A_389, %swap3A_390, %swap3A_391] {strides = array<i32>} : memref<41x1x8x128xf32, #tpu.memory_space<vmem>>, vector<16xf32>,
      tpu.vector_store %arg7[%swap3A_388, %swap3A_389, %swap3A_390, %swap3A_391], %broadcast_in_dim3A_6 {strides = array<i32>} : memref<41x1x8x128xf32, #tpu.memory_space<vmem>>, vector<16xf32>,
      %swap3A_393 = arith.constant 0 : i32
      %swap3A_394 = arith.constant 5 : i32
      %swap3A_395 = arith.index_cast %scan3A_106 : i32 to index
      %swap3A_396 = arith.index_cast %swap3A_393 : i32 to index
      %swap3A_397 = arith.index_cast %swap3A_394 : i32 to index
      %swap3A_398 = arith.constant 16 : index
      %swap3A_399 = tpu.vector_load %arg7[%swap3A_395, %swap3A_396, %swap3A_397, %swap3A_398] {strides = array<i32>} : memref<41x1x8x128xf32, #tpu.memory_space<vmem>>, vector<16xf32>,
      tpu.vector_store %arg7[%swap3A_395, %swap3A_396, %swap3A_397, %swap3A_398], %broadcast_in_dim3A_6 {strides = array<i32>} : memref<41x1x8x128xf32, #tpu.memory_space<vmem>>, vector<16xf32>,
      %swap3A_400 = arith.constant 0 : i32
      %swap3A_401 = arith.constant 5 : i32
      %swap3A_402 = arith.index_cast %scan3A_106 : i32 to index
      %swap3A_403 = arith.index_cast %swap3A_400 : i32 to index
      %swap3A_404 = arith.index_cast %swap3A_401 : i32 to index
      %swap3A_405 = arith.constant 32 : index
      %swap3A_406 = tpu.vector_load %arg7[%swap3A_402, %swap3A_403, %swap3A_404, %swap3A_405] {strides = array<i32>} : memref<41x1x8x128xf32, #tpu.memory_space<vmem>>, vector<16xf32>,
      tpu.vector_store %arg7[%swap3A_402, %swap3A_403, %swap3A_404, %swap3A_405], %broadcast_in_dim3A_6 {strides = array<i32>} : memref<41x1x8x128xf32, #tpu.memory_space<vmem>>, vector<16xf32>,
      %swap3A_407 = arith.constant 0 : i32
      %swap3A_408 = arith.constant 5 : i32
      %swap3A_409 = arith.index_cast %scan3A_106 : i32 to index
      %swap3A_410 = arith.index_cast %swap3A_407 : i32 to index
      %swap3A_411 = arith.index_cast %swap3A_408 : i32 to index
      %swap3A_412 = arith.constant 48 : index
      %swap3A_413 = tpu.vector_load %arg7[%swap3A_409, %swap3A_410, %swap3A_411, %swap3A_412] {strides = array<i32>} : memref<41x1x8x128xf32, #tpu.memory_space<vmem>>, vector<16xf32>,
      tpu.vector_store %arg7[%swap3A_409, %swap3A_410, %swap3A_411, %swap3A_412], %broadcast_in_dim3A_6 {strides = array<i32>} : memref<41x1x8x128xf32, #tpu.memory_space<vmem>>, vector<16xf32>,
      %swap3A_414 = arith.constant 0 : i32
      %swap3A_415 = arith.constant 5 : i32
      %swap3A_416 = arith.index_cast %scan3A_106 : i32 to index
      %swap3A_417 = arith.index_cast %swap3A_414 : i32 to index
      %swap3A_418 = arith.index_cast %swap3A_415 : i32 to index
      %swap3A_419 = arith.constant 64 : index
      %swap3A_420 = tpu.vector_load %arg7[%swap3A_416, %swap3A_417, %swap3A_418, %swap3A_419] {strides = array<i32>} : memref<41x1x8x128xf32, #tpu.memory_space<vmem>>, vector<16xf32>,
      tpu.vector_store %arg7[%swap3A_416, %swap3A_417, %swap3A_418, %swap3A_419], %broadcast_in_dim3A_6 {strides = array<i32>} : memref<41x1x8x128xf32, #tpu.memory_space<vmem>>, vector<16xf32>,
      %swap3A_421 = arith.constant 0 : i32
      %swap3A_422 = arith.constant 5 : i32
      %swap3A_423 = arith.index_cast %scan3A_106 : i32 to index
      %swap3A_424 = arith.index_cast %swap3A_421 : i32 to index
      %swap3A_425 = arith.index_cast %swap3A_422 : i32 to index
      %swap3A_426 = arith.constant 80 : index
      %swap3A_427 = tpu.vector_load %arg7[%swap3A_423, %swap3A_424, %swap3A_425, %swap3A_426] {strides = array<i32>} : memref<41x1x8x128xf32, #tpu.memory_space<vmem>>, vector<16xf32>,
      tpu.vector_store %arg7[%swap3A_423, %swap3A_424, %swap3A_425, %swap3A_426], %broadcast_in_dim3A_6 {strides = array<i32>} : memref<41x1x8x128xf32, #tpu.memory_space<vmem>>, vector<16xf32>,
      %swap3A_428 = arith.constant 0 : i32
      %swap3A_429 = arith.constant 5 : i32
      %swap3A_430 = arith.index_cast %scan3A_106 : i32 to index
      %swap3A_431 = arith.index_cast %swap3A_428 : i32 to index
      %swap3A_432 = arith.index_cast %swap3A_429 : i32 to index
      %swap3A_433 = arith.constant 96 : index
      %swap3A_434 = tpu.vector_load %arg7[%swap3A_430, %swap3A_431, %swap3A_432, %swap3A_433] {strides = array<i32>} : memref<41x1x8x128xf32, #tpu.memory_space<vmem>>, vector<16xf32>,
      tpu.vector_store %arg7[%swap3A_430, %swap3A_431, %swap3A_432, %swap3A_433], %broadcast_in_dim3A_6 {strides = array<i32>} : memref<41x1x8x128xf32, #tpu.memory_space<vmem>>, vector<16xf32>,
      %swap3A_435 = arith.constant 0 : i32
      %swap3A_436 = arith.constant 5 : i32
      %swap3A_437 = arith.index_cast %scan3A_106 : i32 to index
      %swap3A_438 = arith.index_cast %swap3A_435 : i32 to index
      %swap3A_439 = arith.index_cast %swap3A_436 : i32 to index
      %swap3A_440 = arith.constant 112 : index
      %swap3A_441 = tpu.vector_load %arg7[%swap3A_437, %swap3A_438, %swap3A_439, %swap3A_440] {strides = array<i32>} : memref<41x1x8x128xf32, #tpu.memory_space<vmem>>, vector<16xf32>,
      tpu.vector_store %arg7[%swap3A_437, %swap3A_438, %swap3A_439, %swap3A_440], %broadcast_in_dim3A_6 {strides = array<i32>} : memref<41x1x8x128xf32, #tpu.memory_space<vmem>>, vector<16xf32>,
      %swap3A_442 = arith.constant 0 : i32
      %swap3A_443 = arith.constant 6 : i32
      %swap3A_444 = arith.index_cast %scan3A_106 : i32 to index
      %swap3A_445 = arith.index_cast %swap3A_442 : i32 to index
      %swap3A_446 = arith.index_cast %swap3A_443 : i32 to index
      %swap3A_447 = arith.constant 0 : index
      %swap3A_448 = tpu.vector_load %arg7[%swap3A_444, %swap3A_445, %swap3A_446, %swap3A_447] {strides = array<i32>} : memref<41x1x8x128xf32, #tpu.memory_space<vmem>>, vector<16xf32>,
      tpu.vector_store %arg7[%swap3A_444, %swap3A_445, %swap3A_446, %swap3A_447], %broadcast_in_dim3A_6 {strides = array<i32>} : memref<41x1x8x128xf32, #tpu.memory_space<vmem>>, vector<16xf32>,
      %swap3A_449 = arith.constant 0 : i32
      %swap3A_450 = arith.constant 6 : i32
      %swap3A_451 = arith.index_cast %scan3A_106 : i32 to index
      %swap3A_452 = arith.index_cast %swap3A_449 : i32 to index
      %swap3A_453 = arith.index_cast %swap3A_450 : i32 to index
      %swap3A_454 = arith.constant 16 : index
      %swap3A_455 = tpu.vector_load %arg7[%swap3A_451, %swap3A_452, %swap3A_453, %swap3A_454] {strides = array<i32>} : memref<41x1x8x128xf32, #tpu.memory_space<vmem>>, vector<16xf32>,
      tpu.vector_store %arg7[%swap3A_451, %swap3A_452, %swap3A_453, %swap3A_454], %broadcast_in_dim3A_6 {strides = array<i32>} : memref<41x1x8x128xf32, #tpu.memory_space<vmem>>, vector<16xf32>,
      %swap3A_456 = arith.constant 0 : i32
      %swap3A_457 = arith.constant 6 : i32
      %swap3A_458 = arith.index_cast %scan3A_106 : i32 to index
      %swap3A_459 = arith.index_cast %swap3A_456 : i32 to index
      %swap3A_460 = arith.index_cast %swap3A_457 : i32 to index
      %swap3A_461 = arith.constant 32 : index
      %swap3A_462 = tpu.vector_load %arg7[%swap3A_458, %swap3A_459, %swap3A_460, %swap3A_461] {strides = array<i32>} : memref<41x1x8x128xf32, #tpu.memory_space<vmem>>, vector<16xf32>,
      tpu.vector_store %arg7[%swap3A_458, %swap3A_459, %swap3A_460, %swap3A_461], %broadcast_in_dim3A_6 {strides = array<i32>} : memref<41x1x8x128xf32, #tpu.memory_space<vmem>>, vector<16xf32>,
      %swap3A_463 = arith.constant 0 : i32
      %swap3A_464 = arith.constant 6 : i32
      %swap3A_465 = arith.index_cast %scan3A_106 : i32 to index
      %swap3A_466 = arith.index_cast %swap3A_463 : i32 to index
      %swap3A_467 = arith.index_cast %swap3A_464 : i32 to index
      %swap3A_468 = arith.constant 48 : index
      %swap3A_469 = tpu.vector_load %arg7[%swap3A_465, %swap3A_466, %swap3A_467, %swap3A_468] {strides = array<i32>} : memref<41x1x8x128xf32, #tpu.memory_space<vmem>>, vector<16xf32>,
      tpu.vector_store %arg7[%swap3A_465, %swap3A_466, %swap3A_467, %swap3A_468], %broadcast_in_dim3A_6 {strides = array<i32>} : memref<41x1x8x128xf32, #tpu.memory_space<vmem>>, vector<16xf32>,
      %swap3A_470 = arith.constant 0 : i32
      %swap3A_471 = arith.constant 6 : i32
      %swap3A_472 = arith.index_cast %scan3A_106 : i32 to index
      %swap3A_473 = arith.index_cast %swap3A_470 : i32 to index
      %swap3A_474 = arith.index_cast %swap3A_471 : i32 to index
      %swap3A_475 = arith.constant 64 : index
      %swap3A_476 = tpu.vector_load %arg7[%swap3A_472, %swap3A_473, %swap3A_474, %swap3A_475] {strides = array<i32>} : memref<41x1x8x128xf32, #tpu.memory_space<vmem>>, vector<16xf32>,
      tpu.vector_store %arg7[%swap3A_472, %swap3A_473, %swap3A_474, %swap3A_475], %broadcast_in_dim3A_6 {strides = array<i32>} : memref<41x1x8x128xf32, #tpu.memory_space<vmem>>, vector<16xf32>,
      %swap3A_477 = arith.constant 0 : i32
      %swap3A_478 = arith.constant 6 : i32
      %swap3A_479 = arith.index_cast %scan3A_106 : i32 to index
      %swap3A_480 = arith.index_cast %swap3A_477 : i32 to index
      %swap3A_481 = arith.index_cast %swap3A_478 : i32 to index
      %swap3A_482 = arith.constant 80 : index
      %swap3A_483 = tpu.vector_load %arg7[%swap3A_479, %swap3A_480, %swap3A_481, %swap3A_482] {strides = array<i32>} : memref<41x1x8x128xf32, #tpu.memory_space<vmem>>, vector<16xf32>,
      tpu.vector_store %arg7[%swap3A_479, %swap3A_480, %swap3A_481, %swap3A_482], %broadcast_in_dim3A_6 {strides = array<i32>} : memref<41x1x8x128xf32, #tpu.memory_space<vmem>>, vector<16xf32>,
      %swap3A_484 = arith.constant 0 : i32
      %swap3A_485 = arith.constant 6 : i32
      %swap3A_486 = arith.index_cast %scan3A_106 : i32 to index
      %swap3A_487 = arith.index_cast %swap3A_484 : i32 to index
      %swap3A_488 = arith.index_cast %swap3A_485 : i32 to index
      %swap3A_489 = arith.constant 96 : index
      %swap3A_490 = tpu.vector_load %arg7[%swap3A_486, %swap3A_487, %swap3A_488, %swap3A_489] {strides = array<i32>} : memref<41x1x8x128xf32, #tpu.memory_space<vmem>>, vector<16xf32>,
      tpu.vector_store %arg7[%swap3A_486, %swap3A_487, %swap3A_488, %swap3A_489], %broadcast_in_dim3A_6 {strides = array<i32>} : memref<41x1x8x128xf32, #tpu.memory_space<vmem>>, vector<16xf32>,
      %swap3A_491 = arith.constant 0 : i32
      %swap3A_492 = arith.constant 6 : i32
      %swap3A_493 = arith.index_cast %scan3A_106 : i32 to index
      %swap3A_494 = arith.index_cast %swap3A_491 : i32 to index
      %swap3A_495 = arith.index_cast %swap3A_492 : i32 to index
      %swap3A_496 = arith.constant 112 : index
      %swap3A_497 = tpu.vector_load %arg7[%swap3A_493, %swap3A_494, %swap3A_495, %swap3A_496] {strides = array<i32>} : memref<41x1x8x128xf32, #tpu.memory_space<vmem>>, vector<16xf32>,
      tpu.vector_store %arg7[%swap3A_493, %swap3A_494, %swap3A_495, %swap3A_496], %broadcast_in_dim3A_6 {strides = array<i32>} : memref<41x1x8x128xf32, #tpu.memory_space<vmem>>, vector<16xf32>,
      %swap3A_498 = arith.constant 0 : i32
      %swap3A_499 = arith.constant 7 : i32
      %swap3A_500 = arith.index_cast %scan3A_106 : i32 to index
      %swap3A_501 = arith.index_cast %swap3A_498 : i32 to index
      %swap3A_502 = arith.index_cast %swap3A_499 : i32 to index
      %swap3A_503 = arith.constant 0 : index
      %swap3A_504 = tpu.vector_load %arg7[%swap3A_500, %swap3A_501, %swap3A_502, %swap3A_503] {strides = array<i32>} : memref<41x1x8x128xf32, #tpu.memory_space<vmem>>, vector<16xf32>,
      tpu.vector_store %arg7[%swap3A_500, %swap3A_501, %swap3A_502, %swap3A_503], %broadcast_in_dim3A_6 {strides = array<i32>} : memref<41x1x8x128xf32, #tpu.memory_space<vmem>>, vector<16xf32>,
      %swap3A_505 = arith.constant 0 : i32
      %swap3A_506 = arith.constant 7 : i32
      %swap3A_507 = arith.index_cast %scan3A_106 : i32 to index
      %swap3A_508 = arith.index_cast %swap3A_505 : i32 to index
      %swap3A_509 = arith.index_cast %swap3A_506 : i32 to index
      %swap3A_510 = arith.constant 16 : index
      %swap3A_511 = tpu.vector_load %arg7[%swap3A_507, %swap3A_508, %swap3A_509, %swap3A_510] {strides = array<i32>} : memref<41x1x8x128xf32, #tpu.memory_space<vmem>>, vector<16xf32>,
      tpu.vector_store %arg7[%swap3A_507, %swap3A_508, %swap3A_509, %swap3A_510], %broadcast_in_dim3A_6 {strides = array<i32>} : memref<41x1x8x128xf32, #tpu.memory_space<vmem>>, vector<16xf32>,
      %swap3A_512 = arith.constant 0 : i32
      %swap3A_513 = arith.constant 7 : i32
      %swap3A_514 = arith.index_cast %scan3A_106 : i32 to index
      %swap3A_515 = arith.index_cast %swap3A_512 : i32 to index
      %swap3A_516 = arith.index_cast %swap3A_513 : i32 to index
      %swap3A_517 = arith.constant 32 : index
      %swap3A_518 = tpu.vector_load %arg7[%swap3A_514, %swap3A_515, %swap3A_516, %swap3A_517] {strides = array<i32>} : memref<41x1x8x128xf32, #tpu.memory_space<vmem>>, vector<16xf32>,
      tpu.vector_store %arg7[%swap3A_514, %swap3A_515, %swap3A_516, %swap3A_517], %broadcast_in_dim3A_6 {strides = array<i32>} : memref<41x1x8x128xf32, #tpu.memory_space<vmem>>, vector<16xf32>,
      %swap3A_519 = arith.constant 0 : i32
      %swap3A_520 = arith.constant 7 : i32
      %swap3A_521 = arith.index_cast %scan3A_106 : i32 to index
      %swap3A_522 = arith.index_cast %swap3A_519 : i32 to index
      %swap3A_523 = arith.index_cast %swap3A_520 : i32 to index
      %swap3A_524 = arith.constant 48 : index
      %swap3A_525 = tpu.vector_load %arg7[%swap3A_521, %swap3A_522, %swap3A_523, %swap3A_524] {strides = array<i32>} : memref<41x1x8x128xf32, #tpu.memory_space<vmem>>, vector<16xf32>,
      tpu.vector_store %arg7[%swap3A_521, %swap3A_522, %swap3A_523, %swap3A_524], %broadcast_in_dim3A_6 {strides = array<i32>} : memref<41x1x8x128xf32, #tpu.memory_space<vmem>>, vector<16xf32>,
      %swap3A_526 = arith.constant 0 : i32
      %swap3A_527 = arith.constant 7 : i32
      %swap3A_528 = arith.index_cast %scan3A_106 : i32 to index
      %swap3A_529 = arith.index_cast %swap3A_526 : i32 to index
      %swap3A_530 = arith.index_cast %swap3A_527 : i32 to index
      %swap3A_531 = arith.constant 64 : index
      %swap3A_532 = tpu.vector_load %arg7[%swap3A_528, %swap3A_529, %swap3A_530, %swap3A_531] {strides = array<i32>} : memref<41x1x8x128xf32, #tpu.memory_space<vmem>>, vector<16xf32>,
      tpu.vector_store %arg7[%swap3A_528, %swap3A_529, %swap3A_530, %swap3A_531], %broadcast_in_dim3A_6 {strides = array<i32>} : memref<41x1x8x128xf32, #tpu.memory_space<vmem>>, vector<16xf32>,
      %swap3A_533 = arith.constant 0 : i32
      %swap3A_534 = arith.constant 7 : i32
      %swap3A_535 = arith.index_cast %scan3A_106 : i32 to index
      %swap3A_536 = arith.index_cast %swap3A_533 : i32 to index
      %swap3A_537 = arith.index_cast %swap3A_534 : i32 to index
      %swap3A_538 = arith.constant 80 : index
      %swap3A_539 = tpu.vector_load %arg7[%swap3A_535, %swap3A_536, %swap3A_537, %swap3A_538] {strides = array<i32>} : memref<41x1x8x128xf32, #tpu.memory_space<vmem>>, vector<16xf32>,
      tpu.vector_store %arg7[%swap3A_535, %swap3A_536, %swap3A_537, %swap3A_538], %broadcast_in_dim3A_6 {strides = array<i32>} : memref<41x1x8x128xf32, #tpu.memory_space<vmem>>, vector<16xf32>,
      %swap3A_540 = arith.constant 0 : i32
      %swap3A_541 = arith.constant 7 : i32
      %swap3A_542 = arith.index_cast %scan3A_106 : i32 to index
      %swap3A_543 = arith.index_cast %swap3A_540 : i32 to index
      %swap3A_544 = arith.index_cast %swap3A_541 : i32 to index
      %swap3A_545 = arith.constant 96 : index
      %swap3A_546 = tpu.vector_load %arg7[%swap3A_542, %swap3A_543, %swap3A_544, %swap3A_545] {strides = array<i32>} : memref<41x1x8x128xf32, #tpu.memory_space<vmem>>, vector<16xf32>,
      tpu.vector_store %arg7[%swap3A_542, %swap3A_543, %swap3A_544, %swap3A_545], %broadcast_in_dim3A_6 {strides = array<i32>} : memref<41x1x8x128xf32, #tpu.memory_space<vmem>>, vector<16xf32>,
      %swap3A_547 = arith.constant 0 : i32
      %swap3A_548 = arith.constant 7 : i32
      %swap3A_549 = arith.index_cast %scan3A_106 : i32 to index
      %swap3A_550 = arith.index_cast %swap3A_547 : i32 to index
      %swap3A_551 = arith.index_cast %swap3A_548 : i32 to index
      %swap3A_552 = arith.constant 112 : index
      %swap3A_553 = tpu.vector_load %arg7[%swap3A_549, %swap3A_550, %swap3A_551, %swap3A_552] {strides = array<i32>} : memref<41x1x8x128xf32, #tpu.memory_space<vmem>>, vector<16xf32>,
      tpu.vector_store %arg7[%swap3A_549, %swap3A_550, %swap3A_551, %swap3A_552], %broadcast_in_dim3A_6 {strides = array<i32>} : memref<41x1x8x128xf32, #tpu.memory_space<vmem>>, vector<16xf32>,
    }
    %scan3A_55 = arith.constant 41 : i32
    %scan3A_56 = arith.constant 0 : i32
    %scan3A_57 = arith.constant 8 : i32
    %scan3A_58 = arith.addi %scan3A_56, %scan3A_57 : i32
    %scan3A_59 = arith.constant 1 : i32
    scf.for %scan3A_106 = %scan3A_56 to %scan3A_58 step %scan3A_59  : i32 {
      %mul3A_107 = arith.constant 16 : i32
      %mul3A_108 = arith.muli %scan3A_106, %mul3A_107 : i32
      %add3A_109 = arith.constant 0 : i32
      %add3A_110 = arith.addi %add3A_109, %mul3A_108 : i32
      %get3A = arith.index_cast %add3A_110 : i32 to index
      %get3A_111 = tpu.vector_load %arg4[%get3A] {strides = array<i32>} : memref<512xi32, #tpu.memory_space<vmem>>, vector<16xi32>,
      %sub3A = arith.constant 672 : i32
      %sub3A_112 = vector.broadcast %sub3A : i32 to vector<16xi32>
      %sub3A_113 = arith.subi %get3A_111, %sub3A_112 : vector<16xi32>
      %ge3A = arith.constant 672 : i32
      %ge3A_114 = vector.broadcast %ge3A : i32 to vector<16xi32>
      %ge3A_115 = arith.cmpi sge, %get3A_111, %ge3A_114 : vector<16xi32>
      %lt3A = arith.constant 1000 : i32
      %lt3A_116 = vector.broadcast %lt3A : i32 to vector<16xi32>
      %lt3A_117 = arith.cmpi slt, %get3A_111, %lt3A_116 : vector<16xi32>
      %and3A = arith.andi %ge3A_115, %lt3A_117 : vector<16xi1>
      %shift_right_arithmetic3A = arith.constant 3 : i32
      %shift_right_arithmetic3A_118 = vector.broadcast %shift_right_arithmetic3A : i32 to vector<16xi32>
      %shift_right_arithmetic3A_119 = arith.shrsi %sub3A_113, %shift_right_arithmetic3A_118 : vector<16xi32>
      %and3A_120 = arith.constant 7 : i32
      %and3A_121 = vector.broadcast %and3A_120 : i32 to vector<16xi32>
      %and3A_122 = arith.andi %sub3A_113, %and3A_121 : vector<16xi32>
      %mul3A_123 = arith.constant 16 : i32
      %mul3A_124 = arith.muli %scan3A_106, %mul3A_123 : i32
      %add3A_125 = vector.broadcast %mul3A_124 : i32 to vector<16xi32>
      %add3A_126 = arith.addi %add3A_125, %iota3A : vector<16xi32>
      tpu.vector_store_idx %arg7[%shift_right_arithmetic3A_119, %broadcast_in_dim3A_10, %and3A_122, %add3A_126], %broadcast_in_dim3A_8 masked %and3A : memref<41x1x8x128xf32, #tpu.memory_space<vmem>>[vector<16xi32>, vector<16xi32>, vector<16xi32>, vector<16xi32>], vector<16xf32>, vector<16xi1>
    }
    %scan3A_60 = arith.constant 8 : i32
    %add3A_61 = arith.constant 0 : i32
    %add3A_62 = arith.addi %mul3A_4, %add3A_61 : i32
    %dma_start3A_63 = arith.constant 84 : i32
    %dma_start3A_64 = arith.constant 0 : i32
    %dma_start3A_65 = arith.constant 0 : i32
    %dma_start3A_66 = tpu.memref_slice %arg3[%dma_start3A_63, %add3A_62, %dma_start3A_64, %dma_start3A_65] : memref<125x128x8x128xf32, #tpu.memory_space<hbm>> -> memref<41x1x8x128xf32, #tpu.memory_space<hbm>>
    %dma_start3A_67 = arith.constant 84 : i32
    %dma_start3A_68 = arith.constant 0 : i32
    %dma_start3A_69 = arith.constant 0 : i32
    %dma_start3A_70 = tpu.memref_slice %arg3[%dma_start3A_67, %add3A_62, %dma_start3A_68, %dma_start3A_69] : memref<125x128x8x128xf32, #tpu.memory_space<hbm>> -> memref<41x1x8x128xf32, #tpu.memory_space<hbm>>
    tpu.enqueue_dma source(%arg7 : memref<41x1x8x128xf32, #tpu.memory_space<vmem>>) target(%dma_start3A_70 : memref<41x1x8x128xf32, #tpu.memory_space<hbm>>) target_semaphore(%arg10 : memref<!tpu.dma_semaphore, #tpu.memory_space<semaphore_mem>>)
    %scan3A_71 = arith.constant 1 : i32
    %scan3A_72 = arith.constant 3 : i32
    %scan3A_73 = arith.addi %scan3A_71, %scan3A_72 : i32
    %scan3A_74 = arith.constant 1 : i32
    scf.for %scan3A_106 = %scan3A_71 to %scan3A_73 step %scan3A_74  : i32 {
      %add3A_107 = arith.addi %mul3A_4, %scan3A_106 : i32
      %dma_wait3A_108 = arith.constant 0 : i32
      %dma_wait3A_109 = arith.constant 0 : i32
      %dma_wait3A_110 = arith.constant 0 : i32
      %dma_wait3A_111 = tpu.memref_slice %arg3[%dma_wait3A_108, %add3A_107, %dma_wait3A_109, %dma_wait3A_110] : memref<125x128x8x128xf32, #tpu.memory_space<hbm>> -> memref<42x1x8x128xf32, #tpu.memory_space<hbm>>
      %dma_wait3A_112 = arith.constant 0 : i32
      %dma_wait3A_113 = arith.constant 0 : i32
      %dma_wait3A_114 = arith.constant 0 : i32
      %dma_wait3A_115 = tpu.memref_slice %arg3[%dma_wait3A_112, %add3A_107, %dma_wait3A_113, %dma_wait3A_114] : memref<125x128x8x128xf32, #tpu.memory_space<hbm>> -> memref<42x1x8x128xf32, #tpu.memory_space<hbm>>
      tpu.wait_dma2 semaphore(%arg8 : memref<!tpu.dma_semaphore, #tpu.memory_space<semaphore_mem>>) src(%arg5 : memref<42x1x8x128xf32, #tpu.memory_space<vmem>>) dst(%dma_wait3A_115 : memref<42x1x8x128xf32, #tpu.memory_space<hbm>>)
      %sub3A = arith.constant 1 : i32
      %sub3A_116 = arith.subi %scan3A_106, %sub3A : i32
      %scan3A_117 = arith.constant 0 : i32
      %scan3A_118 = arith.constant 8 : i32
      %scan3A_119 = arith.addi %scan3A_117, %scan3A_118 : i32
      %scan3A_120 = arith.constant 1 : i32
      scf.for %scan3A_196 = %scan3A_117 to %scan3A_119 step %scan3A_120  : i32 {
        %mul3A_197 = arith.constant 128 : i32
        %mul3A_198 = arith.muli %sub3A_116, %mul3A_197 : i32
        %mul3A_199 = arith.constant 16 : i32
        %mul3A_200 = arith.muli %scan3A_196, %mul3A_199 : i32
        %add3A_201 = arith.addi %mul3A_198, %mul3A_200 : i32
        %get3A = arith.index_cast %add3A_201 : i32 to index
        %get3A_202 = tpu.vector_load %arg4[%get3A] {strides = array<i32>} : memref<512xi32, #tpu.memory_space<vmem>>, vector<16xi32>,
        %sub3A_203 = arith.constant 0 : i32
        %sub3A_204 = vector.broadcast %sub3A_203 : i32 to vector<16xi32>
        %sub3A_205 = arith.subi %get3A_202, %sub3A_204 : vector<16xi32>
        %ge3A = arith.constant 0 : i32
        %ge3A_206 = vector.broadcast %ge3A : i32 to vector<16xi32>
        %ge3A_207 = arith.cmpi sge, %get3A_202, %ge3A_206 : vector<16xi32>
        %lt3A = arith.constant 336 : i32
        %lt3A_208 = vector.broadcast %lt3A : i32 to vector<16xi32>
        %lt3A_209 = arith.cmpi slt, %get3A_202, %lt3A_208 : vector<16xi32>
        %and3A = arith.andi %ge3A_207, %lt3A_209 : vector<16xi1>
        %shift_right_arithmetic3A = arith.constant 3 : i32
        %shift_right_arithmetic3A_210 = vector.broadcast %shift_right_arithmetic3A : i32 to vector<16xi32>
        %shift_right_arithmetic3A_211 = arith.shrsi %sub3A_205, %shift_right_arithmetic3A_210 : vector<16xi32>
        %and3A_212 = arith.constant 7 : i32
        %and3A_213 = vector.broadcast %and3A_212 : i32 to vector<16xi32>
        %and3A_214 = arith.andi %sub3A_205, %and3A_213 : vector<16xi32>
        %mul3A_215 = arith.constant 16 : i32
        %mul3A_216 = arith.muli %scan3A_196, %mul3A_215 : i32
        %add3A_217 = vector.broadcast %mul3A_216 : i32 to vector<16xi32>
        %add3A_218 = arith.addi %add3A_217, %iota3A : vector<16xi32>
        tpu.vector_store_idx %arg5[%shift_right_arithmetic3A_211, %broadcast_in_dim3A_10, %and3A_214, %add3A_218], %broadcast_in_dim3A_6 masked %and3A : memref<42x1x8x128xf32, #tpu.memory_space<vmem>>[vector<16xi32>, vector<16xi32>, vector<16xi32>, vector<16xi32>], vector<16xf32>, vector<16xi1>
      }
      %scan3A_121 = arith.constant 8 : i32
      %scan3A_122 = arith.constant 0 : i32
      %scan3A_123 = arith.constant 8 : i32
      %scan3A_124 = arith.addi %scan3A_122, %scan3A_123 : i32
      %scan3A_125 = arith.constant 1 : i32
      scf.for %scan3A_196 = %scan3A_122 to %scan3A_124 step %scan3A_125  : i32 {
        %mul3A_197 = arith.constant 128 : i32
        %mul3A_198 = arith.muli %scan3A_106, %mul3A_197 : i32
        %mul3A_199 = arith.constant 16 : i32
        %mul3A_200 = arith.muli %scan3A_196, %mul3A_199 : i32
        %add3A_201 = arith.addi %mul3A_198, %mul3A_200 : i32
        %get3A = arith.index_cast %add3A_201 : i32 to index
        %get3A_202 = tpu.vector_load %arg4[%get3A] {strides = array<i32>} : memref<512xi32, #tpu.memory_space<vmem>>, vector<16xi32>,
        %sub3A_203 = arith.constant 0 : i32
        %sub3A_204 = vector.broadcast %sub3A_203 : i32 to vector<16xi32>
        %sub3A_205 = arith.subi %get3A_202, %sub3A_204 : vector<16xi32>
        %ge3A = arith.constant 0 : i32
        %ge3A_206 = vector.broadcast %ge3A : i32 to vector<16xi32>
        %ge3A_207 = arith.cmpi sge, %get3A_202, %ge3A_206 : vector<16xi32>
        %lt3A = arith.constant 336 : i32
        %lt3A_208 = vector.broadcast %lt3A : i32 to vector<16xi32>
        %lt3A_209 = arith.cmpi slt, %get3A_202, %lt3A_208 : vector<16xi32>
        %and3A = arith.andi %ge3A_207, %lt3A_209 : vector<16xi1>
        %shift_right_arithmetic3A = arith.constant 3 : i32
        %shift_right_arithmetic3A_210 = vector.broadcast %shift_right_arithmetic3A : i32 to vector<16xi32>
        %shift_right_arithmetic3A_211 = arith.shrsi %sub3A_205, %shift_right_arithmetic3A_210 : vector<16xi32>
        %and3A_212 = arith.constant 7 : i32
        %and3A_213 = vector.broadcast %and3A_212 : i32 to vector<16xi32>
        %and3A_214 = arith.andi %sub3A_205, %and3A_213 : vector<16xi32>
        %mul3A_215 = arith.constant 16 : i32
        %mul3A_216 = arith.muli %scan3A_196, %mul3A_215 : i32
        %add3A_217 = vector.broadcast %mul3A_216 : i32 to vector<16xi32>
        %add3A_218 = arith.addi %add3A_217, %iota3A : vector<16xi32>
        tpu.vector_store_idx %arg5[%shift_right_arithmetic3A_211, %broadcast_in_dim3A_10, %and3A_214, %add3A_218], %broadcast_in_dim3A_8 masked %and3A : memref<42x1x8x128xf32, #tpu.memory_space<vmem>>[vector<16xi32>, vector<16xi32>, vector<16xi32>, vector<16xi32>], vector<16xf32>, vector<16xi1>
      }
      %scan3A_126 = arith.constant 8 : i32
      %add3A_127 = arith.addi %mul3A_4, %scan3A_106 : i32
      %dma_start3A_128 = arith.constant 0 : i32
      %dma_start3A_129 = arith.constant 0 : i32
      %dma_start3A_130 = arith.constant 0 : i32
      %dma_start3A_131 = tpu.memref_slice %arg3[%dma_start3A_128, %add3A_127, %dma_start3A_129, %dma_start3A_130] : memref<125x128x8x128xf32, #tpu.memory_space<hbm>> -> memref<42x1x8x128xf32, #tpu.memory_space<hbm>>
      %dma_start3A_132 = arith.constant 0 : i32
      %dma_start3A_133 = arith.constant 0 : i32
      %dma_start3A_134 = arith.constant 0 : i32
      %dma_start3A_135 = tpu.memref_slice %arg3[%dma_start3A_132, %add3A_127, %dma_start3A_133, %dma_start3A_134] : memref<125x128x8x128xf32, #tpu.memory_space<hbm>> -> memref<42x1x8x128xf32, #tpu.memory_space<hbm>>
      tpu.enqueue_dma source(%arg5 : memref<42x1x8x128xf32, #tpu.memory_space<vmem>>) target(%dma_start3A_135 : memref<42x1x8x128xf32, #tpu.memory_space<hbm>>) target_semaphore(%arg8 : memref<!tpu.dma_semaphore, #tpu.memory_space<semaphore_mem>>)
      %add3A_136 = arith.addi %mul3A_4, %scan3A_106 : i32
      %dma_wait3A_137 = arith.constant 42 : i32
      %dma_wait3A_138 = arith.constant 0 : i32
      %dma_wait3A_139 = arith.constant 0 : i32
      %dma_wait3A_140 = tpu.memref_slice %arg3[%dma_wait3A_137, %add3A_136, %dma_wait3A_138, %dma_wait3A_139] : memref<125x128x8x128xf32, #tpu.memory_space<hbm>> -> memref<42x1x8x128xf32, #tpu.memory_space<hbm>>
      %dma_wait3A_141 = arith.constant 42 : i32
      %dma_wait3A_142 = arith.constant 0 : i32
      %dma_wait3A_143 = arith.constant 0 : i32
      %dma_wait3A_144 = tpu.memref_slice %arg3[%dma_wait3A_141, %add3A_136, %dma_wait3A_142, %dma_wait3A_143] : memref<125x128x8x128xf32, #tpu.memory_space<hbm>> -> memref<42x1x8x128xf32, #tpu.memory_space<hbm>>
      tpu.wait_dma2 semaphore(%arg9 : memref<!tpu.dma_semaphore, #tpu.memory_space<semaphore_mem>>) src(%arg6 : memref<42x1x8x128xf32, #tpu.memory_space<vmem>>) dst(%dma_wait3A_144 : memref<42x1x8x128xf32, #tpu.memory_space<hbm>>)
      %sub3A_145 = arith.constant 1 : i32
      %sub3A_146 = arith.subi %scan3A_106, %sub3A_145 : i32
      %scan3A_147 = arith.constant 0 : i32
      %scan3A_148 = arith.constant 8 : i32
      %scan3A_149 = arith.addi %scan3A_147, %scan3A_148 : i32
      %scan3A_150 = arith.constant 1 : i32
      scf.for %scan3A_196 = %scan3A_147 to %scan3A_149 step %scan3A_150  : i32 {
        %mul3A_197 = arith.constant 128 : i32
        %mul3A_198 = arith.muli %sub3A_146, %mul3A_197 : i32
        %mul3A_199 = arith.constant 16 : i32
        %mul3A_200 = arith.muli %scan3A_196, %mul3A_199 : i32
        %add3A_201 = arith.addi %mul3A_198, %mul3A_200 : i32
        %get3A = arith.index_cast %add3A_201 : i32 to index
        %get3A_202 = tpu.vector_load %arg4[%get3A] {strides = array<i32>} : memref<512xi32, #tpu.memory_space<vmem>>, vector<16xi32>,
        %sub3A_203 = arith.constant 336 : i32
        %sub3A_204 = vector.broadcast %sub3A_203 : i32 to vector<16xi32>
        %sub3A_205 = arith.subi %get3A_202, %sub3A_204 : vector<16xi32>
        %ge3A = arith.constant 336 : i32
        %ge3A_206 = vector.broadcast %ge3A : i32 to vector<16xi32>
        %ge3A_207 = arith.cmpi sge, %get3A_202, %ge3A_206 : vector<16xi32>
        %lt3A = arith.constant 672 : i32
        %lt3A_208 = vector.broadcast %lt3A : i32 to vector<16xi32>
        %lt3A_209 = arith.cmpi slt, %get3A_202, %lt3A_208 : vector<16xi32>
        %and3A = arith.andi %ge3A_207, %lt3A_209 : vector<16xi1>
        %shift_right_arithmetic3A = arith.constant 3 : i32
        %shift_right_arithmetic3A_210 = vector.broadcast %shift_right_arithmetic3A : i32 to vector<16xi32>
        %shift_right_arithmetic3A_211 = arith.shrsi %sub3A_205, %shift_right_arithmetic3A_210 : vector<16xi32>
        %and3A_212 = arith.constant 7 : i32
        %and3A_213 = vector.broadcast %and3A_212 : i32 to vector<16xi32>
        %and3A_214 = arith.andi %sub3A_205, %and3A_213 : vector<16xi32>
        %mul3A_215 = arith.constant 16 : i32
        %mul3A_216 = arith.muli %scan3A_196, %mul3A_215 : i32
        %add3A_217 = vector.broadcast %mul3A_216 : i32 to vector<16xi32>
        %add3A_218 = arith.addi %add3A_217, %iota3A : vector<16xi32>
        tpu.vector_store_idx %arg6[%shift_right_arithmetic3A_211, %broadcast_in_dim3A_10, %and3A_214, %add3A_218], %broadcast_in_dim3A_6 masked %and3A : memref<42x1x8x128xf32, #tpu.memory_space<vmem>>[vector<16xi32>, vector<16xi32>, vector<16xi32>, vector<16xi32>], vector<16xf32>, vector<16xi1>
      }
      %scan3A_151 = arith.constant 8 : i32
      %scan3A_152 = arith.constant 0 : i32
      %scan3A_153 = arith.constant 8 : i32
      %scan3A_154 = arith.addi %scan3A_152, %scan3A_153 : i32
      %scan3A_155 = arith.constant 1 : i32
      scf.for %scan3A_196 = %scan3A_152 to %scan3A_154 step %scan3A_155  : i32 {
        %mul3A_197 = arith.constant 128 : i32
        %mul3A_198 = arith.muli %scan3A_106, %mul3A_197 : i32
        %mul3A_199 = arith.constant 16 : i32
        %mul3A_200 = arith.muli %scan3A_196, %mul3A_199 : i32
        %add3A_201 = arith.addi %mul3A_198, %mul3A_200 : i32
        %get3A = arith.index_cast %add3A_201 : i32 to index
        %get3A_202 = tpu.vector_load %arg4[%get3A] {strides = array<i32>} : memref<512xi32, #tpu.memory_space<vmem>>, vector<16xi32>,
        %sub3A_203 = arith.constant 336 : i32
        %sub3A_204 = vector.broadcast %sub3A_203 : i32 to vector<16xi32>
        %sub3A_205 = arith.subi %get3A_202, %sub3A_204 : vector<16xi32>
        %ge3A = arith.constant 336 : i32
        %ge3A_206 = vector.broadcast %ge3A : i32 to vector<16xi32>
        %ge3A_207 = arith.cmpi sge, %get3A_202, %ge3A_206 : vector<16xi32>
        %lt3A = arith.constant 672 : i32
        %lt3A_208 = vector.broadcast %lt3A : i32 to vector<16xi32>
        %lt3A_209 = arith.cmpi slt, %get3A_202, %lt3A_208 : vector<16xi32>
        %and3A = arith.andi %ge3A_207, %lt3A_209 : vector<16xi1>
        %shift_right_arithmetic3A = arith.constant 3 : i32
        %shift_right_arithmetic3A_210 = vector.broadcast %shift_right_arithmetic3A : i32 to vector<16xi32>
        %shift_right_arithmetic3A_211 = arith.shrsi %sub3A_205, %shift_right_arithmetic3A_210 : vector<16xi32>
        %and3A_212 = arith.constant 7 : i32
        %and3A_213 = vector.broadcast %and3A_212 : i32 to vector<16xi32>
        %and3A_214 = arith.andi %sub3A_205, %and3A_213 : vector<16xi32>
        %mul3A_215 = arith.constant 16 : i32
        %mul3A_216 = arith.muli %scan3A_196, %mul3A_215 : i32
        %add3A_217 = vector.broadcast %mul3A_216 : i32 to vector<16xi32>
        %add3A_218 = arith.addi %add3A_217, %iota3A : vector<16xi32>
        tpu.vector_store_idx %arg6[%shift_right_arithmetic3A_211, %broadcast_in_dim3A_10, %and3A_214, %add3A_218], %broadcast_in_dim3A_8 masked %and3A : memref<42x1x8x128xf32, #tpu.memory_space<vmem>>[vector<16xi32>, vector<16xi32>, vector<16xi32>, vector<16xi32>], vector<16xf32>, vector<16xi1>
      }
      %scan3A_156 = arith.constant 8 : i32
      %add3A_157 = arith.addi %mul3A_4, %scan3A_106 : i32
      %dma_start3A_158 = arith.constant 42 : i32
      %dma_start3A_159 = arith.constant 0 : i32
      %dma_start3A_160 = arith.constant 0 : i32
      %dma_start3A_161 = tpu.memref_slice %arg3[%dma_start3A_158, %add3A_157, %dma_start3A_159, %dma_start3A_160] : memref<125x128x8x128xf32, #tpu.memory_space<hbm>> -> memref<42x1x8x128xf32, #tpu.memory_space<hbm>>
      %dma_start3A_162 = arith.constant 42 : i32
      %dma_start3A_163 = arith.constant 0 : i32
      %dma_start3A_164 = arith.constant 0 : i32
      %dma_start3A_165 = tpu.memref_slice %arg3[%dma_start3A_162, %add3A_157, %dma_start3A_163, %dma_start3A_164] : memref<125x128x8x128xf32, #tpu.memory_space<hbm>> -> memref<42x1x8x128xf32, #tpu.memory_space<hbm>>
      tpu.enqueue_dma source(%arg6 : memref<42x1x8x128xf32, #tpu.memory_space<vmem>>) target(%dma_start3A_165 : memref<42x1x8x128xf32, #tpu.memory_space<hbm>>) target_semaphore(%arg9 : memref<!tpu.dma_semaphore, #tpu.memory_space<semaphore_mem>>)
      %add3A_166 = arith.addi %mul3A_4, %scan3A_106 : i32
      %dma_wait3A_167 = arith.constant 84 : i32
      %dma_wait3A_168 = arith.constant 0 : i32
      %dma_wait3A_169 = arith.constant 0 : i32
      %dma_wait3A_170 = tpu.memref_slice %arg3[%dma_wait3A_167, %add3A_166, %dma_wait3A_168, %dma_wait3A_169] : memref<125x128x8x128xf32, #tpu.memory_space<hbm>> -> memref<41x1x8x128xf32, #tpu.memory_space<hbm>>
      %dma_wait3A_171 = arith.constant 84 : i32
      %dma_wait3A_172 = arith.constant 0 : i32
      %dma_wait3A_173 = arith.constant 0 : i32
      %dma_wait3A_174 = tpu.memref_slice %arg3[%dma_wait3A_171, %add3A_166, %dma_wait3A_172, %dma_wait3A_173] : memref<125x128x8x128xf32, #tpu.memory_space<hbm>> -> memref<41x1x8x128xf32, #tpu.memory_space<hbm>>
      tpu.wait_dma2 semaphore(%arg10 : memref<!tpu.dma_semaphore, #tpu.memory_space<semaphore_mem>>) src(%arg7 : memref<41x1x8x128xf32, #tpu.memory_space<vmem>>) dst(%dma_wait3A_174 : memref<41x1x8x128xf32, #tpu.memory_space<hbm>>)
      %sub3A_175 = arith.constant 1 : i32
      %sub3A_176 = arith.subi %scan3A_106, %sub3A_175 : i32
      %scan3A_177 = arith.constant 0 : i32
      %scan3A_178 = arith.constant 8 : i32
      %scan3A_179 = arith.addi %scan3A_177, %scan3A_178 : i32
      %scan3A_180 = arith.constant 1 : i32
      scf.for %scan3A_196 = %scan3A_177 to %scan3A_179 step %scan3A_180  : i32 {
        %mul3A_197 = arith.constant 128 : i32
        %mul3A_198 = arith.muli %sub3A_176, %mul3A_197 : i32
        %mul3A_199 = arith.constant 16 : i32
        %mul3A_200 = arith.muli %scan3A_196, %mul3A_199 : i32
        %add3A_201 = arith.addi %mul3A_198, %mul3A_200 : i32
        %get3A = arith.index_cast %add3A_201 : i32 to index
        %get3A_202 = tpu.vector_load %arg4[%get3A] {strides = array<i32>} : memref<512xi32, #tpu.memory_space<vmem>>, vector<16xi32>,
        %sub3A_203 = arith.constant 672 : i32
        %sub3A_204 = vector.broadcast %sub3A_203 : i32 to vector<16xi32>
        %sub3A_205 = arith.subi %get3A_202, %sub3A_204 : vector<16xi32>
        %ge3A = arith.constant 672 : i32
        %ge3A_206 = vector.broadcast %ge3A : i32 to vector<16xi32>
        %ge3A_207 = arith.cmpi sge, %get3A_202, %ge3A_206 : vector<16xi32>
        %lt3A = arith.constant 1000 : i32
        %lt3A_208 = vector.broadcast %lt3A : i32 to vector<16xi32>
        %lt3A_209 = arith.cmpi slt, %get3A_202, %lt3A_208 : vector<16xi32>
        %and3A = arith.andi %ge3A_207, %lt3A_209 : vector<16xi1>
        %shift_right_arithmetic3A = arith.constant 3 : i32
        %shift_right_arithmetic3A_210 = vector.broadcast %shift_right_arithmetic3A : i32 to vector<16xi32>
        %shift_right_arithmetic3A_211 = arith.shrsi %sub3A_205, %shift_right_arithmetic3A_210 : vector<16xi32>
        %and3A_212 = arith.constant 7 : i32
        %and3A_213 = vector.broadcast %and3A_212 : i32 to vector<16xi32>
        %and3A_214 = arith.andi %sub3A_205, %and3A_213 : vector<16xi32>
        %mul3A_215 = arith.constant 16 : i32
        %mul3A_216 = arith.muli %scan3A_196, %mul3A_215 : i32
        %add3A_217 = vector.broadcast %mul3A_216 : i32 to vector<16xi32>
        %add3A_218 = arith.addi %add3A_217, %iota3A : vector<16xi32>
        tpu.vector_store_idx %arg7[%shift_right_arithmetic3A_211, %broadcast_in_dim3A_10, %and3A_214, %add3A_218], %broadcast_in_dim3A_6 masked %and3A : memref<41x1x8x128xf32, #tpu.memory_space<vmem>>[vector<16xi32>, vector<16xi32>, vector<16xi32>, vector<16xi32>], vector<16xf32>, vector<16xi1>
      }
      %scan3A_181 = arith.constant 8 : i32
      %scan3A_182 = arith.constant 0 : i32
      %scan3A_183 = arith.constant 8 : i32
      %scan3A_184 = arith.addi %scan3A_182, %scan3A_183 : i32
      %scan3A_185 = arith.constant 1 : i32
      scf.for %scan3A_196 = %scan3A_182 to %scan3A_184 step %scan3A_185  : i32 {
        %mul3A_197 = arith.constant 128 : i32
        %mul3A_198 = arith.muli %scan3A_106, %mul3A_197 : i32
        %mul3A_199 = arith.constant 16 : i32
        %mul3A_200 = arith.muli %scan3A_196, %mul3A_199 : i32
        %add3A_201 = arith.addi %mul3A_198, %mul3A_200 : i32
        %get3A = arith.index_cast %add3A_201 : i32 to index
        %get3A_202 = tpu.vector_load %arg4[%get3A] {strides = array<i32>} : memref<512xi32, #tpu.memory_space<vmem>>, vector<16xi32>,
        %sub3A_203 = arith.constant 672 : i32
        %sub3A_204 = vector.broadcast %sub3A_203 : i32 to vector<16xi32>
        %sub3A_205 = arith.subi %get3A_202, %sub3A_204 : vector<16xi32>
        %ge3A = arith.constant 672 : i32
        %ge3A_206 = vector.broadcast %ge3A : i32 to vector<16xi32>
        %ge3A_207 = arith.cmpi sge, %get3A_202, %ge3A_206 : vector<16xi32>
        %lt3A = arith.constant 1000 : i32
        %lt3A_208 = vector.broadcast %lt3A : i32 to vector<16xi32>
        %lt3A_209 = arith.cmpi slt, %get3A_202, %lt3A_208 : vector<16xi32>
        %and3A = arith.andi %ge3A_207, %lt3A_209 : vector<16xi1>
        %shift_right_arithmetic3A = arith.constant 3 : i32
        %shift_right_arithmetic3A_210 = vector.broadcast %shift_right_arithmetic3A : i32 to vector<16xi32>
        %shift_right_arithmetic3A_211 = arith.shrsi %sub3A_205, %shift_right_arithmetic3A_210 : vector<16xi32>
        %and3A_212 = arith.constant 7 : i32
        %and3A_213 = vector.broadcast %and3A_212 : i32 to vector<16xi32>
        %and3A_214 = arith.andi %sub3A_205, %and3A_213 : vector<16xi32>
        %mul3A_215 = arith.constant 16 : i32
        %mul3A_216 = arith.muli %scan3A_196, %mul3A_215 : i32
        %add3A_217 = vector.broadcast %mul3A_216 : i32 to vector<16xi32>
        %add3A_218 = arith.addi %add3A_217, %iota3A : vector<16xi32>
        tpu.vector_store_idx %arg7[%shift_right_arithmetic3A_211, %broadcast_in_dim3A_10, %and3A_214, %add3A_218], %broadcast_in_dim3A_8 masked %and3A : memref<41x1x8x128xf32, #tpu.memory_space<vmem>>[vector<16xi32>, vector<16xi32>, vector<16xi32>, vector<16xi32>], vector<16xf32>, vector<16xi1>
      }
      %scan3A_186 = arith.constant 8 : i32
      %add3A_187 = arith.addi %mul3A_4, %scan3A_106 : i32
      %dma_start3A_188 = arith.constant 84 : i32
      %dma_start3A_189 = arith.constant 0 : i32
      %dma_start3A_190 = arith.constant 0 : i32
      %dma_start3A_191 = tpu.memref_slice %arg3[%dma_start3A_188, %add3A_187, %dma_start3A_189, %dma_start3A_190] : memref<125x128x8x128xf32, #tpu.memory_space<hbm>> -> memref<41x1x8x128xf32, #tpu.memory_space<hbm>>
      %dma_start3A_192 = arith.constant 84 : i32
      %dma_start3A_193 = arith.constant 0 : i32
      %dma_start3A_194 = arith.constant 0 : i32
      %dma_start3A_195 = tpu.memref_slice %arg3[%dma_start3A_192, %add3A_187, %dma_start3A_193, %dma_start3A_194] : memref<125x128x8x128xf32, #tpu.memory_space<hbm>> -> memref<41x1x8x128xf32, #tpu.memory_space<hbm>>
      tpu.enqueue_dma source(%arg7 : memref<41x1x8x128xf32, #tpu.memory_space<vmem>>) target(%dma_start3A_195 : memref<41x1x8x128xf32, #tpu.memory_space<hbm>>) target_semaphore(%arg10 : memref<!tpu.dma_semaphore, #tpu.memory_space<semaphore_mem>>)
    }
    %scan3A_75 = arith.constant 3 : i32
    %add3A_76 = arith.constant 0 : i32
    %add3A_77 = arith.addi %mul3A_4, %add3A_76 : i32
    %dma_wait3A_78 = arith.constant 0 : i32
    %dma_wait3A_79 = arith.constant 0 : i32
    %dma_wait3A_80 = arith.constant 0 : i32
    %dma_wait3A_81 = tpu.memref_slice %arg3[%dma_wait3A_78, %add3A_77, %dma_wait3A_79, %dma_wait3A_80] : memref<125x128x8x128xf32, #tpu.memory_space<hbm>> -> memref<42x1x8x128xf32, #tpu.memory_space<hbm>>
    %dma_wait3A_82 = arith.constant 0 : i32
    %dma_wait3A_83 = arith.constant 0 : i32
    %dma_wait3A_84 = arith.constant 0 : i32
    %dma_wait3A_85 = tpu.memref_slice %arg3[%dma_wait3A_82, %add3A_77, %dma_wait3A_83, %dma_wait3A_84] : memref<125x128x8x128xf32, #tpu.memory_space<hbm>> -> memref<42x1x8x128xf32, #tpu.memory_space<hbm>>
    tpu.wait_dma2 semaphore(%arg8 : memref<!tpu.dma_semaphore, #tpu.memory_space<semaphore_mem>>) src(%arg5 : memref<42x1x8x128xf32, #tpu.memory_space<vmem>>) dst(%dma_wait3A_85 : memref<42x1x8x128xf32, #tpu.memory_space<hbm>>)
    %add3A_86 = arith.constant 0 : i32
    %add3A_87 = arith.addi %mul3A_4, %add3A_86 : i32
    %dma_wait3A_88 = arith.constant 42 : i32
    %dma_wait3A_89 = arith.constant 0 : i32
    %dma_wait3A_90 = arith.constant 0 : i32
    %dma_wait3A_91 = tpu.memref_slice %arg3[%dma_wait3A_88, %add3A_87, %dma_wait3A_89, %dma_wait3A_90] : memref<125x128x8x128xf32, #tpu.memory_space<hbm>> -> memref<42x1x8x128xf32, #tpu.memory_space<hbm>>
    %dma_wait3A_92 = arith.constant 42 : i32
    %dma_wait3A_93 = arith.constant 0 : i32
    %dma_wait3A_94 = arith.constant 0 : i32
    %dma_wait3A_95 = tpu.memref_slice %arg3[%dma_wait3A_92, %add3A_87, %dma_wait3A_93, %dma_wait3A_94] : memref<125x128x8x128xf32, #tpu.memory_space<hbm>> -> memref<42x1x8x128xf32, #tpu.memory_space<hbm>>
    tpu.wait_dma2 semaphore(%arg9 : memref<!tpu.dma_semaphore, #tpu.memory_space<semaphore_mem>>) src(%arg6 : memref<42x1x8x128xf32, #tpu.memory_space<vmem>>) dst(%dma_wait3A_95 : memref<42x1x8x128xf32, #tpu.memory_space<hbm>>)
    %add3A_96 = arith.constant 0 : i32
    %add3A_97 = arith.addi %mul3A_4, %add3A_96 : i32
    %dma_wait3A_98 = arith.constant 84 : i32
    %dma_wait3A_99 = arith.constant 0 : i32
    %dma_wait3A_100 = arith.constant 0 : i32
    %dma_wait3A_101 = tpu.memref_slice %arg3[%dma_wait3A_98, %add3A_97, %dma_wait3A_99, %dma_wait3A_100] : memref<125x128x8x128xf32, #tpu.memory_space<hbm>> -> memref<41x1x8x128xf32, #tpu.memory_space<hbm>>
    %dma_wait3A_102 = arith.constant 84 : i32
    %dma_wait3A_103 = arith.constant 0 : i32
    %dma_wait3A_104 = arith.constant 0 : i32
    %dma_wait3A_105 = tpu.memref_slice %arg3[%dma_wait3A_102, %add3A_97, %dma_wait3A_103, %dma_wait3A_104] : memref<125x128x8x128xf32, #tpu.memory_space<hbm>> -> memref<41x1x8x128xf32, #tpu.memory_space<hbm>>
    tpu.wait_dma2 semaphore(%arg10 : memref<!tpu.dma_semaphore, #tpu.memory_space<semaphore_mem>>) src(%arg7 : memref<41x1x8x128xf32, #tpu.memory_space<vmem>>) dst(%dma_wait3A_105 : memref<41x1x8x128xf32, #tpu.memory_space<hbm>>)
    return
  }
}

</mosaic_0001>

<sc_bundles>
// kernel: kernel.3.cloned.1.call-start
scs
__scs_entry_jumppad:
0x0: {  	(pc) =	sbr.rel $0x88, $3  }
0x1: {  	(tag) =	ssettag $0x0;
	lr =	simm.s32 $0x1  }
0x2: {  	[smem:$0x3FA0] =	sst lr;
	_ =	strace $0xD0000000  }
0x3: {  	_ = 	snop  }
0x4: {  	_ = 	snop  }
0x5: {  	_ = 	snop  }
0x6: {  	_ = 	snop  }
0x7: {  	_ = 	snop  }
__scs_overlays_trampoline_lowered:
0x8: {  	[smem:$0x3FAF] =	sst s0  }
0x9: {  	[smem:$0x3FB0] =	sst s1  }
0xa: {  	[smem:$0x3FB1] =	sst s2  }
0xb: {  	[smem:$0x3FB2] =	sst s3  }
0xc: {  	[smem:$0x3FB3] =	sst s4  }
0xd: {  	[smem:$0x3FB4] =	sst s5  }
0xe: {  	[smem:$0x3FB5] =	sst s6  }
0xf: {  	[smem:$0x3FB6] =	sst s7  }
0x10: {  	[smem:$0x3FB7] =	sst s8  }
0x11: {  	[smem:$0x3FB8] =	sst s9;
	s0 =	simm.s32 @!p0 $0x0  }
0x12: {  	s1 =	sld [smem:$0x3F9E];
	s0 =	simm.s32 @p0 $0x1  }
0x13: {  	[smem:$0x3FB9] =	sst s0;
	s0 =	simm.s32 @!p1 $0x0  }
0x14: {  	s2 =	sld [smem:$0x3F9D];
	s0 =	simm.s32 @p1 $0x1  }
0x15: {  	[smem:$0x3FBA] =	sst s0;
	s0 =	simm.s32 @!p2 $0x0  }
0x16: {  	s3 =	sld [smem:$0x3FDB];
	s0 =	simm.s32 @p2 $0x1  }
0x17: {  	s4 =	simm.s32 $0x1BF5;
	[smem:$0x3FBC] =	sst s0  }
0x18: {  	s0 =	sld [smem:$0x3F9F];
	_ =	swait.ge [sflag:s4], $0x0  }
0x19: {  	s7 =	sld [smem:$0x3FA0]  }
0x1a: {  	s8 =	sadd.s32 $0xFFFFE003, lr  }
0x1b: {  	s9 =	sadd.s32 $0xFFFFFEF7, lr;
	s5 =	simm.s32 $0xFFFFFFFF;
	p2 =	slt.u32 s8, $0xFFFFF086  }
0x1c: {  	p1 =	slt.u32 s9, $0xF7A;
	s5 =	simm.s32 @!p2 $0x0  }
0x1d: {  	s5 =	simm.s32 @p1 $0x1;
	p0 =	seq.s32 s7, s2  }
0x1e: {  	s7 =	smul.u32 @!p0 $0xF7A, s2;
	p2 =	seq.s32 @!p0 s5, $0x0  }
0x1f: {  	s9 =	smul.u32 $0xF7A, s1;
	s8 =	simm.s32 @!p0 $0x1BF5;
	p2 =	por !p2, p0  }
0x20: {  	[sflag:s8] =	ssyncset.s32 @!p0 $0xFFFFF086;
	s6 =	sadd.s32 @!p0 s3, s7;
	s7 =	simm.s32 @!p0 $0x108  }
0x21: {  	s3 =	sadd.s32 s3, s9;
	s6 =	sadd.s32 @!p0 $0x88, s6;
	s7 =	simm.s32 @p2 $0x1082  }
0x22: {  	[simem:s7], [sflag:s8] =	dma.local @!p0 [hbm:s6], $0xF7A  }
0x23: {  	s9 =	sor.u32 $0xD0000000, s2;
	s6 =	simm.s32 $0x108;
	_ =	swait.ge @!p0 [sflag:s8], $0x0  }
0x24: {  	s3 =	sadd.s32 $0x88, s3;
	s6 =	simm.s32 @!p1 $0x1082;
	[sflag:s4] =	ssyncset.s32 $0xFFFFF086  }
0x25: {  	[simem:s6], [sflag:s4] =	dma.local [hbm:s3], $0xF7A  }
0x26: {  	[smem:$0x3FA0] =	sst s1;
	(tag) =	ssettag s2;
	_ =	strace s9  }
0x27: {  	s1 =	sld [smem:$0x3FB0]  }
0x28: {  	s2 =	sld [smem:$0x3FB1]  }
0x29: {  	s4 =	sld [smem:$0x3FB3]  }
0x2a: {  	p0 =	seq.s32 s5, $0x0;
	s5 =	sld [smem:$0x3FB4]  }
0x2b: {  	s6 =	sld [smem:$0x3FB5]  }
0x2c: {  	s7 =	sld [smem:$0x3FB6]  }
0x2d: {  	s3 =	simm.s32 $0x108;
	s8 =	sld [smem:$0x3FB7]  }
0x2e: {  	s3 =	simm.s32 @!p0 $0x1082;
	s9 =	sld [smem:$0x3FB8]  }
0x2f: {  	lr =	sadd.s32 s0, s3;
	s0 =	sld [smem:$0x3FAF]  }
0x30: {  	s3 =	sld [smem:$0x3FB2]  }
0x31: {  	[smem:$0x3FBB] =	sst s10  }
0x32: {  	s10 =	sld [smem:$0x3FB9];
	_ =	sdelay $0x3  }
0x33: {  	p0 =	seq.s32 s10, $0x1;
	s10 =	sld [smem:$0x3FBB];
	_ =	sdelay $0x3  }
0x34: {  	[smem:$0x3FBB] =	sst s10  }
0x35: {  	s10 =	sld [smem:$0x3FBA];
	_ =	sdelay $0x3  }
0x36: {  	p1 =	seq.s32 s10, $0x1;
	s10 =	sld [smem:$0x3FBB];
	_ =	sdelay $0x3  }
0x37: {  	[smem:$0x3FBB] =	sst s10  }
0x38: {  	s10 =	sld [smem:$0x3FBC]  }
0x39: {  	_ = 	snop;
	(pc) =	sbr.ind lr, $3  }
0x3a: {  	_ = 	snop  }
0x3b: {  	_ = 	snop  }
0x3c: {  	p2 =	seq.s32 s10, $0x1;
	s10 =	sld [smem:$0x3FBB]  }
0x3d: {  	_ =	shalt  }
0x3e: {  	_ =	shalt  }
0x3f: {  	_ =	shalt  }
0x40: {  	_ =	shalt  }
0x41: {  	_ =	shalt  }
0x42: {  	_ =	shalt  }
0x43: {  	_ =	shalt  }
0x44: {  	_ =	shalt  }
0x45: {  	_ =	shalt  }
0x46: {  	_ =	shalt  }
0x47: {  	_ =	shalt  }
0x48: {  	_ =	shalt  }
0x49: {  	_ =	shalt  }
0x4a: {  	_ =	shalt  }
0x4b: {  	_ =	shalt  }
0x4c: {  	_ =	shalt  }
0x4d: {  	_ =	shalt  }
0x4e: {  	_ =	shalt  }
0x4f: {  	_ =	shalt  }
0x50: {  	_ =	shalt  }
0x51: {  	_ =	shalt  }
0x52: {  	_ =	shalt  }
0x53: {  	_ =	shalt  }
0x54: {  	_ =	shalt  }
0x55: {  	_ =	shalt  }
0x56: {  	_ =	shalt  }
0x57: {  	_ =	shalt  }
0x58: {  	_ =	shalt  }
0x59: {  	_ =	shalt  }
0x5a: {  	_ =	shalt  }
0x5b: {  	_ =	shalt  }
0x5c: {  	_ =	shalt  }
0x5d: {  	_ =	shalt  }
0x5e: {  	_ =	shalt  }
0x5f: {  	_ =	shalt  }
0x60: {  	_ =	shalt  }
0x61: {  	_ =	shalt  }
0x62: {  	_ =	shalt  }
0x63: {  	_ =	shalt  }
0x64: {  	_ =	shalt  }
0x65: {  	_ =	shalt  }
0x66: {  	_ =	shalt  }
0x67: {  	_ =	shalt  }
0x68: {  	_ =	shalt  }
0x69: {  	_ =	shalt  }
0x6a: {  	_ =	shalt  }
0x6b: {  	_ =	shalt  }
0x6c: {  	_ =	shalt  }
0x6d: {  	_ =	shalt  }
0x6e: {  	_ =	shalt  }
0x6f: {  	_ =	shalt  }
0x70: {  	_ =	shalt  }
0x71: {  	_ =	shalt  }
0x72: {  	_ =	shalt  }
0x73: {  	_ =	shalt  }
0x74: {  	_ =	shalt  }
0x75: {  	_ =	shalt  }
0x76: {  	_ =	shalt  }
0x77: {  	_ =	shalt  }
0x78: {  	_ =	shalt  }
0x79: {  	_ =	shalt  }
0x7a: {  	_ =	shalt  }
0x7b: {  	_ =	shalt  }
0x7c: {  	_ =	shalt  }
0x7d: {  	_ =	shalt  }
0x7e: {  	_ =	shalt  }
0x7f: {  	_ =	shalt  }
0x80: {  	_ =	shalt  }
0x81: {  	_ =	shalt  }
0x82: {  	_ =	shalt  }
0x83: {  	_ =	shalt  }
0x84: {  	_ =	shalt  }
0x85: {  	_ =	shalt  }
0x86: {  	_ =	shalt  }
0x87: {  	_ =	shalt  }
.Lfunc_end0:
.L_simem_size_0:
called_computation_lowered:
.L_overlay_start_0:
0x88: {  	s2 =	sld [smem:$0x3FD9]  }
0x89: {  	s3 =	sld [smem:$0x3FFE];
	_ =	sdelay $0x1  }
0x8a: {  	s1 =	srdreg.scid  }
0x8b: {  	s0 =	sand.u32 $0x1, s1  }
0x8c: {  	s18 =	sshll.u32 s0, $0xA;
	s2 =	sadd.s32 s3, s2  }
0x8d: {  	s2 =	sadd.s32 s2, s18  }
0x8e: {  	[smem:$0x3FC7] =	sst s2  }
0x8f: {  	_ = 	snop  }
0x90: {  	s2 =	sld [smem:$0x3FC9]  }
0x91: {  	s19 =	sld [smem:$0x3FD0];
	(tm) =	ssettm $0x1  }
0x92: {  	s4 =	sld [smem:$0x3FFB];
	_ =	sdelay $0x3  }
0x93: {  	_ =	strace s4  }
0x94: {  	s4 =	sld [smem:$0x3FFC];
	_ =	sdelay $0x3  }
0x95: {  	_ =	strace s4  }
0x96: {  	s4 =	sld [smem:$0x3FFD];
	_ =	sdelay $0x3  }
0x97: {  	_ =	strace s4  }
0x98: {  	_ =	strace $0x8FFFFFFF  }
0x99: {  	s20 =	sld [smem:$0x3FDB];
	_ =	sdelay $0x1  }
0x9a: {  	s5 =	simm.s32 $_scs_section_size  }
0x9b: {  	s6 =	simm.s32 $_size__tile_overlayer_lowered;
	s7 =	simm.s32 $_tile_overlayer_lowered  }
0x9c: {  	s23 =	simm.s32 $0x1BFF;
	s22 =	sshll.u32 s7, $0x1;
	s4 =	sadd.s32 s5, s20  }
0x9d: {  	s8 =	simm.s32 $0x0;
	s21 =	sshll.u32 s6, $0x1;
	s6 =	sadd.s32 s22, s4  }
0x9e: {  	[timem:s8], [sflag:s23] =	dma.local [hbm:s6], s21  }
0x9f: {  	_ =	swait.ge [sflag:s23], s21  }
0xa0: {  	s5 =	ssub.s32 $0x0, s21;
	[sflag:s23] =	ssyncset.done $0x0  }
0xa1: {  	[sflag:s23] =	ssyncadd.s32 s5;
	_ =	sdelay $0x1  }
0xa2: {  	s24 =	simm.s32 $0x1B8B  }
0xa3: {  	_ =	swait.ge [sflag:s24], $0x1  }
0xa4: {  	[sflag:s24] =	ssyncset.done $0x0  }
0xa5: {  	s25 =	simm.s32 $0x1B8E;
	[sflag:s24] =	ssyncadd.s32 $0xFFFFFFFF  }
0xa6: {  	s26 =	simm.s32 $execute0_lowered;
	[smem:$0x3FD2] =	sst s25  }
0xa7: {  	s5 =	sshll.u32 s26, $0x1;
	_ =	strace $0x80000046;
	[dreg:$0x1] =	wrdreg $0xFFFFFFFF  }
0xa8: {  	s28 =	simm.s32 $_size_execute0_lowered;
	s4 =	sadd.s32 s4, s5;
	[dreg:$0x0] =	wrdreg $0x0  }
0xa9: {  	s5 =	sshll.u32 s28, $0x1;
	[dreg:$0x2] =	wrdreg s4  }
0xaa: {  	[dreg:$0x3] =	wrdreg s5  }
0xab: {  	[dreg:$0x4] =	wrdreg $0xC0  }
0xac: {  	_ =	task [dreg:s8], $0x5FFFF  }
0xad: {  	[dreg:$0x1] =	wrdreg $0xFFFFFFFF  }
0xae: {  	[dreg:$0x0] =	wrdreg $0x60  }
0xaf: {  	[dreg:$0x2] =	wrdreg s2  }
0xb0: {  	[dreg:$0x3] =	wrdreg s19  }
0xb1: {  	[dreg:$0x4] =	wrdreg $0x9  }
0xb2: {  	_ =	task.clear_ibuf [dreg:s8], $0x5FFFF;
	_ =	strace $0x90000046  }
0xb3: {  	s29 =	simm.s32 $0x9;
	_ =	strace $0x80000048  }
0xb4: {  	_ =	swait.ge [sflag:s29], $0x1  }
0xb5: {  	[sflag:s29] =	ssyncadd.s32 $0xFFFFFFFF  }
0xb6: {  	_ =	strace $0x90000048  }
0xb7: {  	_ =	sfence  }
0xb8: {  	s30 =	sld [smem:$0x0];
	_ =	sdelay $0x2  }
0xb9: {  	s31 =	sshll.u32 s1, $0xD;
	s1 =	sshrl.u32 s1, $0x2  }
0xba: {  	s3 =	sand.u32 $0x4000, s31;
	s1 =	sadd.s32 s1, s30  }
0xbb: {  	s0 =	sor.u32 s3, s0;
	s1 =	sshll.u32 s1, $0x11  }
0xbc: {  	s0 =	sor.u32 s1, s0  }
0xbd: {  	s0 =	sadd.s32 $0x8F2B, s0  }
0xbe: {  	[sflag:s0] =	ssyncadd.remote.s32 $0x1  }
0xbf: {  	_ =	sfence.sel $0xFFFF  }
0xc0: {  	[dreg:$0x0] =	wrdreg $0xFFFFFFFF;
	(pc) =	sbr.abs _section_cstart, $3  }
0xc1: {  	[dreg:$0x1] =	wrdreg $0xFFFFFFFF  }
0xc2: {  	_ =	task.clear_ibuf [dreg:s8], $0x2FFFF;
	_ =	strace $0x9FFFFFFF  }
0xc3: {  	(tm) =	ssettm $0x7FFFFFFF  }
tec
execute0_lowered:
.L_overlay_start_1:
0x0: {  	(tag) =	ssettag $0x1  }
0x1: {  	s4 =	rddreg [dreg:$0x0]  }
0x2: {  	s2 =	rddreg [dreg:$0x1]  }
0x3: {  	s0 =	rddreg [dreg:$0x2]  }
0x4: {  	s5 =	srdreg.scid;
	s1 =	stileid.u32  }
0x5: {  	s3 =	simm.s32 $0x0;
	s12 =	simm.s32 $0x1;
	s13 =	simm.s32 $0x200  }
0x6: {  	s14 =	simm.s32 $0x400;
	s15 =	simm.s32 $0x20000;
	s16 =	simm.s32 $0xAA00  }
0x7: {  	s17 =	simm.s32 $0x15200;
	s18 =	simm.s32 $0x2;
	s19 =	simm.s32 $0x3  }
0x8: {  	s20 =	simm.s32 $0x0;
	s5 =	sand.u32 $0x1, s5;
	s6 =	sshll.u32 s1, $0x1  }
0x9: {  	[smem:$0x7FF] =	sst s3;
	s7 =	ssub.s32 $0x2, s5;
	s5 =	sor.u32 s5, s6  }
0xa: {  	_ =	strace $0x80000047;
	s31 =	sshrl.u32 s7, $0x1;
	s8 =	sshll.u32 s5, $0x6  }
0xb: {  	s5 =	sshll.u32 s5, $0x9;
	s11 =	ssub.s32 s7, s31;
	s4 =	sadd.s32 s4, s8  }
0xc: {  	v0 =	vimm.f32 $0.0e+00;
	v1 =	vlaneseq.u32;
	s6 =	sadd.s32 s2, s5;
	s7 =	sadd.s32 $0xA8000, s2;
	s8 =	sadd.s32 $0x150000, s2  }
0xd: {  	v2 =	vimm.f32 $1.000000000e+00;
	v3 =	vor.u32 $0xFFFF5800, v1;
	v4 =	vor.u32 $0xFFFEB000, v1;
	s9 =	sadd.s32 s5, s7;
	s10 =	sadd.s32 s5, s8;
	s11 =	smax.u32 s11, $0x1  }
.LBB2_1:
0xe: {  	[tilespmem:s3], [sflag:$0x1] =	stream.linear.gather [hbm4b:s4+s3], $0x200, $0x38;
	[tilespmem:$0x1F600] =	vst v63  }
0xf: {  	s21 =	simm.s32 $0x0;
	s22 =	simm.s32 $0x1000  }
.LBB2_2:
0x10: {  	p0 =	sne.s32 s22, $0x29000;
	[tilespmem:s21+$0x5F0] =	vst v0  }
0x11: {  	[tilespmem:s21+$0x200] =	vst v0  }
0x12: {  	[tilespmem:s21+$0x210] =	vst v0  }
0x13: {  	[tilespmem:s21+$0x220] =	vst v0  }
0x14: {  	[tilespmem:s21+$0x230] =	vst v0  }
0x15: {  	[tilespmem:s21+$0x240] =	vst v0  }
0x16: {  	[tilespmem:s21+$0x250] =	vst v0  }
0x17: {  	[tilespmem:s21+$0x260] =	vst v0  }
0x18: {  	[tilespmem:s21+$0x270] =	vst v0  }
0x19: {  	[tilespmem:s21+$0x280] =	vst v0  }
0x1a: {  	[tilespmem:s21+$0x290] =	vst v0  }
0x1b: {  	[tilespmem:s21+$0x2A0] =	vst v0  }
0x1c: {  	[tilespmem:s21+$0x2B0] =	vst v0  }
0x1d: {  	[tilespmem:s21+$0x2C0] =	vst v0  }
0x1e: {  	[tilespmem:s21+$0x2D0] =	vst v0  }
0x1f: {  	[tilespmem:s21+$0x2E0] =	vst v0  }
0x20: {  	[tilespmem:s21+$0x2F0] =	vst v0  }
0x21: {  	[tilespmem:s21+$0x300] =	vst v0  }
0x22: {  	[tilespmem:s21+$0x310] =	vst v0  }
0x23: {  	[tilespmem:s21+$0x320] =	vst v0  }
0x24: {  	[tilespmem:s21+$0x330] =	vst v0  }
0x25: {  	[tilespmem:s21+$0x340] =	vst v0  }
0x26: {  	[tilespmem:s21+$0x350] =	vst v0  }
0x27: {  	[tilespmem:s21+$0x360] =	vst v0  }
0x28: {  	[tilespmem:s21+$0x370] =	vst v0  }
0x29: {  	[tilespmem:s21+$0x380] =	vst v0  }
0x2a: {  	[tilespmem:s21+$0x390] =	vst v0  }
0x2b: {  	[tilespmem:s21+$0x3A0] =	vst v0  }
0x2c: {  	[tilespmem:s21+$0x3B0] =	vst v0  }
0x2d: {  	[tilespmem:s21+$0x3C0] =	vst v0  }
0x2e: {  	[tilespmem:s21+$0x3D0] =	vst v0  }
0x2f: {  	[tilespmem:s21+$0x3E0] =	vst v0  }
0x30: {  	[tilespmem:s21+$0x3F0] =	vst v0  }
0x31: {  	[tilespmem:s21+$0x400] =	vst v0  }
0x32: {  	[tilespmem:s21+$0x410] =	vst v0  }
0x33: {  	[tilespmem:s21+$0x420] =	vst v0  }
0x34: {  	[tilespmem:s21+$0x430] =	vst v0  }
0x35: {  	[tilespmem:s21+$0x440] =	vst v0  }
0x36: {  	[tilespmem:s21+$0x450] =	vst v0  }
0x37: {  	[tilespmem:s21+$0x460] =	vst v0  }
0x38: {  	[tilespmem:s21+$0x470] =	vst v0  }
0x39: {  	[tilespmem:s21+$0x480] =	vst v0  }
0x3a: {  	[tilespmem:s21+$0x490] =	vst v0  }
0x3b: {  	[tilespmem:s21+$0x4A0] =	vst v0  }
0x3c: {  	[tilespmem:s21+$0x4B0] =	vst v0  }
0x3d: {  	[tilespmem:s21+$0x4C0] =	vst v0  }
0x3e: {  	[tilespmem:s21+$0x4D0] =	vst v0  }
0x3f: {  	[tilespmem:s21+$0x4E0] =	vst v0  }
0x40: {  	[tilespmem:s21+$0x4F0] =	vst v0  }
0x41: {  	[tilespmem:s21+$0x500] =	vst v0  }
0x42: {  	[tilespmem:s21+$0x510] =	vst v0  }
0x43: {  	[tilespmem:s21+$0x520] =	vst v0  }
0x44: {  	[tilespmem:s21+$0x530] =	vst v0  }
0x45: {  	[tilespmem:s21+$0x540] =	vst v0  }
0x46: {  	[tilespmem:s21+$0x550] =	vst v0  }
0x47: {  	[tilespmem:s21+$0x560] =	vst v0  }
0x48: {  	[tilespmem:s21+$0x570] =	vst v0  }
0x49: {  	[tilespmem:s21+$0x580] =	vst v0  }
0x4a: {  	[tilespmem:s21+$0x590] =	vst v0  }
.Ltmp0:
0x4b: {  	[tilespmem:s21+$0x5A0] =	vst v0;
	(pc) =	sbr.rel @p0 .LBB2_2-.Ltmp0, $4  }
0x4c: {  	[tilespmem:s21+$0x5B0] =	vst v0  }
0x4d: {  	[tilespmem:s21+$0x5C0] =	vst v0  }
0x4e: {  	[tilespmem:s21+$0x5D0] =	vst v0  }
0x4f: {  	[tilespmem:s21+$0x5E0] =	vst v0;
	s21 =	sshra.s32 s22, $0x2;
	s22 =	sadd.s32 $0x1000, s22  }
0x50: {  	[tilespmem:s21+$0x5F0] =	vst v0  }
0x51: {  	[tilespmem:s21+$0x200] =	vst v0  }
0x52: {  	[tilespmem:s21+$0x210] =	vst v0  }
0x53: {  	[tilespmem:s21+$0x220] =	vst v0  }
0x54: {  	[tilespmem:s21+$0x230] =	vst v0  }
0x55: {  	[tilespmem:s21+$0x240] =	vst v0  }
0x56: {  	[tilespmem:s21+$0x250] =	vst v0  }
0x57: {  	[tilespmem:s21+$0x260] =	vst v0  }
0x58: {  	[tilespmem:s21+$0x270] =	vst v0  }
0x59: {  	[tilespmem:s21+$0x280] =	vst v0  }
0x5a: {  	[tilespmem:s21+$0x290] =	vst v0  }
0x5b: {  	[tilespmem:s21+$0x2A0] =	vst v0  }
0x5c: {  	[tilespmem:s21+$0x2B0] =	vst v0  }
0x5d: {  	[tilespmem:s21+$0x2C0] =	vst v0  }
0x5e: {  	[tilespmem:s21+$0x2D0] =	vst v0  }
0x5f: {  	[tilespmem:s21+$0x2E0] =	vst v0  }
0x60: {  	[tilespmem:s21+$0x2F0] =	vst v0  }
0x61: {  	[tilespmem:s21+$0x300] =	vst v0  }
0x62: {  	[tilespmem:s21+$0x310] =	vst v0  }
0x63: {  	[tilespmem:s21+$0x320] =	vst v0  }
0x64: {  	[tilespmem:s21+$0x330] =	vst v0  }
0x65: {  	[tilespmem:s21+$0x340] =	vst v0  }
0x66: {  	[tilespmem:s21+$0x350] =	vst v0  }
0x67: {  	[tilespmem:s21+$0x360] =	vst v0  }
0x68: {  	[tilespmem:s21+$0x370] =	vst v0  }
0x69: {  	[tilespmem:s21+$0x380] =	vst v0  }
0x6a: {  	[tilespmem:s21+$0x390] =	vst v0  }
0x6b: {  	[tilespmem:s21+$0x3A0] =	vst v0  }
0x6c: {  	[tilespmem:s21+$0x3B0] =	vst v0  }
0x6d: {  	[tilespmem:s21+$0x3C0] =	vst v0  }
0x6e: {  	[tilespmem:s21+$0x3D0] =	vst v0  }
0x6f: {  	[tilespmem:s21+$0x3E0] =	vst v0  }
0x70: {  	[tilespmem:s21+$0x3F0] =	vst v0  }
0x71: {  	[tilespmem:s21+$0x400] =	vst v0  }
0x72: {  	[tilespmem:s21+$0x410] =	vst v0  }
0x73: {  	[tilespmem:s21+$0x420] =	vst v0  }
0x74: {  	[tilespmem:s21+$0x430] =	vst v0  }
0x75: {  	[tilespmem:s21+$0x440] =	vst v0  }
0x76: {  	[tilespmem:s21+$0x450] =	vst v0  }
0x77: {  	[tilespmem:s21+$0x460] =	vst v0  }
0x78: {  	[tilespmem:s21+$0x470] =	vst v0  }
0x79: {  	[tilespmem:s21+$0x480] =	vst v0  }
0x7a: {  	[tilespmem:s21+$0x490] =	vst v0  }
0x7b: {  	[tilespmem:s21+$0x4A0] =	vst v0  }
0x7c: {  	[tilespmem:s21+$0x4B0] =	vst v0  }
0x7d: {  	[tilespmem:s21+$0x4C0] =	vst v0  }
0x7e: {  	[tilespmem:s21+$0x4D0] =	vst v0  }
0x7f: {  	[tilespmem:s21+$0x4E0] =	vst v0  }
0x80: {  	[tilespmem:s21+$0x4F0] =	vst v0  }
0x81: {  	[tilespmem:s21+$0x500] =	vst v0  }
0x82: {  	[tilespmem:s21+$0x510] =	vst v0  }
0x83: {  	[tilespmem:s21+$0x520] =	vst v0  }
0x84: {  	[tilespmem:s21+$0x530] =	vst v0  }
0x85: {  	[tilespmem:s21+$0x540] =	vst v0  }
0x86: {  	[tilespmem:s21+$0x550] =	vst v0  }
0x87: {  	[tilespmem:s21+$0x560] =	vst v0  }
0x88: {  	[tilespmem:s21+$0x570] =	vst v0  }
0x89: {  	[tilespmem:s21+$0x580] =	vst v0  }
0x8a: {  	[tilespmem:s21+$0x590] =	vst v0  }
0x8b: {  	[tilespmem:s21+$0x5A0] =	vst v0  }
0x8c: {  	[tilespmem:s21+$0x5B0] =	vst v0  }
0x8d: {  	[tilespmem:s21+$0x5C0] =	vst v0  }
0x8e: {  	[tilespmem:s21+$0x5D0] =	vst v0  }
0x8f: {  	[tilespmem:s21+$0x5E0] =	vst v0  }
0x90: {  	_ =	swait.ge [sflag:s12], $0x200  }
0x91: {  	[sflag:s12] =	ssyncset.done $0x0  }
0x92: {  	s21 =	simm.s32 $0x0;
	[sflag:s12] =	ssyncadd.s32 $0xFFFFFE00  }
0x93: {  	s22 =	simm.s32 $0x10;
	s23 =	simm.s32 $0x0;
	v5 =	vld [tilespmem:s21+$0x0]  }
.LBB2_4:
0x94: {  	p0 =	sne.s32 s22, $0x70;
	_ =	sdelay $0x3  }
0x95: {  	v6 =	vshll.u32 v5, $0x7  }
0x96: {  	vm0 =	vlt.u32 v5, $0x150;
	v5 =	vadd.s32 s21, v6;
	s21 =	smov.u32 s22  }
0x97: {  	v5 =	vadd.s32 v1, v5;
	_ =	sdelay $0x1  }
.Ltmp1:
0x98: {  	(pc) =	sbr.rel @p0 .LBB2_4-.Ltmp1, $3  }
0x99: {  	_ =	sdelay $0x1  }
0x9a: {  	s23 =	sadd.s32 $0x10, s23;
	[tilespmem:v5+s13+$0x0] =	vst.idx.msk vm0, v2  }
0x9b: {  	s22 =	sadd.s32 $0x10, s22;
	v5 =	vld [tilespmem:s23+$0x0]  }
0x9c: {  	_ =	sdelay $0x3  }
0x9d: {  	v6 =	vshll.u32 v5, $0x7  }
0x9e: {  	vm0 =	vlt.u32 v5, $0x150;
	v5 =	vadd.s32 s21, v6  }
0x9f: {  	v5 =	vadd.s32 v1, v5;
	_ =	sdelay $0x4  }
0xa0: {  	s22 =	simm.s32 $0x0;
	s23 =	simm.s32 $0x1000;
	s21 =	simm.s32 $0x0;
	[tilespmem:v5+s13+$0x0] =	vst.idx.msk vm0, v2  }
0xa1: {  	[hbm4b:s6+s14] =	stream.strided.scatter [tilespmem:s13], [sflag:$0x1], $0xA800, s15, s14, $0x38;
	[tilespmem:$0x1F600] =	vst v63  }
.LBB2_6:
0xa2: {  	p0 =	sne.s32 s23, $0x29000;
	[tilespmem:s22+$0xADF0] =	vst v0  }
0xa3: {  	[tilespmem:s22+$0xAA00] =	vst v0  }
0xa4: {  	[tilespmem:s22+$0xAA10] =	vst v0  }
0xa5: {  	[tilespmem:s22+$0xAA20] =	vst v0  }
0xa6: {  	[tilespmem:s22+$0xAA30] =	vst v0  }
0xa7: {  	[tilespmem:s22+$0xAA40] =	vst v0  }
0xa8: {  	[tilespmem:s22+$0xAA50] =	vst v0  }
0xa9: {  	[tilespmem:s22+$0xAA60] =	vst v0  }
0xaa: {  	[tilespmem:s22+$0xAA70] =	vst v0  }
0xab: {  	[tilespmem:s22+$0xAA80] =	vst v0  }
0xac: {  	[tilespmem:s22+$0xAA90] =	vst v0  }
0xad: {  	[tilespmem:s22+$0xAAA0] =	vst v0  }
0xae: {  	[tilespmem:s22+$0xAAB0] =	vst v0  }
0xaf: {  	[tilespmem:s22+$0xAAC0] =	vst v0  }
0xb0: {  	[tilespmem:s22+$0xAAD0] =	vst v0  }
0xb1: {  	[tilespmem:s22+$0xAAE0] =	vst v0  }
0xb2: {  	[tilespmem:s22+$0xAAF0] =	vst v0  }
0xb3: {  	[tilespmem:s22+$0xAB00] =	vst v0  }
0xb4: {  	[tilespmem:s22+$0xAB10] =	vst v0  }
0xb5: {  	[tilespmem:s22+$0xAB20] =	vst v0  }
0xb6: {  	[tilespmem:s22+$0xAB30] =	vst v0  }
0xb7: {  	[tilespmem:s22+$0xAB40] =	vst v0  }
0xb8: {  	[tilespmem:s22+$0xAB50] =	vst v0  }
0xb9: {  	[tilespmem:s22+$0xAB60] =	vst v0  }
0xba: {  	[tilespmem:s22+$0xAB70] =	vst v0  }
0xbb: {  	[tilespmem:s22+$0xAB80] =	vst v0  }
0xbc: {  	[tilespmem:s22+$0xAB90] =	vst v0  }
0xbd: {  	[tilespmem:s22+$0xABA0] =	vst v0  }
0xbe: {  	[tilespmem:s22+$0xABB0] =	vst v0  }
0xbf: {  	[tilespmem:s22+$0xABC0] =	vst v0  }
0xc0: {  	[tilespmem:s22+$0xABD0] =	vst v0  }
0xc1: {  	[tilespmem:s22+$0xABE0] =	vst v0  }
0xc2: {  	[tilespmem:s22+$0xABF0] =	vst v0  }
0xc3: {  	[tilespmem:s22+$0xAC00] =	vst v0  }
0xc4: {  	[tilespmem:s22+$0xAC10] =	vst v0  }
0xc5: {  	[tilespmem:s22+$0xAC20] =	vst v0  }
0xc6: {  	[tilespmem:s22+$0xAC30] =	vst v0  }
0xc7: {  	[tilespmem:s22+$0xAC40] =	vst v0  }
0xc8: {  	[tilespmem:s22+$0xAC50] =	vst v0  }
0xc9: {  	[tilespmem:s22+$0xAC60] =	vst v0  }
0xca: {  	[tilespmem:s22+$0xAC70] =	vst v0  }
0xcb: {  	[tilespmem:s22+$0xAC80] =	vst v0  }
0xcc: {  	[tilespmem:s22+$0xAC90] =	vst v0  }
0xcd: {  	[tilespmem:s22+$0xACA0] =	vst v0  }
0xce: {  	[tilespmem:s22+$0xACB0] =	vst v0  }
0xcf: {  	[tilespmem:s22+$0xACC0] =	vst v0  }
0xd0: {  	[tilespmem:s22+$0xACD0] =	vst v0  }
0xd1: {  	[tilespmem:s22+$0xACE0] =	vst v0  }
0xd2: {  	[tilespmem:s22+$0xACF0] =	vst v0  }
0xd3: {  	[tilespmem:s22+$0xAD00] =	vst v0  }
0xd4: {  	[tilespmem:s22+$0xAD10] =	vst v0  }
0xd5: {  	[tilespmem:s22+$0xAD20] =	vst v0  }
0xd6: {  	[tilespmem:s22+$0xAD30] =	vst v0  }
0xd7: {  	[tilespmem:s22+$0xAD40] =	vst v0  }
0xd8: {  	[tilespmem:s22+$0xAD50] =	vst v0  }
0xd9: {  	[tilespmem:s22+$0xAD60] =	vst v0  }
0xda: {  	[tilespmem:s22+$0xAD70] =	vst v0  }
0xdb: {  	[tilespmem:s22+$0xAD80] =	vst v0  }
0xdc: {  	[tilespmem:s22+$0xAD90] =	vst v0  }
.Ltmp2:
0xdd: {  	[tilespmem:s22+$0xADA0] =	vst v0;
	(pc) =	sbr.rel @p0 .LBB2_6-.Ltmp2, $4  }
0xde: {  	[tilespmem:s22+$0xADB0] =	vst v0  }
0xdf: {  	[tilespmem:s22+$0xADC0] =	vst v0  }
0xe0: {  	[tilespmem:s22+$0xADD0] =	vst v0  }
0xe1: {  	[tilespmem:s22+$0xADE0] =	vst v0;
	s22 =	sshra.s32 s23, $0x2;
	s23 =	sadd.s32 $0x1000, s23  }
0xe2: {  	[tilespmem:s22+$0xADF0] =	vst v0  }
0xe3: {  	[tilespmem:s22+$0xAA00] =	vst v0  }
0xe4: {  	[tilespmem:s22+$0xAA10] =	vst v0  }
0xe5: {  	[tilespmem:s22+$0xAA20] =	vst v0  }
0xe6: {  	[tilespmem:s22+$0xAA30] =	vst v0  }
0xe7: {  	[tilespmem:s22+$0xAA40] =	vst v0  }
0xe8: {  	[tilespmem:s22+$0xAA50] =	vst v0  }
0xe9: {  	[tilespmem:s22+$0xAA60] =	vst v0  }
0xea: {  	[tilespmem:s22+$0xAA70] =	vst v0  }
0xeb: {  	[tilespmem:s22+$0xAA80] =	vst v0  }
0xec: {  	[tilespmem:s22+$0xAA90] =	vst v0  }
0xed: {  	[tilespmem:s22+$0xAAA0] =	vst v0  }
0xee: {  	[tilespmem:s22+$0xAAB0] =	vst v0  }
0xef: {  	[tilespmem:s22+$0xAAC0] =	vst v0  }
0xf0: {  	[tilespmem:s22+$0xAAD0] =	vst v0  }
0xf1: {  	[tilespmem:s22+$0xAAE0] =	vst v0  }
0xf2: {  	[tilespmem:s22+$0xAAF0] =	vst v0  }
0xf3: {  	[tilespmem:s22+$0xAB00] =	vst v0  }
0xf4: {  	[tilespmem:s22+$0xAB10] =	vst v0  }
0xf5: {  	[tilespmem:s22+$0xAB20] =	vst v0  }
0xf6: {  	[tilespmem:s22+$0xAB30] =	vst v0  }
0xf7: {  	[tilespmem:s22+$0xAB40] =	vst v0  }
0xf8: {  	[tilespmem:s22+$0xAB50] =	vst v0  }
0xf9: {  	[tilespmem:s22+$0xAB60] =	vst v0  }
0xfa: {  	[tilespmem:s22+$0xAB70] =	vst v0  }
0xfb: {  	[tilespmem:s22+$0xAB80] =	vst v0  }
0xfc: {  	[tilespmem:s22+$0xAB90] =	vst v0  }
0xfd: {  	[tilespmem:s22+$0xABA0] =	vst v0  }
0xfe: {  	[tilespmem:s22+$0xABB0] =	vst v0  }
0xff: {  	[tilespmem:s22+$0xABC0] =	vst v0  }
0x100: {  	[tilespmem:s22+$0xABD0] =	vst v0  }
0x101: {  	[tilespmem:s22+$0xABE0] =	vst v0  }
0x102: {  	[tilespmem:s22+$0xABF0] =	vst v0  }
0x103: {  	[tilespmem:s22+$0xAC00] =	vst v0  }
0x104: {  	[tilespmem:s22+$0xAC10] =	vst v0  }
0x105: {  	[tilespmem:s22+$0xAC20] =	vst v0  }
0x106: {  	[tilespmem:s22+$0xAC30] =	vst v0  }
0x107: {  	[tilespmem:s22+$0xAC40] =	vst v0  }
0x108: {  	[tilespmem:s22+$0xAC50] =	vst v0  }
0x109: {  	[tilespmem:s22+$0xAC60] =	vst v0  }
0x10a: {  	[tilespmem:s22+$0xAC70] =	vst v0  }
0x10b: {  	[tilespmem:s22+$0xAC80] =	vst v0  }
0x10c: {  	[tilespmem:s22+$0xAC90] =	vst v0  }
0x10d: {  	[tilespmem:s22+$0xACA0] =	vst v0  }
0x10e: {  	[tilespmem:s22+$0xACB0] =	vst v0  }
0x10f: {  	[tilespmem:s22+$0xACC0] =	vst v0  }
0x110: {  	[tilespmem:s22+$0xACD0] =	vst v0  }
0x111: {  	[tilespmem:s22+$0xACE0] =	vst v0  }
0x112: {  	[tilespmem:s22+$0xACF0] =	vst v0  }
0x113: {  	[tilespmem:s22+$0xAD00] =	vst v0  }
0x114: {  	[tilespmem:s22+$0xAD10] =	vst v0  }
0x115: {  	[tilespmem:s22+$0xAD20] =	vst v0  }
0x116: {  	[tilespmem:s22+$0xAD30] =	vst v0  }
0x117: {  	[tilespmem:s22+$0xAD40] =	vst v0  }
0x118: {  	[tilespmem:s22+$0xAD50] =	vst v0  }
0x119: {  	[tilespmem:s22+$0xAD60] =	vst v0  }
0x11a: {  	[tilespmem:s22+$0xAD70] =	vst v0  }
0x11b: {  	[tilespmem:s22+$0xAD80] =	vst v0  }
0x11c: {  	[tilespmem:s22+$0xAD90] =	vst v0  }
0x11d: {  	[tilespmem:s22+$0xADA0] =	vst v0  }
0x11e: {  	[tilespmem:s22+$0xADB0] =	vst v0  }
0x11f: {  	[tilespmem:s22+$0xADC0] =	vst v0  }
0x120: {  	[tilespmem:s22+$0xADD0] =	vst v0  }
0x121: {  	[tilespmem:s22+$0xADE0] =	vst v0  }
0x122: {  	s22 =	simm.s32 $0x10;
	s23 =	simm.s32 $0x0;
	v5 =	vld [tilespmem:s21+$0x0]  }
.LBB2_8:
0x123: {  	p0 =	sne.s32 s22, $0x70;
	_ =	sdelay $0x3  }
0x124: {  	v6 =	vadd.s32 $0xFFFFFEB0, v5;
	v5 =	vshll.u32 v5, $0x7  }
0x125: {  	vm0 =	vlt.u32 v6, $0x150;
	v5 =	vadd.s32 s21, v5;
	s21 =	smov.u32 s22  }
0x126: {  	v5 =	vadd.s32 v3, v5;
	_ =	sdelay $0x1  }
.Ltmp3:
0x127: {  	(pc) =	sbr.rel @p0 .LBB2_8-.Ltmp3, $3  }
0x128: {  	_ =	sdelay $0x1  }
0x129: {  	s23 =	sadd.s32 $0x10, s23;
	[tilespmem:v5+s16+$0x0] =	vst.idx.msk vm0, v2  }
0x12a: {  	s22 =	sadd.s32 $0x10, s22;
	v5 =	vld [tilespmem:s23+$0x0]  }
0x12b: {  	_ =	sdelay $0x3  }
0x12c: {  	v6 =	vadd.s32 $0xFFFFFEB0, v5;
	v5 =	vshll.u32 v5, $0x7  }
0x12d: {  	vm0 =	vlt.u32 v6, $0x150;
	v5 =	vadd.s32 s21, v5  }
0x12e: {  	v5 =	vadd.s32 v3, v5;
	_ =	sdelay $0x4  }
0x12f: {  	s22 =	simm.s32 $0x0;
	s23 =	simm.s32 $0x1000;
	s21 =	simm.s32 $0x0;
	[tilespmem:v5+s16+$0x0] =	vst.idx.msk vm0, v2  }
0x130: {  	[hbm4b:s9+s14] =	stream.strided.scatter [tilespmem:s16], [sflag:$0x2], $0xA800, s15, s14, $0x38;
	[tilespmem:$0x1F600] =	vst v63  }
.LBB2_10:
0x131: {  	p0 =	sne.s32 s23, $0x28000;
	[tilespmem:s22+$0x155F0] =	vst v0  }
0x132: {  	[tilespmem:s22+$0x15200] =	vst v0  }
0x133: {  	[tilespmem:s22+$0x15210] =	vst v0  }
0x134: {  	[tilespmem:s22+$0x15220] =	vst v0  }
0x135: {  	[tilespmem:s22+$0x15230] =	vst v0  }
0x136: {  	[tilespmem:s22+$0x15240] =	vst v0  }
0x137: {  	[tilespmem:s22+$0x15250] =	vst v0  }
0x138: {  	[tilespmem:s22+$0x15260] =	vst v0  }
0x139: {  	[tilespmem:s22+$0x15270] =	vst v0  }
0x13a: {  	[tilespmem:s22+$0x15280] =	vst v0  }
0x13b: {  	[tilespmem:s22+$0x15290] =	vst v0  }
0x13c: {  	[tilespmem:s22+$0x152A0] =	vst v0  }
0x13d: {  	[tilespmem:s22+$0x152B0] =	vst v0  }
0x13e: {  	[tilespmem:s22+$0x152C0] =	vst v0  }
0x13f: {  	[tilespmem:s22+$0x152D0] =	vst v0  }
0x140: {  	[tilespmem:s22+$0x152E0] =	vst v0  }
0x141: {  	[tilespmem:s22+$0x152F0] =	vst v0  }
0x142: {  	[tilespmem:s22+$0x15300] =	vst v0  }
0x143: {  	[tilespmem:s22+$0x15310] =	vst v0  }
0x144: {  	[tilespmem:s22+$0x15320] =	vst v0  }
0x145: {  	[tilespmem:s22+$0x15330] =	vst v0  }
0x146: {  	[tilespmem:s22+$0x15340] =	vst v0  }
0x147: {  	[tilespmem:s22+$0x15350] =	vst v0  }
0x148: {  	[tilespmem:s22+$0x15360] =	vst v0  }
0x149: {  	[tilespmem:s22+$0x15370] =	vst v0  }
0x14a: {  	[tilespmem:s22+$0x15380] =	vst v0  }
0x14b: {  	[tilespmem:s22+$0x15390] =	vst v0  }
0x14c: {  	[tilespmem:s22+$0x153A0] =	vst v0  }
0x14d: {  	[tilespmem:s22+$0x153B0] =	vst v0  }
0x14e: {  	[tilespmem:s22+$0x153C0] =	vst v0  }
0x14f: {  	[tilespmem:s22+$0x153D0] =	vst v0  }
0x150: {  	[tilespmem:s22+$0x153E0] =	vst v0  }
0x151: {  	[tilespmem:s22+$0x153F0] =	vst v0  }
0x152: {  	[tilespmem:s22+$0x15400] =	vst v0  }
0x153: {  	[tilespmem:s22+$0x15410] =	vst v0  }
0x154: {  	[tilespmem:s22+$0x15420] =	vst v0  }
0x155: {  	[tilespmem:s22+$0x15430] =	vst v0  }
0x156: {  	[tilespmem:s22+$0x15440] =	vst v0  }
0x157: {  	[tilespmem:s22+$0x15450] =	vst v0  }
0x158: {  	[tilespmem:s22+$0x15460] =	vst v0  }
0x159: {  	[tilespmem:s22+$0x15470] =	vst v0  }
0x15a: {  	[tilespmem:s22+$0x15480] =	vst v0  }
0x15b: {  	[tilespmem:s22+$0x15490] =	vst v0  }
0x15c: {  	[tilespmem:s22+$0x154A0] =	vst v0  }
0x15d: {  	[tilespmem:s22+$0x154B0] =	vst v0  }
0x15e: {  	[tilespmem:s22+$0x154C0] =	vst v0  }
0x15f: {  	[tilespmem:s22+$0x154D0] =	vst v0  }
0x160: {  	[tilespmem:s22+$0x154E0] =	vst v0  }
0x161: {  	[tilespmem:s22+$0x154F0] =	vst v0  }
0x162: {  	[tilespmem:s22+$0x15500] =	vst v0  }
0x163: {  	[tilespmem:s22+$0x15510] =	vst v0  }
0x164: {  	[tilespmem:s22+$0x15520] =	vst v0  }
0x165: {  	[tilespmem:s22+$0x15530] =	vst v0  }
0x166: {  	[tilespmem:s22+$0x15540] =	vst v0  }
0x167: {  	[tilespmem:s22+$0x15550] =	vst v0  }
0x168: {  	[tilespmem:s22+$0x15560] =	vst v0  }
0x169: {  	[tilespmem:s22+$0x15570] =	vst v0  }
0x16a: {  	[tilespmem:s22+$0x15580] =	vst v0  }
0x16b: {  	[tilespmem:s22+$0x15590] =	vst v0  }
.Ltmp4:
0x16c: {  	[tilespmem:s22+$0x155A0] =	vst v0;
	(pc) =	sbr.rel @p0 .LBB2_10-.Ltmp4, $4  }
0x16d: {  	[tilespmem:s22+$0x155B0] =	vst v0  }
0x16e: {  	[tilespmem:s22+$0x155C0] =	vst v0  }
0x16f: {  	[tilespmem:s22+$0x155D0] =	vst v0  }
0x170: {  	[tilespmem:s22+$0x155E0] =	vst v0;
	s22 =	sshra.s32 s23, $0x2;
	s23 =	sadd.s32 $0x1000, s23  }
0x171: {  	[tilespmem:s22+$0x155F0] =	vst v0  }
0x172: {  	[tilespmem:s22+$0x15200] =	vst v0  }
0x173: {  	[tilespmem:s22+$0x15210] =	vst v0  }
0x174: {  	[tilespmem:s22+$0x15220] =	vst v0  }
0x175: {  	[tilespmem:s22+$0x15230] =	vst v0  }
0x176: {  	[tilespmem:s22+$0x15240] =	vst v0  }
0x177: {  	[tilespmem:s22+$0x15250] =	vst v0  }
0x178: {  	[tilespmem:s22+$0x15260] =	vst v0  }
0x179: {  	[tilespmem:s22+$0x15270] =	vst v0  }
0x17a: {  	[tilespmem:s22+$0x15280] =	vst v0  }
0x17b: {  	[tilespmem:s22+$0x15290] =	vst v0  }
0x17c: {  	[tilespmem:s22+$0x152A0] =	vst v0  }
0x17d: {  	[tilespmem:s22+$0x152B0] =	vst v0  }
0x17e: {  	[tilespmem:s22+$0x152C0] =	vst v0  }
0x17f: {  	[tilespmem:s22+$0x152D0] =	vst v0  }
0x180: {  	[tilespmem:s22+$0x152E0] =	vst v0  }
0x181: {  	[tilespmem:s22+$0x152F0] =	vst v0  }
0x182: {  	[tilespmem:s22+$0x15300] =	vst v0  }
0x183: {  	[tilespmem:s22+$0x15310] =	vst v0  }
0x184: {  	[tilespmem:s22+$0x15320] =	vst v0  }
0x185: {  	[tilespmem:s22+$0x15330] =	vst v0  }
0x186: {  	[tilespmem:s22+$0x15340] =	vst v0  }
0x187: {  	[tilespmem:s22+$0x15350] =	vst v0  }
0x188: {  	[tilespmem:s22+$0x15360] =	vst v0  }
0x189: {  	[tilespmem:s22+$0x15370] =	vst v0  }
0x18a: {  	[tilespmem:s22+$0x15380] =	vst v0  }
0x18b: {  	[tilespmem:s22+$0x15390] =	vst v0  }
0x18c: {  	[tilespmem:s22+$0x153A0] =	vst v0  }
0x18d: {  	[tilespmem:s22+$0x153B0] =	vst v0  }
0x18e: {  	[tilespmem:s22+$0x153C0] =	vst v0  }
0x18f: {  	[tilespmem:s22+$0x153D0] =	vst v0  }
0x190: {  	[tilespmem:s22+$0x153E0] =	vst v0  }
0x191: {  	[tilespmem:s22+$0x153F0] =	vst v0  }
0x192: {  	[tilespmem:s22+$0x15400] =	vst v0  }
0x193: {  	[tilespmem:s22+$0x15410] =	vst v0  }
0x194: {  	[tilespmem:s22+$0x15420] =	vst v0  }
0x195: {  	[tilespmem:s22+$0x15430] =	vst v0  }
0x196: {  	[tilespmem:s22+$0x15440] =	vst v0  }
0x197: {  	[tilespmem:s22+$0x15450] =	vst v0  }
0x198: {  	[tilespmem:s22+$0x15460] =	vst v0  }
0x199: {  	[tilespmem:s22+$0x15470] =	vst v0  }
0x19a: {  	[tilespmem:s22+$0x15480] =	vst v0  }
0x19b: {  	[tilespmem:s22+$0x15490] =	vst v0  }
0x19c: {  	[tilespmem:s22+$0x154A0] =	vst v0  }
0x19d: {  	[tilespmem:s22+$0x154B0] =	vst v0  }
0x19e: {  	[tilespmem:s22+$0x154C0] =	vst v0  }
0x19f: {  	[tilespmem:s22+$0x154D0] =	vst v0  }
0x1a0: {  	[tilespmem:s22+$0x154E0] =	vst v0  }
0x1a1: {  	[tilespmem:s22+$0x154F0] =	vst v0  }
0x1a2: {  	[tilespmem:s22+$0x15500] =	vst v0  }
0x1a3: {  	[tilespmem:s22+$0x15510] =	vst v0  }
0x1a4: {  	[tilespmem:s22+$0x15520] =	vst v0  }
0x1a5: {  	[tilespmem:s22+$0x15530] =	vst v0  }
0x1a6: {  	[tilespmem:s22+$0x15540] =	vst v0  }
0x1a7: {  	[tilespmem:s22+$0x15550] =	vst v0  }
0x1a8: {  	[tilespmem:s22+$0x15560] =	vst v0  }
0x1a9: {  	[tilespmem:s22+$0x15570] =	vst v0  }
0x1aa: {  	[tilespmem:s22+$0x15580] =	vst v0  }
0x1ab: {  	[tilespmem:s22+$0x15590] =	vst v0  }
0x1ac: {  	[tilespmem:s22+$0x155A0] =	vst v0  }
0x1ad: {  	[tilespmem:s22+$0x155B0] =	vst v0  }
0x1ae: {  	[tilespmem:s22+$0x155C0] =	vst v0  }
0x1af: {  	[tilespmem:s22+$0x155D0] =	vst v0  }
0x1b0: {  	[tilespmem:s22+$0x155E0] =	vst v0  }
0x1b1: {  	s22 =	simm.s32 $0x10;
	s23 =	simm.s32 $0x0;
	v5 =	vld [tilespmem:s21+$0x0]  }
.LBB2_12:
0x1b2: {  	p0 =	sne.s32 s22, $0x70;
	_ =	sdelay $0x3  }
0x1b3: {  	v6 =	vadd.s32 $0xFFFFFD60, v5;
	v5 =	vshll.u32 v5, $0x7  }
0x1b4: {  	vm0 =	vlt.u32 v6, $0x148;
	v5 =	vadd.s32 s21, v5;
	s21 =	smov.u32 s22  }
0x1b5: {  	v5 =	vadd.s32 v4, v5;
	_ =	sdelay $0x1  }
.Ltmp5:
0x1b6: {  	(pc) =	sbr.rel @p0 .LBB2_12-.Ltmp5, $3  }
0x1b7: {  	_ =	sdelay $0x1  }
0x1b8: {  	s23 =	sadd.s32 $0x10, s23;
	[tilespmem:v5+s17+$0x0] =	vst.idx.msk vm0, v2  }
0x1b9: {  	s22 =	sadd.s32 $0x10, s22;
	v5 =	vld [tilespmem:s23+$0x0]  }
0x1ba: {  	_ =	sdelay $0x3  }
0x1bb: {  	v6 =	vadd.s32 $0xFFFFFD60, v5;
	v5 =	vshll.u32 v5, $0x7  }
0x1bc: {  	vm0 =	vlt.u32 v6, $0x148;
	v5 =	vadd.s32 s21, v5  }
0x1bd: {  	v5 =	vadd.s32 v4, v5;
	_ =	sdelay $0x4  }
0x1be: {  	s22 =	simm.s32 $0x0;
	s23 =	simm.s32 $0x80;
	s21 =	simm.s32 $0x1;
	[tilespmem:v5+s17+$0x0] =	vst.idx.msk vm0, v2  }
0x1bf: {  	[hbm4b:s10+s14] =	stream.strided.scatter [tilespmem:s17], [sflag:$0x3], $0xA400, s15, s14, $0x38;
	[tilespmem:$0x1F600] =	vst v63  }
.LBB2_14:
0x1c0: {  	_ =	swait.ge [sflag:s12], $0xA800  }
0x1c1: {  	[sflag:s12] =	ssyncset.done $0x0  }
0x1c2: {  	s24 =	smov.u32 s22;
	s25 =	simm.s32 $0x0;
	[sflag:s12] =	ssyncadd.s32 $0xFFFF5800  }
.LBB2_15:
0x1c3: {  	v5 =	vld [tilespmem:s24+$0x0];
	_ =	sdelay $0x4  }
0x1c4: {  	v6 =	vshll.u32 v5, $0x7  }
0x1c5: {  	vm0 =	vlt.u32 v5, $0x150;
	v5 =	vadd.s32 s25, v6  }
0x1c6: {  	p0 =	sne.s32 s25, $0x70;
	v5 =	vadd.s32 v1, v5  }
.Ltmp6:
0x1c7: {  	_ = 	snop;
	(pc) =	sbr.rel @p0 .LBB2_15-.Ltmp6, $2  }
0x1c8: {  	_ =	sdelay $0x2  }
0x1c9: {  	s24 =	sadd.s32 $0x10, s24;
	s25 =	sadd.s32 $0x10, s25;
	[tilespmem:v5+s13+$0x0] =	vst.idx.msk vm0, v0  }
0x1ca: {  	s24 =	simm.s32 $0x0;
	v5 =	vld [tilespmem:s23+$0x0];
	s25 =	simm.s32 $0x10;
	s26 =	smov.u32 s23  }
.LBB2_17:
0x1cb: {  	p0 =	sne.s32 s25, $0x70;
	_ =	sdelay $0x3  }
0x1cc: {  	v6 =	vshll.u32 v5, $0x7  }
0x1cd: {  	vm0 =	vlt.u32 v5, $0x150;
	v5 =	vadd.s32 s24, v6;
	s24 =	smov.u32 s25  }
0x1ce: {  	v5 =	vadd.s32 v1, v5;
	_ =	sdelay $0x1  }
.Ltmp7:
0x1cf: {  	(pc) =	sbr.rel @p0 .LBB2_17-.Ltmp7, $3  }
0x1d0: {  	_ =	sdelay $0x1  }
0x1d1: {  	s26 =	sadd.s32 $0x10, s26;
	[tilespmem:v5+s13+$0x0] =	vst.idx.msk vm0, v2  }
0x1d2: {  	s25 =	sadd.s32 $0x10, s25;
	v5 =	vld [tilespmem:s26+$0x0]  }
0x1d3: {  	_ =	sdelay $0x3  }
0x1d4: {  	v6 =	vshll.u32 v5, $0x7  }
0x1d5: {  	vm0 =	vlt.u32 v5, $0x150;
	v5 =	vadd.s32 s24, v6  }
0x1d6: {  	v5 =	vadd.s32 v1, v5;
	_ =	sdelay $0x2  }
0x1d7: {  	s31 =	sshll.u32 s21, $0x7  }
0x1d8: {  	s24 =	sadd.s32 s5, s31  }
0x1d9: {  	s25 =	sadd.s32 s2, s24;
	[tilespmem:v5+s13+$0x0] =	vst.idx.msk vm0, v2  }
0x1da: {  	[hbm4b:s25+s14] =	stream.strided.scatter [tilespmem:s13], [sflag:$0x1], $0xA800, s15, s14, $0x38;
	[tilespmem:$0x1F600] =	vst v63  }
0x1db: {  	_ =	swait.ge [sflag:s18], $0xA800  }
0x1dc: {  	[sflag:s18] =	ssyncset.done $0x0  }
0x1dd: {  	s28 =	simm.s32 $0x10;
	[sflag:s18] =	ssyncadd.s32 $0xFFFF5800  }
0x1de: {  	s26 =	simm.s32 $0x0;
	s29 =	smov.u32 s22;
	s25 =	simm.s32 $0x0;
	v5 =	vld [tilespmem:s22+$0x0]  }
.LBB2_19:
0x1df: {  	p0 =	sne.s32 s28, $0x70;
	_ =	sdelay $0x3  }
0x1e0: {  	v6 =	vadd.s32 $0xFFFFFEB0, v5;
	v5 =	vshll.u32 v5, $0x7  }
0x1e1: {  	vm0 =	vlt.u32 v6, $0x150;
	v5 =	vadd.s32 s26, v5;
	s26 =	smov.u32 s28  }
0x1e2: {  	v5 =	vadd.s32 v3, v5;
	_ =	sdelay $0x1  }
.Ltmp8:
0x1e3: {  	(pc) =	sbr.rel @p0 .LBB2_19-.Ltmp8, $3  }
0x1e4: {  	_ =	sdelay $0x1  }
0x1e5: {  	s29 =	sadd.s32 $0x10, s29;
	[tilespmem:v5+s16+$0x0] =	vst.idx.msk vm0, v0  }
0x1e6: {  	s28 =	sadd.s32 $0x10, s28;
	v5 =	vld [tilespmem:s29+$0x0]  }
0x1e7: {  	_ =	sdelay $0x3  }
0x1e8: {  	v6 =	vadd.s32 $0xFFFFFEB0, v5;
	v5 =	vshll.u32 v5, $0x7  }
0x1e9: {  	vm0 =	vlt.u32 v6, $0x150;
	v5 =	vadd.s32 s26, v5  }
0x1ea: {  	v5 =	vadd.s32 v3, v5;
	_ =	sdelay $0x4  }
0x1eb: {  	[tilespmem:v5+s16+$0x0] =	vst.idx.msk vm0, v0  }
0x1ec: {  	s28 =	smov.u32 s23;
	s26 =	simm.s32 $0x10;
	v5 =	vld [tilespmem:s23+$0x0]  }
.LBB2_21:
0x1ed: {  	p0 =	sne.s32 s26, $0x70;
	_ =	sdelay $0x3  }
0x1ee: {  	v6 =	vadd.s32 $0xFFFFFEB0, v5;
	v5 =	vshll.u32 v5, $0x7  }
0x1ef: {  	vm0 =	vlt.u32 v6, $0x150;
	v5 =	vadd.s32 s25, v5;
	s25 =	smov.u32 s26  }
0x1f0: {  	v5 =	vadd.s32 v3, v5;
	_ =	sdelay $0x1  }
.Ltmp9:
0x1f1: {  	(pc) =	sbr.rel @p0 .LBB2_21-.Ltmp9, $3  }
0x1f2: {  	_ =	sdelay $0x1  }
0x1f3: {  	s28 =	sadd.s32 $0x10, s28;
	[tilespmem:v5+s16+$0x0] =	vst.idx.msk vm0, v2  }
0x1f4: {  	s26 =	sadd.s32 $0x10, s26;
	v5 =	vld [tilespmem:s28+$0x0]  }
0x1f5: {  	_ =	sdelay $0x3  }
0x1f6: {  	v6 =	vadd.s32 $0xFFFFFEB0, v5;
	v5 =	vshll.u32 v5, $0x7  }
0x1f7: {  	vm0 =	vlt.u32 v6, $0x150;
	v5 =	vadd.s32 s25, v5  }
0x1f8: {  	v5 =	vadd.s32 v3, v5;
	_ =	sdelay $0x4  }
0x1f9: {  	s31 =	sadd.s32 s24, s7;
	[tilespmem:v5+s16+$0x0] =	vst.idx.msk vm0, v2  }
0x1fa: {  	[hbm4b:s31+s14] =	stream.strided.scatter [tilespmem:s16], [sflag:$0x2], $0xA800, s15, s14, $0x38;
	[tilespmem:$0x1F600] =	vst v63  }
0x1fb: {  	_ =	swait.ge [sflag:s19], $0xA400  }
0x1fc: {  	[sflag:s19] =	ssyncset.done $0x0  }
0x1fd: {  	s28 =	simm.s32 $0x10;
	[sflag:s19] =	ssyncadd.s32 $0xFFFF5C00  }
0x1fe: {  	s26 =	simm.s32 $0x0;
	s29 =	smov.u32 s22;
	s25 =	simm.s32 $0x0;
	v5 =	vld [tilespmem:s22+$0x0]  }
.LBB2_23:
0x1ff: {  	p0 =	sne.s32 s28, $0x70;
	_ =	sdelay $0x3  }
0x200: {  	v6 =	vadd.s32 $0xFFFFFD60, v5;
	v5 =	vshll.u32 v5, $0x7  }
0x201: {  	vm0 =	vlt.u32 v6, $0x148;
	v5 =	vadd.s32 s26, v5;
	s26 =	smov.u32 s28  }
0x202: {  	v5 =	vadd.s32 v4, v5;
	_ =	sdelay $0x1  }
.Ltmp10:
0x203: {  	(pc) =	sbr.rel @p0 .LBB2_23-.Ltmp10, $3  }
0x204: {  	_ =	sdelay $0x1  }
0x205: {  	s29 =	sadd.s32 $0x10, s29;
	[tilespmem:v5+s17+$0x0] =	vst.idx.msk vm0, v0  }
0x206: {  	s28 =	sadd.s32 $0x10, s28;
	v5 =	vld [tilespmem:s29+$0x0]  }
0x207: {  	_ =	sdelay $0x3  }
0x208: {  	v6 =	vadd.s32 $0xFFFFFD60, v5;
	v5 =	vshll.u32 v5, $0x7  }
0x209: {  	vm0 =	vlt.u32 v6, $0x148;
	v5 =	vadd.s32 s26, v5  }
0x20a: {  	v5 =	vadd.s32 v4, v5;
	_ =	sdelay $0x4  }
0x20b: {  	[tilespmem:v5+s17+$0x0] =	vst.idx.msk vm0, v0  }
0x20c: {  	s28 =	smov.u32 s23;
	s26 =	simm.s32 $0x10;
	v5 =	vld [tilespmem:s23+$0x0]  }
.LBB2_25:
0x20d: {  	p0 =	sne.s32 s26, $0x70;
	_ =	sdelay $0x3  }
0x20e: {  	v6 =	vadd.s32 $0xFFFFFD60, v5;
	v5 =	vshll.u32 v5, $0x7  }
0x20f: {  	vm0 =	vlt.u32 v6, $0x148;
	v5 =	vadd.s32 s25, v5;
	s25 =	smov.u32 s26  }
0x210: {  	v5 =	vadd.s32 v4, v5;
	_ =	sdelay $0x1  }
.Ltmp11:
0x211: {  	(pc) =	sbr.rel @p0 .LBB2_25-.Ltmp11, $3  }
0x212: {  	_ =	sdelay $0x1  }
0x213: {  	s28 =	sadd.s32 $0x10, s28;
	[tilespmem:v5+s17+$0x0] =	vst.idx.msk vm0, v2  }
0x214: {  	s26 =	sadd.s32 $0x10, s26;
	v5 =	vld [tilespmem:s28+$0x0]  }
0x215: {  	_ =	sdelay $0x3  }
0x216: {  	v6 =	vadd.s32 $0xFFFFFD60, v5;
	v5 =	vshll.u32 v5, $0x7  }
0x217: {  	vm0 =	vlt.u32 v6, $0x148;
	v5 =	vadd.s32 s25, v5  }
0x218: {  	s21 =	sadd.s32 $0x1, s21;
	v5 =	vadd.s32 v4, v5  }
0x219: {  	p0 =	sne.s32 s21, $0x4  }
.Ltmp12:
0x21a: {  	_ = 	snop;
	(pc) =	sbr.rel @p0 .LBB2_14-.Ltmp12, $3  }
0x21b: {  	_ =	sdelay $0x1  }
0x21c: {  	s24 =	sadd.s32 s24, s8;
	s22 =	sadd.s32 $0x80, s22;
	s23 =	sadd.s32 $0x80, s23;
	[tilespmem:v5+s17+$0x0] =	vst.idx.msk vm0, v2  }
0x21d: {  	[hbm4b:s24+s14] =	stream.strided.scatter [tilespmem:s17], [sflag:$0x3], $0xA400, s15, s14, $0x38;
	[tilespmem:$0x1F600] =	vst v63  }
0x21e: {  	_ =	swait.ge [sflag:s12], $0xA800  }
0x21f: {  	[sflag:s12] =	ssyncset.done $0x0  }
0x220: {  	s20 =	sadd.s32 $0x1, s20;
	[sflag:s12] =	ssyncadd.s32 $0xFFFF5800  }
0x221: {  	p0 =	sne.s32 s20, s11;
	_ =	swait.ge [sflag:s18], $0xA800  }
.Ltmp13:
0x222: {  	[sflag:s18] =	ssyncset.done $0x0;
	(pc) =	sbr.rel @p0 .LBB2_1-.Ltmp13, $4  }
0x223: {  	[sflag:s18] =	ssyncadd.s32 $0xFFFF5800  }
0x224: {  	_ =	swait.ge [sflag:s19], $0xA400  }
0x225: {  	[sflag:s19] =	ssyncset.done $0x0  }
0x226: {  	[sflag:s19] =	ssyncadd.s32 $0xFFFF5C00  }
0x227: {  	_ =	sfence.sel $0x180000  }
0x228: {  	[bflag:$0x0] =	sbarrier.arrive $0xFFFF  }
0x229: {  	p0 =	sne.s32 s1, $0x0;
	_ =	strace $0x90000047  }
0x22a: {  	s0 =	sadd.s32 @!p0 $0x100000, s0;
	[bflag:$0x2] =	sbarrier.arrive $0xFFFF  }
0x22b: {  	[sflag:s0] =	ssyncadd.tile.s32 @!p0 $0x1;
	_ =	shalt  }
.Lfunc_end2:
_tile_overlayer_lowered:
.L_overlay_start_2:
0x22c: {  	(tag) =	ssettag $0x2  }
0x22d: {  	s0 =	rddreg [dreg:$0x0];
	s2 =	stileid.u32  }
0x22e: {  	s1 =	rddreg [dreg:$0x1];
	p0 =	sne.s32 s2, $0x0  }
0x22f: {  	s3 =	rddreg [dreg:$0x2];
	[bflag:$0x3] =	sbarrier.arrive $0xFFFF;
	s2 =	simm.s32 @!p0 $0x1C04  }
0x230: {  	[timem:s3], [sflag:s2] =	dma.local @!p0 [hbm:s0], s1  }
0x231: {  	s0 =	simm.s32 @!p0 $0x4  }
0x232: {  	_ =	swait.ge @!p0 [sflag:s0], s1  }
0x233: {  	s1 =	ssub.s32 @!p0 $0x0, s1;
	[sflag:s0] =	ssyncset.done @!p0 $0x0  }
0x234: {  	[sflag:s0] =	ssyncadd.s32 @!p0 s1  }
0x235: {  	[bflag:$0x3] =	sbarrier.arrive $0xFFFF  }
0x236: {  	_ =	shalt  }

</sc_bundles>
